<compile_context>
chip_gen: v7x
topology: tpu7x:2x2x1
jax: 0.10.2.dev20260603
libtpu: 0.0.44.dev20260713+nightly
codegen_flags: <defaults>
</compile_context>

<pallas_src>
import functools

import jax
import jax.numpy as jnp
from jax import lax
from jax.experimental import pallas as pl
from jax.experimental.pallas import tpu as pltpu
from jax.experimental.pallas import tpu_sc as plsc

N = 10000
E = 160000
D = 256
DH = 128
NC = 2
NS = 16
NACC = 10112
RPT = NACC // NS
C1 = 40
EPAD1 = NC * NS * C1 * 128
C2 = 80
EPAD2 = NS * C2 * 128

_mesh = plsc.VectorSubcoreMesh(
    core_axis_name="c", subcore_axis_name="s", num_cores=NC, num_subcores=NS)


@functools.partial(
    pl.kernel,
    out_type=(jax.ShapeDtypeStruct((NACC, 128), jnp.float32),
              jax.ShapeDtypeStruct((NACC, 128), jnp.float32)),
    mesh=_mesh,
    scratch_types=[
        pltpu.VMEM((C1, 128), jnp.int32),
        pltpu.VMEM((128, 128), jnp.float32),
        pltpu.VMEM_SHARED((NACC, 128), jnp.float32),
        pltpu.SemaphoreType.DMA,
    ],
)
def _sc_hist(col2d, ones_hbm, zeros16, deg_a, deg_b, idx_v, ones_v, acc, sem):
    c = lax.axis_index("c")
    s = lax.axis_index("s")
    w = s * NC + c
    pltpu.sync_copy(col2d.at[pl.ds(w * C1, C1)], idx_v)
    pltpu.sync_copy(ones_hbm, ones_v)
    pltpu.sync_copy(zeros16.at[pl.ds(s * RPT, RPT)], acc.at[pl.ds(s * RPT, RPT)])
    plsc.subcore_barrier()

    def body(gg, carry):
        for f in range(8):
            pltpu.async_copy(ones_v, acc.at[idx_v.at[gg * 8 + f]], sem, add=True)
        for f in range(8):
            pltpu.make_async_copy(ones_v, acc.at[idx_v.at[0]], sem).wait()
        return carry

    lax.fori_loop(0, C1 // 8, body, 0)
    plsc.subcore_barrier()

    @pl.when(c == 0)
    def _():
        pltpu.sync_copy(acc.at[pl.ds(s * RPT, RPT)], deg_a.at[pl.ds(s * RPT, RPT)])

    @pl.when(c == 1)
    def _():
        pltpu.sync_copy(acc.at[pl.ds(s * RPT, RPT)], deg_b.at[pl.ds(s * RPT, RPT)])


@functools.partial(
    pl.kernel,
    out_type=(jax.ShapeDtypeStruct((NACC, DH), jnp.float32),
              jax.ShapeDtypeStruct((NACC, DH), jnp.float32)),
    mesh=_mesh,
    scratch_types=[
        pltpu.VMEM((48, 128), jnp.int32),
        pltpu.VMEM((48, 128), jnp.int32),
        pltpu.VMEM((128, DH), jnp.float32),
        pltpu.VMEM((128, DH), jnp.float32),
        pltpu.VMEM_SHARED((NACC, DH), jnp.float32),
        pltpu.SemaphoreType.DMA,
        pltpu.SemaphoreType.DMA,
    ],
)
def _sc_scatter(row2d, col2d, h_a, h_b, s_a, s_b,
                rowv, colv, buf0, buf1, acc, sem0, sem1):
    c = lax.axis_index("c")
    s = lax.axis_index("s")
    @pl.when(c == 0)
    def _():
        pltpu.sync_copy(h_a.at[pl.ds(s * RPT, RPT)], acc.at[pl.ds(s * RPT, RPT)])

    @pl.when(c == 1)
    def _():
        pltpu.sync_copy(h_b.at[pl.ds(s * RPT, RPT)], acc.at[pl.ds(s * RPT, RPT)])

    plsc.subcore_barrier()

    def _edge_loop(h_tab):
        def fire_gather(kk, buf, sem):
            for i in range(4):
                pltpu.async_copy(
                    h_tab.at[rowv.at[kk, pl.ds(32 * i, 32)]],
                    buf.at[pl.ds(32 * i, 32)], sem)

        def wait_gather(buf, sem):
            pltpu.make_async_copy(h_tab.at[rowv.at[0]], buf, sem).wait()

        def half(h0, g):
            pltpu.sync_copy(row2d.at[pl.ds(s * C2 + h0, g)], rowv.at[pl.ds(0, g)])
            pltpu.sync_copy(col2d.at[pl.ds(s * C2 + h0, g)], colv.at[pl.ds(0, g)])
            fire_gather(0, buf0, sem0)

            def body(j2, carry):
                k = 2 * j2
                fire_gather(k + 1, buf1, sem1)
                wait_gather(buf0, sem0)
                pltpu.sync_copy(buf0, acc.at[colv.at[k]], add=True)

                @pl.when(k + 2 < g)
                def _():
                    fire_gather(k + 2, buf0, sem0)

                wait_gather(buf1, sem1)
                pltpu.sync_copy(buf1, acc.at[colv.at[k + 1]], add=True)
                return carry

            lax.fori_loop(0, g // 2, body, 0)

        half(0, 40)
        half(40, 40)

    @pl.when(c == 0)
    def _():
        _edge_loop(h_a)

    @pl.when(c == 1)
    def _():
        _edge_loop(h_b)

    plsc.subcore_barrier()

    @pl.when(c == 0)
    def _():
        pltpu.sync_copy(acc.at[pl.ds(s * RPT, RPT)], s_a.at[pl.ds(s * RPT, RPT)])

    @pl.when(c == 1)
    def _():
        pltpu.sync_copy(acc.at[pl.ds(s * RPT, RPT)], s_b.at[pl.ds(s * RPT, RPT)])


BN = 1000


def _tc_prep_body(x_ref, wt_ref, da_ref, db_ref, ha_ref, hb_ref, dinv_ref):
    deg = da_ref[:, 0:1] + db_ref[:, 0:1] + 1.0
    dinv = lax.rsqrt(deg)
    h = jnp.dot(x_ref[...], wt_ref[...],
                preferred_element_type=jnp.float32,
                precision=lax.Precision.HIGHEST)
    hp = h * dinv
    ha_ref[...] = hp[:, :DH]
    hb_ref[...] = hp[:, DH:]
    dinv_ref[...] = dinv


def _tc_prep(x, wt, deg_a, deg_b):
    grid = (N // BN,)
    return pl.pallas_call(
        _tc_prep_body,
        grid=grid,
        in_specs=[
            pl.BlockSpec((BN, D), lambda i: (i, 0)),
            pl.BlockSpec((D, D), lambda i: (0, 0)),
            pl.BlockSpec((BN, 128), lambda i: (i, 0)),
            pl.BlockSpec((BN, 128), lambda i: (i, 0)),
        ],
        out_specs=[
            pl.BlockSpec((BN, DH), lambda i: (i, 0)),
            pl.BlockSpec((BN, DH), lambda i: (i, 0)),
            pl.BlockSpec((BN, 1), lambda i: (i, 0)),
        ],
        out_shape=[
            jax.ShapeDtypeStruct((N, DH), jnp.float32),
            jax.ShapeDtypeStruct((N, DH), jnp.float32),
            jax.ShapeDtypeStruct((N, 1), jnp.float32),
        ],
    )(x, wt, deg_a, deg_b)


def _tc_out_body(sa_ref, sb_ref, dinv_ref, b_ref, o_ref):
    s = jnp.concatenate([sa_ref[...], sb_ref[...]], axis=1)
    o_ref[...] = s * dinv_ref[:, 0:1] + b_ref[...]


def _tc_out(s_a, s_b, dinv, bias):
    grid = (N // BN,)
    return pl.pallas_call(
        _tc_out_body,
        grid=grid,
        in_specs=[
            pl.BlockSpec((BN, DH), lambda i: (i, 0)),
            pl.BlockSpec((BN, DH), lambda i: (i, 0)),
            pl.BlockSpec((BN, 1), lambda i: (i, 0)),
            pl.BlockSpec((1, D), lambda i: (0, 0)),
        ],
        out_specs=pl.BlockSpec((BN, D), lambda i: (i, 0)),
        out_shape=jax.ShapeDtypeStruct((N, D), jnp.float32),
    )(s_a, s_b, dinv, bias)


def kernel(x, edge_index, edge_weight, weights, W, b, selected_idx):
    row = edge_index[0].astype(jnp.int32)
    col = edge_index[1].astype(jnp.int32)

    col1 = jnp.concatenate(
        [col, jnp.full((EPAD1 - E,), N, jnp.int32)]).reshape(EPAD1 // 128, 128)
    rowf = jnp.concatenate(
        [row, jnp.zeros((EPAD2 - E,), jnp.int32)]).reshape(EPAD2 // 128, 128)
    colf = jnp.concatenate(
        [col, N + jnp.arange(EPAD2 - E, dtype=jnp.int32) % (NACC - N)]
    ).reshape(EPAD2 // 128, 128)

    ones16 = jnp.ones((128, 128), jnp.float32)
    zeros16 = jnp.zeros((NACC, 128), jnp.float32)

    deg_a, deg_b = _sc_hist(col1, ones16, zeros16)
    h_a, h_b, dinv = _tc_prep(x, W.T, deg_a[:N], deg_b[:N])
    pad = ((0, NACC - N), (0, 0))
    s_a, s_b = _sc_scatter(rowf, colf, jnp.pad(h_a, pad), jnp.pad(h_b, pad))
    return _tc_out(s_a[:N], s_b[:N], dinv, b.reshape(1, D))

# --- scband reference (transcript-rebuilt; emitter-appended) ---
"""Pipeline reference for scband-mixed-op-25400436589267 (READ-ONLY COPY).

The authoritative reference and input builder live on the scoring server;
editing this copy changes nothing except your own understanding.
"""

import jax, jax.numpy as jnp
import numpy as np

N = 10000
E = 160000
D_IN = 256
D_OUT = 256


def setup_inputs(seed: int = 0) -> dict:
    key = jax.random.key(seed)
    k1, k2, k3, k4, k5 = jax.random.split(key, 5)
    x = jax.random.normal(k1, (N, D_IN), dtype=jnp.float32)
    edge_index = jax.random.randint(k2, (2, E), 0, N, dtype=jnp.int32)
    edge_weight = jax.random.uniform(k3, (E,), dtype=jnp.float32)
    weights = jax.random.uniform(k4, (5,), dtype=jnp.float32)
    # GCNConv internal Linear (no bias inside lin; bias added after aggregation)
    limit = (6.0 / (D_IN + D_OUT)) ** 0.5
    W = jax.random.uniform(k5, (D_OUT, D_IN), minval=-limit, maxval=limit, dtype=jnp.float32)
    b = jnp.zeros((D_OUT,), dtype=jnp.float32)
    return {"x": x, "edge_index": edge_index, "edge_weight": edge_weight,
            "weights": weights, "W": W, "b": b, "selected_idx": 1}


def reference(x, edge_index, edge_weight, weights, W, b, selected_idx):
    # MixedOp with selected_idx=1 dispatches to self._ops[1] = GCNConv(add_self_loops=True,
    # normalize=True), called as op(x, edge_index) (edge_weight is NOT forwarded on this path).
    n = x.shape[0]
    row = edge_index[0]
    col = edge_index[1]
    # add self loops with fill_value=1
    loop = jnp.arange(n, dtype=row.dtype)
    row = jnp.concatenate([row, loop])
    col = jnp.concatenate([col, loop])
    ew = jnp.ones(row.shape[0], dtype=x.dtype)
    # symmetric gcn normalization: deg over destination (col)
    deg = jax.ops.segment_sum(ew, col, num_segments=n)
    dinv = jnp.where(deg > 0, deg ** -0.5, 0.0)
    norm = dinv[row] * ew * dinv[col]
    # linear transform then message passing (gather from row, scatter-add to col)
    h = x @ W.T
    msg = norm[:, None] * jnp.take(h, row, axis=0)
    out = jax.ops.segment_sum(msg, col, num_segments=n)
    out = out + b
    return out

if __name__ == "__main__":
    import jax
    _d = setup_inputs()
    print(jax.jit(kernel)(*tuple(_d.values())))

</pallas_src>

<mosaic_0001>
#map = affine_map<(d0, d1) -> (0, 0)>
module attributes {stable_mosaic.version = 14 : i64} {
  func.func @_sc_hist(%arg0: i32, %arg1: i32, %arg2: memref<1280x128xi32, #tpu.memory_space<hbm>>, %arg3: memref<128x128xf32, #tpu.memory_space<hbm>>, %arg4: memref<10112x128xf32, #tpu.memory_space<hbm>>, %arg5: memref<10112x128xf32, #tpu.memory_space<hbm>>, %arg6: memref<10112x128xf32, #tpu.memory_space<hbm>>, %arg7: memref<40x128xi32, #tpu.memory_space<vmem>>, %arg8: memref<128x128xf32, #tpu.memory_space<vmem>>, %arg9: memref<10112x128xf32, #tpu.memory_space<vmem_shared>>, %arg10: memref<!tpu.dma_semaphore, #tpu.memory_space<semaphore_mem>>) attributes {dimension_semantics = [#tpu.dimension_semantics<core_parallel>, #tpu.dimension_semantics<subcore_parallel>], iteration_bounds = array<i64: 2, 16>, scalar_prefetch = 0 : i64, scratch_operands = 4 : i64, tpu.core_type = #tpu.core_type<sc_vector_subcore>, window_params = [{transform_indices = #map}, {transform_indices = #map}, {transform_indices = #map}, {transform_indices = #map}, {transform_indices = #map}]} {
    %mul3A = arith.constant 2 : i32
    %mul3A_0 = arith.muli %arg1, %mul3A : i32
    %add3A = arith.addi %mul3A_0, %arg0 : i32
    %mul3A_1 = arith.constant 40 : i32
    %mul3A_2 = arith.muli %add3A, %mul3A_1 : i32
    "tpu.region"() ({
      %run_scoped3A = tpu.sem_alloc : memref<!tpu.dma_semaphore, #tpu.memory_space<semaphore_mem>>
      %dma_start3A = arith.constant 0 : i32
      %dma_start3A_20 = tpu.memref_slice %arg2[%mul3A_2, %dma_start3A] : memref<1280x128xi32, #tpu.memory_space<hbm>> -> memref<40x128xi32, #tpu.memory_space<hbm>>
      %dma_start3A_21 = arith.constant 0 : i32
      %dma_start3A_22 = tpu.memref_slice %arg2[%mul3A_2, %dma_start3A_21] : memref<1280x128xi32, #tpu.memory_space<hbm>> -> memref<40x128xi32, #tpu.memory_space<hbm>>
      tpu.enqueue_dma source(%dma_start3A_22 : memref<40x128xi32, #tpu.memory_space<hbm>>) target(%arg7 : memref<40x128xi32, #tpu.memory_space<vmem>>) target_semaphore(%run_scoped3A : memref<!tpu.dma_semaphore, #tpu.memory_space<semaphore_mem>>)
      %dma_wait3A = arith.constant 0 : i32
      %dma_wait3A_23 = tpu.memref_slice %arg2[%mul3A_2, %dma_wait3A] : memref<1280x128xi32, #tpu.memory_space<hbm>> -> memref<40x128xi32, #tpu.memory_space<hbm>>
      %dma_wait3A_24 = arith.constant 0 : i32
      %dma_wait3A_25 = tpu.memref_slice %arg2[%mul3A_2, %dma_wait3A_24] : memref<1280x128xi32, #tpu.memory_space<hbm>> -> memref<40x128xi32, #tpu.memory_space<hbm>>
      tpu.wait_dma2 semaphore(%run_scoped3A : memref<!tpu.dma_semaphore, #tpu.memory_space<semaphore_mem>>) src(%dma_wait3A_25 : memref<40x128xi32, #tpu.memory_space<hbm>>) dst(%arg7 : memref<40x128xi32, #tpu.memory_space<vmem>>)
      tpu.yield
    }) : () -> ()
    "tpu.region"() ({
      %run_scoped3A = tpu.sem_alloc : memref<!tpu.dma_semaphore, #tpu.memory_space<semaphore_mem>>
      tpu.enqueue_dma source(%arg3 : memref<128x128xf32, #tpu.memory_space<hbm>>) target(%arg8 : memref<128x128xf32, #tpu.memory_space<vmem>>) target_semaphore(%run_scoped3A : memref<!tpu.dma_semaphore, #tpu.memory_space<semaphore_mem>>)
      tpu.wait_dma2 semaphore(%run_scoped3A : memref<!tpu.dma_semaphore, #tpu.memory_space<semaphore_mem>>) src(%arg3 : memref<128x128xf32, #tpu.memory_space<hbm>>) dst(%arg8 : memref<128x128xf32, #tpu.memory_space<vmem>>)
      tpu.yield
    }) : () -> ()
    %mul3A_3 = arith.constant 632 : i32
    %mul3A_4 = arith.muli %arg1, %mul3A_3 : i32
    %mul3A_5 = arith.constant 632 : i32
    %mul3A_6 = arith.muli %arg1, %mul3A_5 : i32
    "tpu.region"() ({
      %run_scoped3A = tpu.sem_alloc : memref<!tpu.dma_semaphore, #tpu.memory_space<semaphore_mem>>
      %dma_start3A = arith.constant 0 : i32
      %dma_start3A_20 = tpu.memref_slice %arg9[%mul3A_6, %dma_start3A] : memref<10112x128xf32, #tpu.memory_space<vmem_shared>> -> memref<632x128xf32, #tpu.memory_space<vmem_shared>>
      %dma_start3A_21 = arith.constant 0 : i32
      %dma_start3A_22 = tpu.memref_slice %arg4[%mul3A_4, %dma_start3A_21] : memref<10112x128xf32, #tpu.memory_space<hbm>> -> memref<632x128xf32, #tpu.memory_space<hbm>>
      tpu.enqueue_dma source(%dma_start3A_22 : memref<632x128xf32, #tpu.memory_space<hbm>>) target(%dma_start3A_20 : memref<632x128xf32, #tpu.memory_space<vmem_shared>>) target_semaphore(%run_scoped3A : memref<!tpu.dma_semaphore, #tpu.memory_space<semaphore_mem>>)
      %dma_wait3A = arith.constant 0 : i32
      %dma_wait3A_23 = tpu.memref_slice %arg9[%mul3A_6, %dma_wait3A] : memref<10112x128xf32, #tpu.memory_space<vmem_shared>> -> memref<632x128xf32, #tpu.memory_space<vmem_shared>>
      %dma_wait3A_24 = arith.constant 0 : i32
      %dma_wait3A_25 = tpu.memref_slice %arg4[%mul3A_4, %dma_wait3A_24] : memref<10112x128xf32, #tpu.memory_space<hbm>> -> memref<632x128xf32, #tpu.memory_space<hbm>>
      tpu.wait_dma2 semaphore(%run_scoped3A : memref<!tpu.dma_semaphore, #tpu.memory_space<semaphore_mem>>) src(%dma_wait3A_25 : memref<632x128xf32, #tpu.memory_space<hbm>>) dst(%dma_wait3A_23 : memref<632x128xf32, #tpu.memory_space<vmem_shared>>)
      tpu.yield
    }) : () -> ()
    %barrier3A = arith.constant 0 : index
    tpu.barrier barrier_id(%barrier3A)
    %scan3A = arith.constant 0 : i32
    %scan3A_7 = arith.constant 0 : i32
    %scan3A_8 = arith.constant 5 : i32
    %scan3A_9 = arith.addi %scan3A_7, %scan3A_8 : i32
    %scan3A_10 = arith.constant 1 : i32
    scf.for %scan3A_20 = %scan3A_7 to %scan3A_9 step %scan3A_10  : i32 {
      %mul3A_21 = arith.constant 8 : i32
      %mul3A_22 = arith.muli %scan3A_20, %mul3A_21 : i32
      %add3A_23 = arith.constant 0 : i32
      %add3A_24 = arith.addi %mul3A_22, %add3A_23 : i32
      %dma_start3A = arith.constant 0 : i32
      %dma_start3A_25 = tpu.memref_slice %arg7[%add3A_24, %dma_start3A] : memref<40x128xi32, #tpu.memory_space<vmem>> -> memref<1x128xi32, #tpu.memory_space<vmem>>
      %dma_start3A_26 = tpu.memref_squeeze %dma_start3A_25 : memref<1x128xi32, #tpu.memory_space<vmem>> -> memref<128xi32, #tpu.memory_space<vmem>>
      %dma_start3A_27 = arith.constant 0 : i32
      %dma_start3A_28 = arith.constant 0 : i32
      %dma_start3A_29 = tpu.memref_slice %arg9[%dma_start3A_27, %dma_start3A_28] : memref<10112x128xf32, #tpu.memory_space<vmem_shared>> -> memref<10112x128xf32, #tpu.memory_space<vmem_shared>>
      tpu.enqueue_indirect_dma source(%arg8 : memref<128x128xf32, #tpu.memory_space<vmem>>) target(%dma_start3A_29 : memref<10112x128xf32, #tpu.memory_space<vmem_shared>>) offsets(%dma_start3A_26 : memref<128xi32, #tpu.memory_space<vmem>>) semaphore(%arg10 : memref<!tpu.dma_semaphore, #tpu.memory_space<semaphore_mem>>) {add = true}
      %mul3A_30 = arith.constant 8 : i32
      %mul3A_31 = arith.muli %scan3A_20, %mul3A_30 : i32
      %add3A_32 = arith.constant 1 : i32
      %add3A_33 = arith.addi %mul3A_31, %add3A_32 : i32
      %dma_start3A_34 = arith.constant 0 : i32
      %dma_start3A_35 = tpu.memref_slice %arg7[%add3A_33, %dma_start3A_34] : memref<40x128xi32, #tpu.memory_space<vmem>> -> memref<1x128xi32, #tpu.memory_space<vmem>>
      %dma_start3A_36 = tpu.memref_squeeze %dma_start3A_35 : memref<1x128xi32, #tpu.memory_space<vmem>> -> memref<128xi32, #tpu.memory_space<vmem>>
      %dma_start3A_37 = arith.constant 0 : i32
      %dma_start3A_38 = arith.constant 0 : i32
      %dma_start3A_39 = tpu.memref_slice %arg9[%dma_start3A_37, %dma_start3A_38] : memref<10112x128xf32, #tpu.memory_space<vmem_shared>> -> memref<10112x128xf32, #tpu.memory_space<vmem_shared>>
      tpu.enqueue_indirect_dma source(%arg8 : memref<128x128xf32, #tpu.memory_space<vmem>>) target(%dma_start3A_39 : memref<10112x128xf32, #tpu.memory_space<vmem_shared>>) offsets(%dma_start3A_36 : memref<128xi32, #tpu.memory_space<vmem>>) semaphore(%arg10 : memref<!tpu.dma_semaphore, #tpu.memory_space<semaphore_mem>>) {add = true}
      %mul3A_40 = arith.constant 8 : i32
      %mul3A_41 = arith.muli %scan3A_20, %mul3A_40 : i32
      %add3A_42 = arith.constant 2 : i32
      %add3A_43 = arith.addi %mul3A_41, %add3A_42 : i32
      %dma_start3A_44 = arith.constant 0 : i32
      %dma_start3A_45 = tpu.memref_slice %arg7[%add3A_43, %dma_start3A_44] : memref<40x128xi32, #tpu.memory_space<vmem>> -> memref<1x128xi32, #tpu.memory_space<vmem>>
      %dma_start3A_46 = tpu.memref_squeeze %dma_start3A_45 : memref<1x128xi32, #tpu.memory_space<vmem>> -> memref<128xi32, #tpu.memory_space<vmem>>
      %dma_start3A_47 = arith.constant 0 : i32
      %dma_start3A_48 = arith.constant 0 : i32
      %dma_start3A_49 = tpu.memref_slice %arg9[%dma_start3A_47, %dma_start3A_48] : memref<10112x128xf32, #tpu.memory_space<vmem_shared>> -> memref<10112x128xf32, #tpu.memory_space<vmem_shared>>
      tpu.enqueue_indirect_dma source(%arg8 : memref<128x128xf32, #tpu.memory_space<vmem>>) target(%dma_start3A_49 : memref<10112x128xf32, #tpu.memory_space<vmem_shared>>) offsets(%dma_start3A_46 : memref<128xi32, #tpu.memory_space<vmem>>) semaphore(%arg10 : memref<!tpu.dma_semaphore, #tpu.memory_space<semaphore_mem>>) {add = true}
      %mul3A_50 = arith.constant 8 : i32
      %mul3A_51 = arith.muli %scan3A_20, %mul3A_50 : i32
      %add3A_52 = arith.constant 3 : i32
      %add3A_53 = arith.addi %mul3A_51, %add3A_52 : i32
      %dma_start3A_54 = arith.constant 0 : i32
      %dma_start3A_55 = tpu.memref_slice %arg7[%add3A_53, %dma_start3A_54] : memref<40x128xi32, #tpu.memory_space<vmem>> -> memref<1x128xi32, #tpu.memory_space<vmem>>
      %dma_start3A_56 = tpu.memref_squeeze %dma_start3A_55 : memref<1x128xi32, #tpu.memory_space<vmem>> -> memref<128xi32, #tpu.memory_space<vmem>>
      %dma_start3A_57 = arith.constant 0 : i32
      %dma_start3A_58 = arith.constant 0 : i32
      %dma_start3A_59 = tpu.memref_slice %arg9[%dma_start3A_57, %dma_start3A_58] : memref<10112x128xf32, #tpu.memory_space<vmem_shared>> -> memref<10112x128xf32, #tpu.memory_space<vmem_shared>>
      tpu.enqueue_indirect_dma source(%arg8 : memref<128x128xf32, #tpu.memory_space<vmem>>) target(%dma_start3A_59 : memref<10112x128xf32, #tpu.memory_space<vmem_shared>>) offsets(%dma_start3A_56 : memref<128xi32, #tpu.memory_space<vmem>>) semaphore(%arg10 : memref<!tpu.dma_semaphore, #tpu.memory_space<semaphore_mem>>) {add = true}
      %mul3A_60 = arith.constant 8 : i32
      %mul3A_61 = arith.muli %scan3A_20, %mul3A_60 : i32
      %add3A_62 = arith.constant 4 : i32
      %add3A_63 = arith.addi %mul3A_61, %add3A_62 : i32
      %dma_start3A_64 = arith.constant 0 : i32
      %dma_start3A_65 = tpu.memref_slice %arg7[%add3A_63, %dma_start3A_64] : memref<40x128xi32, #tpu.memory_space<vmem>> -> memref<1x128xi32, #tpu.memory_space<vmem>>
      %dma_start3A_66 = tpu.memref_squeeze %dma_start3A_65 : memref<1x128xi32, #tpu.memory_space<vmem>> -> memref<128xi32, #tpu.memory_space<vmem>>
      %dma_start3A_67 = arith.constant 0 : i32
      %dma_start3A_68 = arith.constant 0 : i32
      %dma_start3A_69 = tpu.memref_slice %arg9[%dma_start3A_67, %dma_start3A_68] : memref<10112x128xf32, #tpu.memory_space<vmem_shared>> -> memref<10112x128xf32, #tpu.memory_space<vmem_shared>>
      tpu.enqueue_indirect_dma source(%arg8 : memref<128x128xf32, #tpu.memory_space<vmem>>) target(%dma_start3A_69 : memref<10112x128xf32, #tpu.memory_space<vmem_shared>>) offsets(%dma_start3A_66 : memref<128xi32, #tpu.memory_space<vmem>>) semaphore(%arg10 : memref<!tpu.dma_semaphore, #tpu.memory_space<semaphore_mem>>) {add = true}
      %mul3A_70 = arith.constant 8 : i32
      %mul3A_71 = arith.muli %scan3A_20, %mul3A_70 : i32
      %add3A_72 = arith.constant 5 : i32
      %add3A_73 = arith.addi %mul3A_71, %add3A_72 : i32
      %dma_start3A_74 = arith.constant 0 : i32
      %dma_start3A_75 = tpu.memref_slice %arg7[%add3A_73, %dma_start3A_74] : memref<40x128xi32, #tpu.memory_space<vmem>> -> memref<1x128xi32, #tpu.memory_space<vmem>>
      %dma_start3A_76 = tpu.memref_squeeze %dma_start3A_75 : memref<1x128xi32, #tpu.memory_space<vmem>> -> memref<128xi32, #tpu.memory_space<vmem>>
      %dma_start3A_77 = arith.constant 0 : i32
      %dma_start3A_78 = arith.constant 0 : i32
      %dma_start3A_79 = tpu.memref_slice %arg9[%dma_start3A_77, %dma_start3A_78] : memref<10112x128xf32, #tpu.memory_space<vmem_shared>> -> memref<10112x128xf32, #tpu.memory_space<vmem_shared>>
      tpu.enqueue_indirect_dma source(%arg8 : memref<128x128xf32, #tpu.memory_space<vmem>>) target(%dma_start3A_79 : memref<10112x128xf32, #tpu.memory_space<vmem_shared>>) offsets(%dma_start3A_76 : memref<128xi32, #tpu.memory_space<vmem>>) semaphore(%arg10 : memref<!tpu.dma_semaphore, #tpu.memory_space<semaphore_mem>>) {add = true}
      %mul3A_80 = arith.constant 8 : i32
      %mul3A_81 = arith.muli %scan3A_20, %mul3A_80 : i32
      %add3A_82 = arith.constant 6 : i32
      %add3A_83 = arith.addi %mul3A_81, %add3A_82 : i32
      %dma_start3A_84 = arith.constant 0 : i32
      %dma_start3A_85 = tpu.memref_slice %arg7[%add3A_83, %dma_start3A_84] : memref<40x128xi32, #tpu.memory_space<vmem>> -> memref<1x128xi32, #tpu.memory_space<vmem>>
      %dma_start3A_86 = tpu.memref_squeeze %dma_start3A_85 : memref<1x128xi32, #tpu.memory_space<vmem>> -> memref<128xi32, #tpu.memory_space<vmem>>
      %dma_start3A_87 = arith.constant 0 : i32
      %dma_start3A_88 = arith.constant 0 : i32
      %dma_start3A_89 = tpu.memref_slice %arg9[%dma_start3A_87, %dma_start3A_88] : memref<10112x128xf32, #tpu.memory_space<vmem_shared>> -> memref<10112x128xf32, #tpu.memory_space<vmem_shared>>
      tpu.enqueue_indirect_dma source(%arg8 : memref<128x128xf32, #tpu.memory_space<vmem>>) target(%dma_start3A_89 : memref<10112x128xf32, #tpu.memory_space<vmem_shared>>) offsets(%dma_start3A_86 : memref<128xi32, #tpu.memory_space<vmem>>) semaphore(%arg10 : memref<!tpu.dma_semaphore, #tpu.memory_space<semaphore_mem>>) {add = true}
      %mul3A_90 = arith.constant 8 : i32
      %mul3A_91 = arith.muli %scan3A_20, %mul3A_90 : i32
      %add3A_92 = arith.constant 7 : i32
      %add3A_93 = arith.addi %mul3A_91, %add3A_92 : i32
      %dma_start3A_94 = arith.constant 0 : i32
      %dma_start3A_95 = tpu.memref_slice %arg7[%add3A_93, %dma_start3A_94] : memref<40x128xi32, #tpu.memory_space<vmem>> -> memref<1x128xi32, #tpu.memory_space<vmem>>
      %dma_start3A_96 = tpu.memref_squeeze %dma_start3A_95 : memref<1x128xi32, #tpu.memory_space<vmem>> -> memref<128xi32, #tpu.memory_space<vmem>>
      %dma_start3A_97 = arith.constant 0 : i32
      %dma_start3A_98 = arith.constant 0 : i32
      %dma_start3A_99 = tpu.memref_slice %arg9[%dma_start3A_97, %dma_start3A_98] : memref<10112x128xf32, #tpu.memory_space<vmem_shared>> -> memref<10112x128xf32, #tpu.memory_space<vmem_shared>>
      tpu.enqueue_indirect_dma source(%arg8 : memref<128x128xf32, #tpu.memory_space<vmem>>) target(%dma_start3A_99 : memref<10112x128xf32, #tpu.memory_space<vmem_shared>>) offsets(%dma_start3A_96 : memref<128xi32, #tpu.memory_space<vmem>>) semaphore(%arg10 : memref<!tpu.dma_semaphore, #tpu.memory_space<semaphore_mem>>) {add = true}
      %dma_wait3A = arith.constant 0 : i32
      %dma_wait3A_100 = arith.constant 0 : i32
      %dma_wait3A_101 = tpu.memref_slice %arg7[%dma_wait3A, %dma_wait3A_100] : memref<40x128xi32, #tpu.memory_space<vmem>> -> memref<1x128xi32, #tpu.memory_space<vmem>>
      %dma_wait3A_102 = tpu.memref_squeeze %dma_wait3A_101 : memref<1x128xi32, #tpu.memory_space<vmem>> -> memref<128xi32, #tpu.memory_space<vmem>>
      %dma_wait3A_103 = arith.constant 0 : i32
      %dma_wait3A_104 = arith.constant 0 : i32
      %dma_wait3A_105 = tpu.memref_slice %arg9[%dma_wait3A_103, %dma_wait3A_104] : memref<10112x128xf32, #tpu.memory_space<vmem_shared>> -> memref<10112x128xf32, #tpu.memory_space<vmem_shared>>
      tpu.wait_indirect_dma semaphore(%arg10 : memref<!tpu.dma_semaphore, #tpu.memory_space<semaphore_mem>>) src(%arg8 : memref<128x128xf32, #tpu.memory_space<vmem>>) dst(%dma_wait3A_105 : memref<10112x128xf32, #tpu.memory_space<vmem_shared>>)
      %dma_wait3A_106 = arith.constant 0 : i32
      %dma_wait3A_107 = arith.constant 0 : i32
      %dma_wait3A_108 = tpu.memref_slice %arg7[%dma_wait3A_106, %dma_wait3A_107] : memref<40x128xi32, #tpu.memory_space<vmem>> -> memref<1x128xi32, #tpu.memory_space<vmem>>
      %dma_wait3A_109 = tpu.memref_squeeze %dma_wait3A_108 : memref<1x128xi32, #tpu.memory_space<vmem>> -> memref<128xi32, #tpu.memory_space<vmem>>
      %dma_wait3A_110 = arith.constant 0 : i32
      %dma_wait3A_111 = arith.constant 0 : i32
      %dma_wait3A_112 = tpu.memref_slice %arg9[%dma_wait3A_110, %dma_wait3A_111] : memref<10112x128xf32, #tpu.memory_space<vmem_shared>> -> memref<10112x128xf32, #tpu.memory_space<vmem_shared>>
      tpu.wait_indirect_dma semaphore(%arg10 : memref<!tpu.dma_semaphore, #tpu.memory_space<semaphore_mem>>) src(%arg8 : memref<128x128xf32, #tpu.memory_space<vmem>>) dst(%dma_wait3A_112 : memref<10112x128xf32, #tpu.memory_space<vmem_shared>>)
      %dma_wait3A_113 = arith.constant 0 : i32
      %dma_wait3A_114 = arith.constant 0 : i32
      %dma_wait3A_115 = tpu.memref_slice %arg7[%dma_wait3A_113, %dma_wait3A_114] : memref<40x128xi32, #tpu.memory_space<vmem>> -> memref<1x128xi32, #tpu.memory_space<vmem>>
      %dma_wait3A_116 = tpu.memref_squeeze %dma_wait3A_115 : memref<1x128xi32, #tpu.memory_space<vmem>> -> memref<128xi32, #tpu.memory_space<vmem>>
      %dma_wait3A_117 = arith.constant 0 : i32
      %dma_wait3A_118 = arith.constant 0 : i32
      %dma_wait3A_119 = tpu.memref_slice %arg9[%dma_wait3A_117, %dma_wait3A_118] : memref<10112x128xf32, #tpu.memory_space<vmem_shared>> -> memref<10112x128xf32, #tpu.memory_space<vmem_shared>>
      tpu.wait_indirect_dma semaphore(%arg10 : memref<!tpu.dma_semaphore, #tpu.memory_space<semaphore_mem>>) src(%arg8 : memref<128x128xf32, #tpu.memory_space<vmem>>) dst(%dma_wait3A_119 : memref<10112x128xf32, #tpu.memory_space<vmem_shared>>)
      %dma_wait3A_120 = arith.constant 0 : i32
      %dma_wait3A_121 = arith.constant 0 : i32
      %dma_wait3A_122 = tpu.memref_slice %arg7[%dma_wait3A_120, %dma_wait3A_121] : memref<40x128xi32, #tpu.memory_space<vmem>> -> memref<1x128xi32, #tpu.memory_space<vmem>>
      %dma_wait3A_123 = tpu.memref_squeeze %dma_wait3A_122 : memref<1x128xi32, #tpu.memory_space<vmem>> -> memref<128xi32, #tpu.memory_space<vmem>>
      %dma_wait3A_124 = arith.constant 0 : i32
      %dma_wait3A_125 = arith.constant 0 : i32
      %dma_wait3A_126 = tpu.memref_slice %arg9[%dma_wait3A_124, %dma_wait3A_125] : memref<10112x128xf32, #tpu.memory_space<vmem_shared>> -> memref<10112x128xf32, #tpu.memory_space<vmem_shared>>
      tpu.wait_indirect_dma semaphore(%arg10 : memref<!tpu.dma_semaphore, #tpu.memory_space<semaphore_mem>>) src(%arg8 : memref<128x128xf32, #tpu.memory_space<vmem>>) dst(%dma_wait3A_126 : memref<10112x128xf32, #tpu.memory_space<vmem_shared>>)
      %dma_wait3A_127 = arith.constant 0 : i32
      %dma_wait3A_128 = arith.constant 0 : i32
      %dma_wait3A_129 = tpu.memref_slice %arg7[%dma_wait3A_127, %dma_wait3A_128] : memref<40x128xi32, #tpu.memory_space<vmem>> -> memref<1x128xi32, #tpu.memory_space<vmem>>
      %dma_wait3A_130 = tpu.memref_squeeze %dma_wait3A_129 : memref<1x128xi32, #tpu.memory_space<vmem>> -> memref<128xi32, #tpu.memory_space<vmem>>
      %dma_wait3A_131 = arith.constant 0 : i32
      %dma_wait3A_132 = arith.constant 0 : i32
      %dma_wait3A_133 = tpu.memref_slice %arg9[%dma_wait3A_131, %dma_wait3A_132] : memref<10112x128xf32, #tpu.memory_space<vmem_shared>> -> memref<10112x128xf32, #tpu.memory_space<vmem_shared>>
      tpu.wait_indirect_dma semaphore(%arg10 : memref<!tpu.dma_semaphore, #tpu.memory_space<semaphore_mem>>) src(%arg8 : memref<128x128xf32, #tpu.memory_space<vmem>>) dst(%dma_wait3A_133 : memref<10112x128xf32, #tpu.memory_space<vmem_shared>>)
      %dma_wait3A_134 = arith.constant 0 : i32
      %dma_wait3A_135 = arith.constant 0 : i32
      %dma_wait3A_136 = tpu.memref_slice %arg7[%dma_wait3A_134, %dma_wait3A_135] : memref<40x128xi32, #tpu.memory_space<vmem>> -> memref<1x128xi32, #tpu.memory_space<vmem>>
      %dma_wait3A_137 = tpu.memref_squeeze %dma_wait3A_136 : memref<1x128xi32, #tpu.memory_space<vmem>> -> memref<128xi32, #tpu.memory_space<vmem>>
      %dma_wait3A_138 = arith.constant 0 : i32
      %dma_wait3A_139 = arith.constant 0 : i32
      %dma_wait3A_140 = tpu.memref_slice %arg9[%dma_wait3A_138, %dma_wait3A_139] : memref<10112x128xf32, #tpu.memory_space<vmem_shared>> -> memref<10112x128xf32, #tpu.memory_space<vmem_shared>>
      tpu.wait_indirect_dma semaphore(%arg10 : memref<!tpu.dma_semaphore, #tpu.memory_space<semaphore_mem>>) src(%arg8 : memref<128x128xf32, #tpu.memory_space<vmem>>) dst(%dma_wait3A_140 : memref<10112x128xf32, #tpu.memory_space<vmem_shared>>)
      %dma_wait3A_141 = arith.constant 0 : i32
      %dma_wait3A_142 = arith.constant 0 : i32
      %dma_wait3A_143 = tpu.memref_slice %arg7[%dma_wait3A_141, %dma_wait3A_142] : memref<40x128xi32, #tpu.memory_space<vmem>> -> memref<1x128xi32, #tpu.memory_space<vmem>>
      %dma_wait3A_144 = tpu.memref_squeeze %dma_wait3A_143 : memref<1x128xi32, #tpu.memory_space<vmem>> -> memref<128xi32, #tpu.memory_space<vmem>>
      %dma_wait3A_145 = arith.constant 0 : i32
      %dma_wait3A_146 = arith.constant 0 : i32
      %dma_wait3A_147 = tpu.memref_slice %arg9[%dma_wait3A_145, %dma_wait3A_146] : memref<10112x128xf32, #tpu.memory_space<vmem_shared>> -> memref<10112x128xf32, #tpu.memory_space<vmem_shared>>
      tpu.wait_indirect_dma semaphore(%arg10 : memref<!tpu.dma_semaphore, #tpu.memory_space<semaphore_mem>>) src(%arg8 : memref<128x128xf32, #tpu.memory_space<vmem>>) dst(%dma_wait3A_147 : memref<10112x128xf32, #tpu.memory_space<vmem_shared>>)
      %dma_wait3A_148 = arith.constant 0 : i32
      %dma_wait3A_149 = arith.constant 0 : i32
      %dma_wait3A_150 = tpu.memref_slice %arg7[%dma_wait3A_148, %dma_wait3A_149] : memref<40x128xi32, #tpu.memory_space<vmem>> -> memref<1x128xi32, #tpu.memory_space<vmem>>
      %dma_wait3A_151 = tpu.memref_squeeze %dma_wait3A_150 : memref<1x128xi32, #tpu.memory_space<vmem>> -> memref<128xi32, #tpu.memory_space<vmem>>
      %dma_wait3A_152 = arith.constant 0 : i32
      %dma_wait3A_153 = arith.constant 0 : i32
      %dma_wait3A_154 = tpu.memref_slice %arg9[%dma_wait3A_152, %dma_wait3A_153] : memref<10112x128xf32, #tpu.memory_space<vmem_shared>> -> memref<10112x128xf32, #tpu.memory_space<vmem_shared>>
      tpu.wait_indirect_dma semaphore(%arg10 : memref<!tpu.dma_semaphore, #tpu.memory_space<semaphore_mem>>) src(%arg8 : memref<128x128xf32, #tpu.memory_space<vmem>>) dst(%dma_wait3A_154 : memref<10112x128xf32, #tpu.memory_space<vmem_shared>>)
    }
    %scan3A_11 = arith.constant 5 : i32
    %barrier3A_12 = arith.constant 0 : index
    tpu.barrier barrier_id(%barrier3A_12)
    %eq3A = arith.constant 0 : i32
    %eq3A_13 = arith.cmpi eq, %arg0, %eq3A : i32
    %convert_element_type3A = arith.extui %eq3A_13 : i1 to i32
    %cond3A = arith.constant 0 : i32
    %cond3A_14 = arith.cmpi ne, %convert_element_type3A, %cond3A : i32
    scf.if %cond3A_14 {
      %mul3A_20 = arith.constant 632 : i32
      %mul3A_21 = arith.muli %arg1, %mul3A_20 : i32
      %mul3A_22 = arith.constant 632 : i32
      %mul3A_23 = arith.muli %arg1, %mul3A_22 : i32
      "tpu.region"() ({
        %run_scoped3A = tpu.sem_alloc : memref<!tpu.dma_semaphore, #tpu.memory_space<semaphore_mem>>
        %dma_start3A = arith.constant 0 : i32
        %dma_start3A_24 = tpu.memref_slice %arg5[%mul3A_23, %dma_start3A] : memref<10112x128xf32, #tpu.memory_space<hbm>> -> memref<632x128xf32, #tpu.memory_space<hbm>>
        %dma_start3A_25 = arith.constant 0 : i32
        %dma_start3A_26 = tpu.memref_slice %arg9[%mul3A_21, %dma_start3A_25] : memref<10112x128xf32, #tpu.memory_space<vmem_shared>> -> memref<632x128xf32, #tpu.memory_space<vmem_shared>>
        tpu.enqueue_dma source(%dma_start3A_26 : memref<632x128xf32, #tpu.memory_space<vmem_shared>>) target(%dma_start3A_24 : memref<632x128xf32, #tpu.memory_space<hbm>>) target_semaphore(%run_scoped3A : memref<!tpu.dma_semaphore, #tpu.memory_space<semaphore_mem>>)
        %dma_wait3A = arith.constant 0 : i32
        %dma_wait3A_27 = tpu.memref_slice %arg5[%mul3A_23, %dma_wait3A] : memref<10112x128xf32, #tpu.memory_space<hbm>> -> memref<632x128xf32, #tpu.memory_space<hbm>>
        %dma_wait3A_28 = arith.constant 0 : i32
        %dma_wait3A_29 = tpu.memref_slice %arg9[%mul3A_21, %dma_wait3A_28] : memref<10112x128xf32, #tpu.memory_space<vmem_shared>> -> memref<632x128xf32, #tpu.memory_space<vmem_shared>>
        tpu.wait_dma2 semaphore(%run_scoped3A : memref<!tpu.dma_semaphore, #tpu.memory_space<semaphore_mem>>) src(%dma_wait3A_29 : memref<632x128xf32, #tpu.memory_space<vmem_shared>>) dst(%dma_wait3A_27 : memref<632x128xf32, #tpu.memory_space<hbm>>)
        tpu.yield
      }) : () -> ()
    } else {
    }
    %eq3A_15 = arith.constant 1 : i32
    %eq3A_16 = arith.cmpi eq, %arg0, %eq3A_15 : i32
    %convert_element_type3A_17 = arith.extui %eq3A_16 : i1 to i32
    %cond3A_18 = arith.constant 0 : i32
    %cond3A_19 = arith.cmpi ne, %convert_element_type3A_17, %cond3A_18 : i32
    scf.if %cond3A_19 {
      %mul3A_20 = arith.constant 632 : i32
      %mul3A_21 = arith.muli %arg1, %mul3A_20 : i32
      %mul3A_22 = arith.constant 632 : i32
      %mul3A_23 = arith.muli %arg1, %mul3A_22 : i32
      "tpu.region"() ({
        %run_scoped3A = tpu.sem_alloc : memref<!tpu.dma_semaphore, #tpu.memory_space<semaphore_mem>>
        %dma_start3A = arith.constant 0 : i32
        %dma_start3A_24 = tpu.memref_slice %arg6[%mul3A_23, %dma_start3A] : memref<10112x128xf32, #tpu.memory_space<hbm>> -> memref<632x128xf32, #tpu.memory_space<hbm>>
        %dma_start3A_25 = arith.constant 0 : i32
        %dma_start3A_26 = tpu.memref_slice %arg9[%mul3A_21, %dma_start3A_25] : memref<10112x128xf32, #tpu.memory_space<vmem_shared>> -> memref<632x128xf32, #tpu.memory_space<vmem_shared>>
        tpu.enqueue_dma source(%dma_start3A_26 : memref<632x128xf32, #tpu.memory_space<vmem_shared>>) target(%dma_start3A_24 : memref<632x128xf32, #tpu.memory_space<hbm>>) target_semaphore(%run_scoped3A : memref<!tpu.dma_semaphore, #tpu.memory_space<semaphore_mem>>)
        %dma_wait3A = arith.constant 0 : i32
        %dma_wait3A_27 = tpu.memref_slice %arg6[%mul3A_23, %dma_wait3A] : memref<10112x128xf32, #tpu.memory_space<hbm>> -> memref<632x128xf32, #tpu.memory_space<hbm>>
        %dma_wait3A_28 = arith.constant 0 : i32
        %dma_wait3A_29 = tpu.memref_slice %arg9[%mul3A_21, %dma_wait3A_28] : memref<10112x128xf32, #tpu.memory_space<vmem_shared>> -> memref<632x128xf32, #tpu.memory_space<vmem_shared>>
        tpu.wait_dma2 semaphore(%run_scoped3A : memref<!tpu.dma_semaphore, #tpu.memory_space<semaphore_mem>>) src(%dma_wait3A_29 : memref<632x128xf32, #tpu.memory_space<vmem_shared>>) dst(%dma_wait3A_27 : memref<632x128xf32, #tpu.memory_space<hbm>>)
        tpu.yield
      }) : () -> ()
    } else {
    }
    return
  }
}

#map = affine_map<(d0, d1) -> (0, 0)>
module attributes {stable_mosaic.version = 14 : i64} {
  func.func @_sc_scatter(%arg0: i32, %arg1: i32, %arg2: memref<1280x128xi32, #tpu.memory_space<hbm>>, %arg3: memref<1280x128xi32, #tpu.memory_space<hbm>>, %arg4: memref<10112x128xf32, #tpu.memory_space<hbm>>, %arg5: memref<10112x128xf32, #tpu.memory_space<hbm>>, %arg6: memref<10112x128xf32, #tpu.memory_space<hbm>>, %arg7: memref<10112x128xf32, #tpu.memory_space<hbm>>, %arg8: memref<48x128xi32, #tpu.memory_space<vmem>>, %arg9: memref<48x128xi32, #tpu.memory_space<vmem>>, %arg10: memref<128x128xf32, #tpu.memory_space<vmem>>, %arg11: memref<128x128xf32, #tpu.memory_space<vmem>>, %arg12: memref<10112x128xf32, #tpu.memory_space<vmem_shared>>, %arg13: memref<!tpu.dma_semaphore, #tpu.memory_space<semaphore_mem>>, %arg14: memref<!tpu.dma_semaphore, #tpu.memory_space<semaphore_mem>>) attributes {dimension_semantics = [#tpu.dimension_semantics<core_parallel>, #tpu.dimension_semantics<subcore_parallel>], iteration_bounds = array<i64: 2, 16>, scalar_prefetch = 0 : i64, scratch_operands = 7 : i64, tpu.core_type = #tpu.core_type<sc_vector_subcore>, window_params = [{transform_indices = #map}, {transform_indices = #map}, {transform_indices = #map}, {transform_indices = #map}, {transform_indices = #map}, {transform_indices = #map}]} {
    %eq3A = arith.constant 0 : i32
    %eq3A_0 = arith.cmpi eq, %arg0, %eq3A : i32
    %convert_element_type3A = arith.extui %eq3A_0 : i1 to i32
    %cond3A = arith.constant 0 : i32
    %cond3A_1 = arith.cmpi ne, %convert_element_type3A, %cond3A : i32
    scf.if %cond3A_1 {
      %mul3A = arith.constant 632 : i32
      %mul3A_28 = arith.muli %arg1, %mul3A : i32
      %mul3A_29 = arith.constant 632 : i32
      %mul3A_30 = arith.muli %arg1, %mul3A_29 : i32
      "tpu.region"() ({
        %run_scoped3A = tpu.sem_alloc : memref<!tpu.dma_semaphore, #tpu.memory_space<semaphore_mem>>
        %dma_start3A = arith.constant 0 : i32
        %dma_start3A_31 = tpu.memref_slice %arg12[%mul3A_30, %dma_start3A] : memref<10112x128xf32, #tpu.memory_space<vmem_shared>> -> memref<632x128xf32, #tpu.memory_space<vmem_shared>>
        %dma_start3A_32 = arith.constant 0 : i32
        %dma_start3A_33 = tpu.memref_slice %arg4[%mul3A_28, %dma_start3A_32] : memref<10112x128xf32, #tpu.memory_space<hbm>> -> memref<632x128xf32, #tpu.memory_space<hbm>>
        tpu.enqueue_dma source(%dma_start3A_33 : memref<632x128xf32, #tpu.memory_space<hbm>>) target(%dma_start3A_31 : memref<632x128xf32, #tpu.memory_space<vmem_shared>>) target_semaphore(%run_scoped3A : memref<!tpu.dma_semaphore, #tpu.memory_space<semaphore_mem>>)
        %dma_wait3A = arith.constant 0 : i32
        %dma_wait3A_34 = tpu.memref_slice %arg12[%mul3A_30, %dma_wait3A] : memref<10112x128xf32, #tpu.memory_space<vmem_shared>> -> memref<632x128xf32, #tpu.memory_space<vmem_shared>>
        %dma_wait3A_35 = arith.constant 0 : i32
        %dma_wait3A_36 = tpu.memref_slice %arg4[%mul3A_28, %dma_wait3A_35] : memref<10112x128xf32, #tpu.memory_space<hbm>> -> memref<632x128xf32, #tpu.memory_space<hbm>>
        tpu.wait_dma2 semaphore(%run_scoped3A : memref<!tpu.dma_semaphore, #tpu.memory_space<semaphore_mem>>) src(%dma_wait3A_36 : memref<632x128xf32, #tpu.memory_space<hbm>>) dst(%dma_wait3A_34 : memref<632x128xf32, #tpu.memory_space<vmem_shared>>)
        tpu.yield
      }) : () -> ()
    } else {
    }
    %eq3A_2 = arith.constant 1 : i32
    %eq3A_3 = arith.cmpi eq, %arg0, %eq3A_2 : i32
    %convert_element_type3A_4 = arith.extui %eq3A_3 : i1 to i32
    %cond3A_5 = arith.constant 0 : i32
    %cond3A_6 = arith.cmpi ne, %convert_element_type3A_4, %cond3A_5 : i32
    scf.if %cond3A_6 {
      %mul3A = arith.constant 632 : i32
      %mul3A_28 = arith.muli %arg1, %mul3A : i32
      %mul3A_29 = arith.constant 632 : i32
      %mul3A_30 = arith.muli %arg1, %mul3A_29 : i32
      "tpu.region"() ({
        %run_scoped3A = tpu.sem_alloc : memref<!tpu.dma_semaphore, #tpu.memory_space<semaphore_mem>>
        %dma_start3A = arith.constant 0 : i32
        %dma_start3A_31 = tpu.memref_slice %arg12[%mul3A_30, %dma_start3A] : memref<10112x128xf32, #tpu.memory_space<vmem_shared>> -> memref<632x128xf32, #tpu.memory_space<vmem_shared>>
        %dma_start3A_32 = arith.constant 0 : i32
        %dma_start3A_33 = tpu.memref_slice %arg5[%mul3A_28, %dma_start3A_32] : memref<10112x128xf32, #tpu.memory_space<hbm>> -> memref<632x128xf32, #tpu.memory_space<hbm>>
        tpu.enqueue_dma source(%dma_start3A_33 : memref<632x128xf32, #tpu.memory_space<hbm>>) target(%dma_start3A_31 : memref<632x128xf32, #tpu.memory_space<vmem_shared>>) target_semaphore(%run_scoped3A : memref<!tpu.dma_semaphore, #tpu.memory_space<semaphore_mem>>)
        %dma_wait3A = arith.constant 0 : i32
        %dma_wait3A_34 = tpu.memref_slice %arg12[%mul3A_30, %dma_wait3A] : memref<10112x128xf32, #tpu.memory_space<vmem_shared>> -> memref<632x128xf32, #tpu.memory_space<vmem_shared>>
        %dma_wait3A_35 = arith.constant 0 : i32
        %dma_wait3A_36 = tpu.memref_slice %arg5[%mul3A_28, %dma_wait3A_35] : memref<10112x128xf32, #tpu.memory_space<hbm>> -> memref<632x128xf32, #tpu.memory_space<hbm>>
        tpu.wait_dma2 semaphore(%run_scoped3A : memref<!tpu.dma_semaphore, #tpu.memory_space<semaphore_mem>>) src(%dma_wait3A_36 : memref<632x128xf32, #tpu.memory_space<hbm>>) dst(%dma_wait3A_34 : memref<632x128xf32, #tpu.memory_space<vmem_shared>>)
        tpu.yield
      }) : () -> ()
    } else {
    }
    %barrier3A = arith.constant 0 : index
    tpu.barrier barrier_id(%barrier3A)
    %eq3A_7 = arith.constant 0 : i32
    %eq3A_8 = arith.cmpi eq, %arg0, %eq3A_7 : i32
    %convert_element_type3A_9 = arith.extui %eq3A_8 : i1 to i32
    %cond3A_10 = arith.constant 0 : i32
    %cond3A_11 = arith.cmpi ne, %convert_element_type3A_9, %cond3A_10 : i32
    scf.if %cond3A_11 {
      %mul3A = arith.constant 80 : i32
      %mul3A_28 = arith.muli %arg1, %mul3A : i32
      %add3A = arith.constant 0 : i32
      %add3A_29 = arith.addi %mul3A_28, %add3A : i32
      "tpu.region"() ({
        %run_scoped3A = tpu.sem_alloc : memref<!tpu.dma_semaphore, #tpu.memory_space<semaphore_mem>>
        %dma_start3A_132 = arith.constant 0 : i32
        %dma_start3A_133 = arith.constant 0 : i32
        %dma_start3A_134 = tpu.memref_slice %arg8[%dma_start3A_132, %dma_start3A_133] : memref<48x128xi32, #tpu.memory_space<vmem>> -> memref<40x128xi32, #tpu.memory_space<vmem>>
        %dma_start3A_135 = arith.constant 0 : i32
        %dma_start3A_136 = tpu.memref_slice %arg2[%add3A_29, %dma_start3A_135] : memref<1280x128xi32, #tpu.memory_space<hbm>> -> memref<40x128xi32, #tpu.memory_space<hbm>>
        %dma_start3A_137 = arith.constant 0 : i32
        %dma_start3A_138 = arith.constant 0 : i32
        %dma_start3A_139 = tpu.memref_slice %arg8[%dma_start3A_137, %dma_start3A_138] : memref<48x128xi32, #tpu.memory_space<vmem>> -> memref<40x128xi32, #tpu.memory_space<vmem>>
        %dma_start3A_140 = arith.constant 0 : i32
        %dma_start3A_141 = tpu.memref_slice %arg2[%add3A_29, %dma_start3A_140] : memref<1280x128xi32, #tpu.memory_space<hbm>> -> memref<40x128xi32, #tpu.memory_space<hbm>>
        tpu.enqueue_dma source(%dma_start3A_141 : memref<40x128xi32, #tpu.memory_space<hbm>>) target(%dma_start3A_139 : memref<40x128xi32, #tpu.memory_space<vmem>>) target_semaphore(%run_scoped3A : memref<!tpu.dma_semaphore, #tpu.memory_space<semaphore_mem>>)
        %dma_wait3A = arith.constant 0 : i32
        %dma_wait3A_142 = arith.constant 0 : i32
        %dma_wait3A_143 = tpu.memref_slice %arg8[%dma_wait3A, %dma_wait3A_142] : memref<48x128xi32, #tpu.memory_space<vmem>> -> memref<40x128xi32, #tpu.memory_space<vmem>>
        %dma_wait3A_144 = arith.constant 0 : i32
        %dma_wait3A_145 = tpu.memref_slice %arg2[%add3A_29, %dma_wait3A_144] : memref<1280x128xi32, #tpu.memory_space<hbm>> -> memref<40x128xi32, #tpu.memory_space<hbm>>
        %dma_wait3A_146 = arith.constant 0 : i32
        %dma_wait3A_147 = arith.constant 0 : i32
        %dma_wait3A_148 = tpu.memref_slice %arg8[%dma_wait3A_146, %dma_wait3A_147] : memref<48x128xi32, #tpu.memory_space<vmem>> -> memref<40x128xi32, #tpu.memory_space<vmem>>
        %dma_wait3A_149 = arith.constant 0 : i32
        %dma_wait3A_150 = tpu.memref_slice %arg2[%add3A_29, %dma_wait3A_149] : memref<1280x128xi32, #tpu.memory_space<hbm>> -> memref<40x128xi32, #tpu.memory_space<hbm>>
        tpu.wait_dma2 semaphore(%run_scoped3A : memref<!tpu.dma_semaphore, #tpu.memory_space<semaphore_mem>>) src(%dma_wait3A_150 : memref<40x128xi32, #tpu.memory_space<hbm>>) dst(%dma_wait3A_148 : memref<40x128xi32, #tpu.memory_space<vmem>>)
        tpu.yield
      }) : () -> ()
      %mul3A_30 = arith.constant 80 : i32
      %mul3A_31 = arith.muli %arg1, %mul3A_30 : i32
      %add3A_32 = arith.constant 0 : i32
      %add3A_33 = arith.addi %mul3A_31, %add3A_32 : i32
      "tpu.region"() ({
        %run_scoped3A = tpu.sem_alloc : memref<!tpu.dma_semaphore, #tpu.memory_space<semaphore_mem>>
        %dma_start3A_132 = arith.constant 0 : i32
        %dma_start3A_133 = arith.constant 0 : i32
        %dma_start3A_134 = tpu.memref_slice %arg9[%dma_start3A_132, %dma_start3A_133] : memref<48x128xi32, #tpu.memory_space<vmem>> -> memref<40x128xi32, #tpu.memory_space<vmem>>
        %dma_start3A_135 = arith.constant 0 : i32
        %dma_start3A_136 = tpu.memref_slice %arg3[%add3A_33, %dma_start3A_135] : memref<1280x128xi32, #tpu.memory_space<hbm>> -> memref<40x128xi32, #tpu.memory_space<hbm>>
        %dma_start3A_137 = arith.constant 0 : i32
        %dma_start3A_138 = arith.constant 0 : i32
        %dma_start3A_139 = tpu.memref_slice %arg9[%dma_start3A_137, %dma_start3A_138] : memref<48x128xi32, #tpu.memory_space<vmem>> -> memref<40x128xi32, #tpu.memory_space<vmem>>
        %dma_start3A_140 = arith.constant 0 : i32
        %dma_start3A_141 = tpu.memref_slice %arg3[%add3A_33, %dma_start3A_140] : memref<1280x128xi32, #tpu.memory_space<hbm>> -> memref<40x128xi32, #tpu.memory_space<hbm>>
        tpu.enqueue_dma source(%dma_start3A_141 : memref<40x128xi32, #tpu.memory_space<hbm>>) target(%dma_start3A_139 : memref<40x128xi32, #tpu.memory_space<vmem>>) target_semaphore(%run_scoped3A : memref<!tpu.dma_semaphore, #tpu.memory_space<semaphore_mem>>)
        %dma_wait3A = arith.constant 0 : i32
        %dma_wait3A_142 = arith.constant 0 : i32
        %dma_wait3A_143 = tpu.memref_slice %arg9[%dma_wait3A, %dma_wait3A_142] : memref<48x128xi32, #tpu.memory_space<vmem>> -> memref<40x128xi32, #tpu.memory_space<vmem>>
        %dma_wait3A_144 = arith.constant 0 : i32
        %dma_wait3A_145 = tpu.memref_slice %arg3[%add3A_33, %dma_wait3A_144] : memref<1280x128xi32, #tpu.memory_space<hbm>> -> memref<40x128xi32, #tpu.memory_space<hbm>>
        %dma_wait3A_146 = arith.constant 0 : i32
        %dma_wait3A_147 = arith.constant 0 : i32
        %dma_wait3A_148 = tpu.memref_slice %arg9[%dma_wait3A_146, %dma_wait3A_147] : memref<48x128xi32, #tpu.memory_space<vmem>> -> memref<40x128xi32, #tpu.memory_space<vmem>>
        %dma_wait3A_149 = arith.constant 0 : i32
        %dma_wait3A_150 = tpu.memref_slice %arg3[%add3A_33, %dma_wait3A_149] : memref<1280x128xi32, #tpu.memory_space<hbm>> -> memref<40x128xi32, #tpu.memory_space<hbm>>
        tpu.wait_dma2 semaphore(%run_scoped3A : memref<!tpu.dma_semaphore, #tpu.memory_space<semaphore_mem>>) src(%dma_wait3A_150 : memref<40x128xi32, #tpu.memory_space<hbm>>) dst(%dma_wait3A_148 : memref<40x128xi32, #tpu.memory_space<vmem>>)
        tpu.yield
      }) : () -> ()
      %dma_start3A = arith.constant 0 : i32
      %dma_start3A_34 = arith.constant 0 : i32
      %dma_start3A_35 = arith.constant 0 : i32
      %dma_start3A_36 = tpu.memref_slice %arg10[%dma_start3A_34, %dma_start3A_35] : memref<128x128xf32, #tpu.memory_space<vmem>> -> memref<32x128xf32, #tpu.memory_space<vmem>>
      %dma_start3A_37 = arith.constant 0 : i32
      %dma_start3A_38 = tpu.memref_slice %arg8[%dma_start3A, %dma_start3A_37] : memref<48x128xi32, #tpu.memory_space<vmem>> -> memref<1x32xi32, #tpu.memory_space<vmem>>
      %dma_start3A_39 = tpu.memref_squeeze %dma_start3A_38 : memref<1x32xi32, #tpu.memory_space<vmem>> -> memref<32xi32, #tpu.memory_space<vmem>>
      %dma_start3A_40 = arith.constant 0 : i32
      %dma_start3A_41 = arith.constant 0 : i32
      %dma_start3A_42 = tpu.memref_slice %arg4[%dma_start3A_40, %dma_start3A_41] : memref<10112x128xf32, #tpu.memory_space<hbm>> -> memref<10112x128xf32, #tpu.memory_space<hbm>>
      tpu.enqueue_indirect_dma source(%dma_start3A_42 : memref<10112x128xf32, #tpu.memory_space<hbm>>) target(%dma_start3A_36 : memref<32x128xf32, #tpu.memory_space<vmem>>) offsets(%dma_start3A_39 : memref<32xi32, #tpu.memory_space<vmem>>) semaphore(%arg13 : memref<!tpu.dma_semaphore, #tpu.memory_space<semaphore_mem>>)
      %dma_start3A_43 = arith.constant 0 : i32
      %dma_start3A_44 = arith.constant 32 : i32
      %dma_start3A_45 = arith.constant 0 : i32
      %dma_start3A_46 = tpu.memref_slice %arg10[%dma_start3A_44, %dma_start3A_45] : memref<128x128xf32, #tpu.memory_space<vmem>> -> memref<32x128xf32, #tpu.memory_space<vmem>>
      %dma_start3A_47 = arith.constant 32 : i32
      %dma_start3A_48 = tpu.memref_slice %arg8[%dma_start3A_43, %dma_start3A_47] : memref<48x128xi32, #tpu.memory_space<vmem>> -> memref<1x32xi32, #tpu.memory_space<vmem>>
      %dma_start3A_49 = tpu.memref_squeeze %dma_start3A_48 : memref<1x32xi32, #tpu.memory_space<vmem>> -> memref<32xi32, #tpu.memory_space<vmem>>
      %dma_start3A_50 = arith.constant 0 : i32
      %dma_start3A_51 = arith.constant 0 : i32
      %dma_start3A_52 = tpu.memref_slice %arg4[%dma_start3A_50, %dma_start3A_51] : memref<10112x128xf32, #tpu.memory_space<hbm>> -> memref<10112x128xf32, #tpu.memory_space<hbm>>
      tpu.enqueue_indirect_dma source(%dma_start3A_52 : memref<10112x128xf32, #tpu.memory_space<hbm>>) target(%dma_start3A_46 : memref<32x128xf32, #tpu.memory_space<vmem>>) offsets(%dma_start3A_49 : memref<32xi32, #tpu.memory_space<vmem>>) semaphore(%arg13 : memref<!tpu.dma_semaphore, #tpu.memory_space<semaphore_mem>>)
      %dma_start3A_53 = arith.constant 0 : i32
      %dma_start3A_54 = arith.constant 64 : i32
      %dma_start3A_55 = arith.constant 0 : i32
      %dma_start3A_56 = tpu.memref_slice %arg10[%dma_start3A_54, %dma_start3A_55] : memref<128x128xf32, #tpu.memory_space<vmem>> -> memref<32x128xf32, #tpu.memory_space<vmem>>
      %dma_start3A_57 = arith.constant 64 : i32
      %dma_start3A_58 = tpu.memref_slice %arg8[%dma_start3A_53, %dma_start3A_57] : memref<48x128xi32, #tpu.memory_space<vmem>> -> memref<1x32xi32, #tpu.memory_space<vmem>>
      %dma_start3A_59 = tpu.memref_squeeze %dma_start3A_58 : memref<1x32xi32, #tpu.memory_space<vmem>> -> memref<32xi32, #tpu.memory_space<vmem>>
      %dma_start3A_60 = arith.constant 0 : i32
      %dma_start3A_61 = arith.constant 0 : i32
      %dma_start3A_62 = tpu.memref_slice %arg4[%dma_start3A_60, %dma_start3A_61] : memref<10112x128xf32, #tpu.memory_space<hbm>> -> memref<10112x128xf32, #tpu.memory_space<hbm>>
      tpu.enqueue_indirect_dma source(%dma_start3A_62 : memref<10112x128xf32, #tpu.memory_space<hbm>>) target(%dma_start3A_56 : memref<32x128xf32, #tpu.memory_space<vmem>>) offsets(%dma_start3A_59 : memref<32xi32, #tpu.memory_space<vmem>>) semaphore(%arg13 : memref<!tpu.dma_semaphore, #tpu.memory_space<semaphore_mem>>)
      %dma_start3A_63 = arith.constant 0 : i32
      %dma_start3A_64 = arith.constant 96 : i32
      %dma_start3A_65 = arith.constant 0 : i32
      %dma_start3A_66 = tpu.memref_slice %arg10[%dma_start3A_64, %dma_start3A_65] : memref<128x128xf32, #tpu.memory_space<vmem>> -> memref<32x128xf32, #tpu.memory_space<vmem>>
      %dma_start3A_67 = arith.constant 96 : i32
      %dma_start3A_68 = tpu.memref_slice %arg8[%dma_start3A_63, %dma_start3A_67] : memref<48x128xi32, #tpu.memory_space<vmem>> -> memref<1x32xi32, #tpu.memory_space<vmem>>
      %dma_start3A_69 = tpu.memref_squeeze %dma_start3A_68 : memref<1x32xi32, #tpu.memory_space<vmem>> -> memref<32xi32, #tpu.memory_space<vmem>>
      %dma_start3A_70 = arith.constant 0 : i32
      %dma_start3A_71 = arith.constant 0 : i32
      %dma_start3A_72 = tpu.memref_slice %arg4[%dma_start3A_70, %dma_start3A_71] : memref<10112x128xf32, #tpu.memory_space<hbm>> -> memref<10112x128xf32, #tpu.memory_space<hbm>>
      tpu.enqueue_indirect_dma source(%dma_start3A_72 : memref<10112x128xf32, #tpu.memory_space<hbm>>) target(%dma_start3A_66 : memref<32x128xf32, #tpu.memory_space<vmem>>) offsets(%dma_start3A_69 : memref<32xi32, #tpu.memory_space<vmem>>) semaphore(%arg13 : memref<!tpu.dma_semaphore, #tpu.memory_space<semaphore_mem>>)
      %scan3A = arith.constant 0 : i32
      %scan3A_73 = arith.constant 0 : i32
      %scan3A_74 = arith.constant 20 : i32
      %scan3A_75 = arith.addi %scan3A_73, %scan3A_74 : i32
      %scan3A_76 = arith.constant 1 : i32
      scf.for %scan3A_132 = %scan3A_73 to %scan3A_75 step %scan3A_76  : i32 {
        %mul3A_133 = arith.constant 2 : i32
        %mul3A_134 = arith.muli %mul3A_133, %scan3A_132 : i32
        %add3A_135 = arith.constant 1 : i32
        %add3A_136 = arith.addi %mul3A_134, %add3A_135 : i32
        %dma_start3A_137 = arith.constant 0 : i32
        %dma_start3A_138 = arith.constant 0 : i32
        %dma_start3A_139 = tpu.memref_slice %arg11[%dma_start3A_137, %dma_start3A_138] : memref<128x128xf32, #tpu.memory_space<vmem>> -> memref<32x128xf32, #tpu.memory_space<vmem>>
        %dma_start3A_140 = arith.constant 0 : i32
        %dma_start3A_141 = tpu.memref_slice %arg8[%add3A_136, %dma_start3A_140] : memref<48x128xi32, #tpu.memory_space<vmem>> -> memref<1x32xi32, #tpu.memory_space<vmem>>
        %dma_start3A_142 = tpu.memref_squeeze %dma_start3A_141 : memref<1x32xi32, #tpu.memory_space<vmem>> -> memref<32xi32, #tpu.memory_space<vmem>>
        %dma_start3A_143 = arith.constant 0 : i32
        %dma_start3A_144 = arith.constant 0 : i32
        %dma_start3A_145 = tpu.memref_slice %arg4[%dma_start3A_143, %dma_start3A_144] : memref<10112x128xf32, #tpu.memory_space<hbm>> -> memref<10112x128xf32, #tpu.memory_space<hbm>>
        tpu.enqueue_indirect_dma source(%dma_start3A_145 : memref<10112x128xf32, #tpu.memory_space<hbm>>) target(%dma_start3A_139 : memref<32x128xf32, #tpu.memory_space<vmem>>) offsets(%dma_start3A_142 : memref<32xi32, #tpu.memory_space<vmem>>) semaphore(%arg14 : memref<!tpu.dma_semaphore, #tpu.memory_space<semaphore_mem>>)
        %dma_start3A_146 = arith.constant 32 : i32
        %dma_start3A_147 = arith.constant 0 : i32
        %dma_start3A_148 = tpu.memref_slice %arg11[%dma_start3A_146, %dma_start3A_147] : memref<128x128xf32, #tpu.memory_space<vmem>> -> memref<32x128xf32, #tpu.memory_space<vmem>>
        %dma_start3A_149 = arith.constant 32 : i32
        %dma_start3A_150 = tpu.memref_slice %arg8[%add3A_136, %dma_start3A_149] : memref<48x128xi32, #tpu.memory_space<vmem>> -> memref<1x32xi32, #tpu.memory_space<vmem>>
        %dma_start3A_151 = tpu.memref_squeeze %dma_start3A_150 : memref<1x32xi32, #tpu.memory_space<vmem>> -> memref<32xi32, #tpu.memory_space<vmem>>
        %dma_start3A_152 = arith.constant 0 : i32
        %dma_start3A_153 = arith.constant 0 : i32
        %dma_start3A_154 = tpu.memref_slice %arg4[%dma_start3A_152, %dma_start3A_153] : memref<10112x128xf32, #tpu.memory_space<hbm>> -> memref<10112x128xf32, #tpu.memory_space<hbm>>
        tpu.enqueue_indirect_dma source(%dma_start3A_154 : memref<10112x128xf32, #tpu.memory_space<hbm>>) target(%dma_start3A_148 : memref<32x128xf32, #tpu.memory_space<vmem>>) offsets(%dma_start3A_151 : memref<32xi32, #tpu.memory_space<vmem>>) semaphore(%arg14 : memref<!tpu.dma_semaphore, #tpu.memory_space<semaphore_mem>>)
        %dma_start3A_155 = arith.constant 64 : i32
        %dma_start3A_156 = arith.constant 0 : i32
        %dma_start3A_157 = tpu.memref_slice %arg11[%dma_start3A_155, %dma_start3A_156] : memref<128x128xf32, #tpu.memory_space<vmem>> -> memref<32x128xf32, #tpu.memory_space<vmem>>
        %dma_start3A_158 = arith.constant 64 : i32
        %dma_start3A_159 = tpu.memref_slice %arg8[%add3A_136, %dma_start3A_158] : memref<48x128xi32, #tpu.memory_space<vmem>> -> memref<1x32xi32, #tpu.memory_space<vmem>>
        %dma_start3A_160 = tpu.memref_squeeze %dma_start3A_159 : memref<1x32xi32, #tpu.memory_space<vmem>> -> memref<32xi32, #tpu.memory_space<vmem>>
        %dma_start3A_161 = arith.constant 0 : i32
        %dma_start3A_162 = arith.constant 0 : i32
        %dma_start3A_163 = tpu.memref_slice %arg4[%dma_start3A_161, %dma_start3A_162] : memref<10112x128xf32, #tpu.memory_space<hbm>> -> memref<10112x128xf32, #tpu.memory_space<hbm>>
        tpu.enqueue_indirect_dma source(%dma_start3A_163 : memref<10112x128xf32, #tpu.memory_space<hbm>>) target(%dma_start3A_157 : memref<32x128xf32, #tpu.memory_space<vmem>>) offsets(%dma_start3A_160 : memref<32xi32, #tpu.memory_space<vmem>>) semaphore(%arg14 : memref<!tpu.dma_semaphore, #tpu.memory_space<semaphore_mem>>)
        %dma_start3A_164 = arith.constant 96 : i32
        %dma_start3A_165 = arith.constant 0 : i32
        %dma_start3A_166 = tpu.memref_slice %arg11[%dma_start3A_164, %dma_start3A_165] : memref<128x128xf32, #tpu.memory_space<vmem>> -> memref<32x128xf32, #tpu.memory_space<vmem>>
        %dma_start3A_167 = arith.constant 96 : i32
        %dma_start3A_168 = tpu.memref_slice %arg8[%add3A_136, %dma_start3A_167] : memref<48x128xi32, #tpu.memory_space<vmem>> -> memref<1x32xi32, #tpu.memory_space<vmem>>
        %dma_start3A_169 = tpu.memref_squeeze %dma_start3A_168 : memref<1x32xi32, #tpu.memory_space<vmem>> -> memref<32xi32, #tpu.memory_space<vmem>>
        %dma_start3A_170 = arith.constant 0 : i32
        %dma_start3A_171 = arith.constant 0 : i32
        %dma_start3A_172 = tpu.memref_slice %arg4[%dma_start3A_170, %dma_start3A_171] : memref<10112x128xf32, #tpu.memory_space<hbm>> -> memref<10112x128xf32, #tpu.memory_space<hbm>>
        tpu.enqueue_indirect_dma source(%dma_start3A_172 : memref<10112x128xf32, #tpu.memory_space<hbm>>) target(%dma_start3A_166 : memref<32x128xf32, #tpu.memory_space<vmem>>) offsets(%dma_start3A_169 : memref<32xi32, #tpu.memory_space<vmem>>) semaphore(%arg14 : memref<!tpu.dma_semaphore, #tpu.memory_space<semaphore_mem>>)
        %dma_wait3A = arith.constant 0 : i32
        %dma_wait3A_173 = arith.constant 0 : i32
        %dma_wait3A_174 = tpu.memref_slice %arg8[%dma_wait3A, %dma_wait3A_173] : memref<48x128xi32, #tpu.memory_space<vmem>> -> memref<1x128xi32, #tpu.memory_space<vmem>>
        %dma_wait3A_175 = tpu.memref_squeeze %dma_wait3A_174 : memref<1x128xi32, #tpu.memory_space<vmem>> -> memref<128xi32, #tpu.memory_space<vmem>>
        %dma_wait3A_176 = arith.constant 0 : i32
        %dma_wait3A_177 = arith.constant 0 : i32
        %dma_wait3A_178 = tpu.memref_slice %arg4[%dma_wait3A_176, %dma_wait3A_177] : memref<10112x128xf32, #tpu.memory_space<hbm>> -> memref<10112x128xf32, #tpu.memory_space<hbm>>
        tpu.wait_indirect_dma semaphore(%arg13 : memref<!tpu.dma_semaphore, #tpu.memory_space<semaphore_mem>>) src(%dma_wait3A_178 : memref<10112x128xf32, #tpu.memory_space<hbm>>) dst(%arg10 : memref<128x128xf32, #tpu.memory_space<vmem>>)
        "tpu.region"() ({
          %run_scoped3A = tpu.sem_alloc : memref<!tpu.dma_semaphore, #tpu.memory_space<semaphore_mem>>
          %dma_start3A_194 = arith.constant 0 : i32
          %dma_start3A_195 = tpu.memref_slice %arg9[%mul3A_134, %dma_start3A_194] : memref<48x128xi32, #tpu.memory_space<vmem>> -> memref<1x128xi32, #tpu.memory_space<vmem>>
          %dma_start3A_196 = tpu.memref_squeeze %dma_start3A_195 : memref<1x128xi32, #tpu.memory_space<vmem>> -> memref<128xi32, #tpu.memory_space<vmem>>
          %dma_start3A_197 = arith.constant 0 : i32
          %dma_start3A_198 = arith.constant 0 : i32
          %dma_start3A_199 = tpu.memref_slice %arg12[%dma_start3A_197, %dma_start3A_198] : memref<10112x128xf32, #tpu.memory_space<vmem_shared>> -> memref<10112x128xf32, #tpu.memory_space<vmem_shared>>
          tpu.enqueue_indirect_dma source(%arg10 : memref<128x128xf32, #tpu.memory_space<vmem>>) target(%dma_start3A_199 : memref<10112x128xf32, #tpu.memory_space<vmem_shared>>) offsets(%dma_start3A_196 : memref<128xi32, #tpu.memory_space<vmem>>) semaphore(%run_scoped3A : memref<!tpu.dma_semaphore, #tpu.memory_space<semaphore_mem>>) {add = true}
          %dma_wait3A_200 = arith.constant 0 : i32
          %dma_wait3A_201 = tpu.memref_slice %arg9[%mul3A_134, %dma_wait3A_200] : memref<48x128xi32, #tpu.memory_space<vmem>> -> memref<1x128xi32, #tpu.memory_space<vmem>>
          %dma_wait3A_202 = tpu.memref_squeeze %dma_wait3A_201 : memref<1x128xi32, #tpu.memory_space<vmem>> -> memref<128xi32, #tpu.memory_space<vmem>>
          %dma_wait3A_203 = arith.constant 0 : i32
          %dma_wait3A_204 = arith.constant 0 : i32
          %dma_wait3A_205 = tpu.memref_slice %arg12[%dma_wait3A_203, %dma_wait3A_204] : memref<10112x128xf32, #tpu.memory_space<vmem_shared>> -> memref<10112x128xf32, #tpu.memory_space<vmem_shared>>
          tpu.wait_indirect_dma semaphore(%run_scoped3A : memref<!tpu.dma_semaphore, #tpu.memory_space<semaphore_mem>>) src(%arg10 : memref<128x128xf32, #tpu.memory_space<vmem>>) dst(%dma_wait3A_205 : memref<10112x128xf32, #tpu.memory_space<vmem_shared>>)
          tpu.yield
        }) : () -> ()
        %add3A_179 = arith.constant 2 : i32
        %add3A_180 = arith.addi %mul3A_134, %add3A_179 : i32
        %lt3A = arith.constant 40 : i32
        %lt3A_181 = arith.cmpi slt, %add3A_180, %lt3A : i32
        %convert_element_type3A_182 = arith.extui %lt3A_181 : i1 to i32
        %cond3A_183 = arith.constant 0 : i32
        %cond3A_184 = arith.cmpi ne, %convert_element_type3A_182, %cond3A_183 : i32
        scf.if %cond3A_184 {
          %add3A_194 = arith.constant 2 : i32
          %add3A_195 = arith.addi %mul3A_134, %add3A_194 : i32
          %dma_start3A_196 = arith.constant 0 : i32
          %dma_start3A_197 = arith.constant 0 : i32
          %dma_start3A_198 = tpu.memref_slice %arg10[%dma_start3A_196, %dma_start3A_197] : memref<128x128xf32, #tpu.memory_space<vmem>> -> memref<32x128xf32, #tpu.memory_space<vmem>>
          %dma_start3A_199 = arith.constant 0 : i32
          %dma_start3A_200 = tpu.memref_slice %arg8[%add3A_195, %dma_start3A_199] : memref<48x128xi32, #tpu.memory_space<vmem>> -> memref<1x32xi32, #tpu.memory_space<vmem>>
          %dma_start3A_201 = tpu.memref_squeeze %dma_start3A_200 : memref<1x32xi32, #tpu.memory_space<vmem>> -> memref<32xi32, #tpu.memory_space<vmem>>
          %dma_start3A_202 = arith.constant 0 : i32
          %dma_start3A_203 = arith.constant 0 : i32
          %dma_start3A_204 = tpu.memref_slice %arg4[%dma_start3A_202, %dma_start3A_203] : memref<10112x128xf32, #tpu.memory_space<hbm>> -> memref<10112x128xf32, #tpu.memory_space<hbm>>
          tpu.enqueue_indirect_dma source(%dma_start3A_204 : memref<10112x128xf32, #tpu.memory_space<hbm>>) target(%dma_start3A_198 : memref<32x128xf32, #tpu.memory_space<vmem>>) offsets(%dma_start3A_201 : memref<32xi32, #tpu.memory_space<vmem>>) semaphore(%arg13 : memref<!tpu.dma_semaphore, #tpu.memory_space<semaphore_mem>>)
          %dma_start3A_205 = arith.constant 32 : i32
          %dma_start3A_206 = arith.constant 0 : i32
          %dma_start3A_207 = tpu.memref_slice %arg10[%dma_start3A_205, %dma_start3A_206] : memref<128x128xf32, #tpu.memory_space<vmem>> -> memref<32x128xf32, #tpu.memory_space<vmem>>
          %dma_start3A_208 = arith.constant 32 : i32
          %dma_start3A_209 = tpu.memref_slice %arg8[%add3A_195, %dma_start3A_208] : memref<48x128xi32, #tpu.memory_space<vmem>> -> memref<1x32xi32, #tpu.memory_space<vmem>>
          %dma_start3A_210 = tpu.memref_squeeze %dma_start3A_209 : memref<1x32xi32, #tpu.memory_space<vmem>> -> memref<32xi32, #tpu.memory_space<vmem>>
          %dma_start3A_211 = arith.constant 0 : i32
          %dma_start3A_212 = arith.constant 0 : i32
          %dma_start3A_213 = tpu.memref_slice %arg4[%dma_start3A_211, %dma_start3A_212] : memref<10112x128xf32, #tpu.memory_space<hbm>> -> memref<10112x128xf32, #tpu.memory_space<hbm>>
          tpu.enqueue_indirect_dma source(%dma_start3A_213 : memref<10112x128xf32, #tpu.memory_space<hbm>>) target(%dma_start3A_207 : memref<32x128xf32, #tpu.memory_space<vmem>>) offsets(%dma_start3A_210 : memref<32xi32, #tpu.memory_space<vmem>>) semaphore(%arg13 : memref<!tpu.dma_semaphore, #tpu.memory_space<semaphore_mem>>)
          %dma_start3A_214 = arith.constant 64 : i32
          %dma_start3A_215 = arith.constant 0 : i32
          %dma_start3A_216 = tpu.memref_slice %arg10[%dma_start3A_214, %dma_start3A_215] : memref<128x128xf32, #tpu.memory_space<vmem>> -> memref<32x128xf32, #tpu.memory_space<vmem>>
          %dma_start3A_217 = arith.constant 64 : i32
          %dma_start3A_218 = tpu.memref_slice %arg8[%add3A_195, %dma_start3A_217] : memref<48x128xi32, #tpu.memory_space<vmem>> -> memref<1x32xi32, #tpu.memory_space<vmem>>
          %dma_start3A_219 = tpu.memref_squeeze %dma_start3A_218 : memref<1x32xi32, #tpu.memory_space<vmem>> -> memref<32xi32, #tpu.memory_space<vmem>>
          %dma_start3A_220 = arith.constant 0 : i32
          %dma_start3A_221 = arith.constant 0 : i32
          %dma_start3A_222 = tpu.memref_slice %arg4[%dma_start3A_220, %dma_start3A_221] : memref<10112x128xf32, #tpu.memory_space<hbm>> -> memref<10112x128xf32, #tpu.memory_space<hbm>>
          tpu.enqueue_indirect_dma source(%dma_start3A_222 : memref<10112x128xf32, #tpu.memory_space<hbm>>) target(%dma_start3A_216 : memref<32x128xf32, #tpu.memory_space<vmem>>) offsets(%dma_start3A_219 : memref<32xi32, #tpu.memory_space<vmem>>) semaphore(%arg13 : memref<!tpu.dma_semaphore, #tpu.memory_space<semaphore_mem>>)
          %dma_start3A_223 = arith.constant 96 : i32
          %dma_start3A_224 = arith.constant 0 : i32
          %dma_start3A_225 = tpu.memref_slice %arg10[%dma_start3A_223, %dma_start3A_224] : memref<128x128xf32, #tpu.memory_space<vmem>> -> memref<32x128xf32, #tpu.memory_space<vmem>>
          %dma_start3A_226 = arith.constant 96 : i32
          %dma_start3A_227 = tpu.memref_slice %arg8[%add3A_195, %dma_start3A_226] : memref<48x128xi32, #tpu.memory_space<vmem>> -> memref<1x32xi32, #tpu.memory_space<vmem>>
          %dma_start3A_228 = tpu.memref_squeeze %dma_start3A_227 : memref<1x32xi32, #tpu.memory_space<vmem>> -> memref<32xi32, #tpu.memory_space<vmem>>
          %dma_start3A_229 = arith.constant 0 : i32
          %dma_start3A_230 = arith.constant 0 : i32
          %dma_start3A_231 = tpu.memref_slice %arg4[%dma_start3A_229, %dma_start3A_230] : memref<10112x128xf32, #tpu.memory_space<hbm>> -> memref<10112x128xf32, #tpu.memory_space<hbm>>
          tpu.enqueue_indirect_dma source(%dma_start3A_231 : memref<10112x128xf32, #tpu.memory_space<hbm>>) target(%dma_start3A_225 : memref<32x128xf32, #tpu.memory_space<vmem>>) offsets(%dma_start3A_228 : memref<32xi32, #tpu.memory_space<vmem>>) semaphore(%arg13 : memref<!tpu.dma_semaphore, #tpu.memory_space<semaphore_mem>>)
        } else {
        }
        %dma_wait3A_185 = arith.constant 0 : i32
        %dma_wait3A_186 = arith.constant 0 : i32
        %dma_wait3A_187 = tpu.memref_slice %arg8[%dma_wait3A_185, %dma_wait3A_186] : memref<48x128xi32, #tpu.memory_space<vmem>> -> memref<1x128xi32, #tpu.memory_space<vmem>>
        %dma_wait3A_188 = tpu.memref_squeeze %dma_wait3A_187 : memref<1x128xi32, #tpu.memory_space<vmem>> -> memref<128xi32, #tpu.memory_space<vmem>>
        %dma_wait3A_189 = arith.constant 0 : i32
        %dma_wait3A_190 = arith.constant 0 : i32
        %dma_wait3A_191 = tpu.memref_slice %arg4[%dma_wait3A_189, %dma_wait3A_190] : memref<10112x128xf32, #tpu.memory_space<hbm>> -> memref<10112x128xf32, #tpu.memory_space<hbm>>
        tpu.wait_indirect_dma semaphore(%arg14 : memref<!tpu.dma_semaphore, #tpu.memory_space<semaphore_mem>>) src(%dma_wait3A_191 : memref<10112x128xf32, #tpu.memory_space<hbm>>) dst(%arg11 : memref<128x128xf32, #tpu.memory_space<vmem>>)
        %add3A_192 = arith.constant 1 : i32
        %add3A_193 = arith.addi %mul3A_134, %add3A_192 : i32
        "tpu.region"() ({
          %run_scoped3A = tpu.sem_alloc : memref<!tpu.dma_semaphore, #tpu.memory_space<semaphore_mem>>
          %dma_start3A_194 = arith.constant 0 : i32
          %dma_start3A_195 = tpu.memref_slice %arg9[%add3A_193, %dma_start3A_194] : memref<48x128xi32, #tpu.memory_space<vmem>> -> memref<1x128xi32, #tpu.memory_space<vmem>>
          %dma_start3A_196 = tpu.memref_squeeze %dma_start3A_195 : memref<1x128xi32, #tpu.memory_space<vmem>> -> memref<128xi32, #tpu.memory_space<vmem>>
          %dma_start3A_197 = arith.constant 0 : i32
          %dma_start3A_198 = arith.constant 0 : i32
          %dma_start3A_199 = tpu.memref_slice %arg12[%dma_start3A_197, %dma_start3A_198] : memref<10112x128xf32, #tpu.memory_space<vmem_shared>> -> memref<10112x128xf32, #tpu.memory_space<vmem_shared>>
          tpu.enqueue_indirect_dma source(%arg11 : memref<128x128xf32, #tpu.memory_space<vmem>>) target(%dma_start3A_199 : memref<10112x128xf32, #tpu.memory_space<vmem_shared>>) offsets(%dma_start3A_196 : memref<128xi32, #tpu.memory_space<vmem>>) semaphore(%run_scoped3A : memref<!tpu.dma_semaphore, #tpu.memory_space<semaphore_mem>>) {add = true}
          %dma_wait3A_200 = arith.constant 0 : i32
          %dma_wait3A_201 = tpu.memref_slice %arg9[%add3A_193, %dma_wait3A_200] : memref<48x128xi32, #tpu.memory_space<vmem>> -> memref<1x128xi32, #tpu.memory_space<vmem>>
          %dma_wait3A_202 = tpu.memref_squeeze %dma_wait3A_201 : memref<1x128xi32, #tpu.memory_space<vmem>> -> memref<128xi32, #tpu.memory_space<vmem>>
          %dma_wait3A_203 = arith.constant 0 : i32
          %dma_wait3A_204 = arith.constant 0 : i32
          %dma_wait3A_205 = tpu.memref_slice %arg12[%dma_wait3A_203, %dma_wait3A_204] : memref<10112x128xf32, #tpu.memory_space<vmem_shared>> -> memref<10112x128xf32, #tpu.memory_space<vmem_shared>>
          tpu.wait_indirect_dma semaphore(%run_scoped3A : memref<!tpu.dma_semaphore, #tpu.memory_space<semaphore_mem>>) src(%arg11 : memref<128x128xf32, #tpu.memory_space<vmem>>) dst(%dma_wait3A_205 : memref<10112x128xf32, #tpu.memory_space<vmem_shared>>)
          tpu.yield
        }) : () -> ()
      }
      %scan3A_77 = arith.constant 20 : i32
      %mul3A_78 = arith.constant 80 : i32
      %mul3A_79 = arith.muli %arg1, %mul3A_78 : i32
      %add3A_80 = arith.constant 40 : i32
      %add3A_81 = arith.addi %mul3A_79, %add3A_80 : i32
      "tpu.region"() ({
        %run_scoped3A = tpu.sem_alloc : memref<!tpu.dma_semaphore, #tpu.memory_space<semaphore_mem>>
        %dma_start3A_132 = arith.constant 0 : i32
        %dma_start3A_133 = arith.constant 0 : i32
        %dma_start3A_134 = tpu.memref_slice %arg8[%dma_start3A_132, %dma_start3A_133] : memref<48x128xi32, #tpu.memory_space<vmem>> -> memref<40x128xi32, #tpu.memory_space<vmem>>
        %dma_start3A_135 = arith.constant 0 : i32
        %dma_start3A_136 = tpu.memref_slice %arg2[%add3A_81, %dma_start3A_135] : memref<1280x128xi32, #tpu.memory_space<hbm>> -> memref<40x128xi32, #tpu.memory_space<hbm>>
        %dma_start3A_137 = arith.constant 0 : i32
        %dma_start3A_138 = arith.constant 0 : i32
        %dma_start3A_139 = tpu.memref_slice %arg8[%dma_start3A_137, %dma_start3A_138] : memref<48x128xi32, #tpu.memory_space<vmem>> -> memref<40x128xi32, #tpu.memory_space<vmem>>
        %dma_start3A_140 = arith.constant 0 : i32
        %dma_start3A_141 = tpu.memref_slice %arg2[%add3A_81, %dma_start3A_140] : memref<1280x128xi32, #tpu.memory_space<hbm>> -> memref<40x128xi32, #tpu.memory_space<hbm>>
        tpu.enqueue_dma source(%dma_start3A_141 : memref<40x128xi32, #tpu.memory_space<hbm>>) target(%dma_start3A_139 : memref<40x128xi32, #tpu.memory_space<vmem>>) target_semaphore(%run_scoped3A : memref<!tpu.dma_semaphore, #tpu.memory_space<semaphore_mem>>)
        %dma_wait3A = arith.constant 0 : i32
        %dma_wait3A_142 = arith.constant 0 : i32
        %dma_wait3A_143 = tpu.memref_slice %arg8[%dma_wait3A, %dma_wait3A_142] : memref<48x128xi32, #tpu.memory_space<vmem>> -> memref<40x128xi32, #tpu.memory_space<vmem>>
        %dma_wait3A_144 = arith.constant 0 : i32
        %dma_wait3A_145 = tpu.memref_slice %arg2[%add3A_81, %dma_wait3A_144] : memref<1280x128xi32, #tpu.memory_space<hbm>> -> memref<40x128xi32, #tpu.memory_space<hbm>>
        %dma_wait3A_146 = arith.constant 0 : i32
        %dma_wait3A_147 = arith.constant 0 : i32
        %dma_wait3A_148 = tpu.memref_slice %arg8[%dma_wait3A_146, %dma_wait3A_147] : memref<48x128xi32, #tpu.memory_space<vmem>> -> memref<40x128xi32, #tpu.memory_space<vmem>>
        %dma_wait3A_149 = arith.constant 0 : i32
        %dma_wait3A_150 = tpu.memref_slice %arg2[%add3A_81, %dma_wait3A_149] : memref<1280x128xi32, #tpu.memory_space<hbm>> -> memref<40x128xi32, #tpu.memory_space<hbm>>
        tpu.wait_dma2 semaphore(%run_scoped3A : memref<!tpu.dma_semaphore, #tpu.memory_space<semaphore_mem>>) src(%dma_wait3A_150 : memref<40x128xi32, #tpu.memory_space<hbm>>) dst(%dma_wait3A_148 : memref<40x128xi32, #tpu.memory_space<vmem>>)
        tpu.yield
      }) : () -> ()
      %mul3A_82 = arith.constant 80 : i32
      %mul3A_83 = arith.muli %arg1, %mul3A_82 : i32
      %add3A_84 = arith.constant 40 : i32
      %add3A_85 = arith.addi %mul3A_83, %add3A_84 : i32
      "tpu.region"() ({
        %run_scoped3A = tpu.sem_alloc : memref<!tpu.dma_semaphore, #tpu.memory_space<semaphore_mem>>
        %dma_start3A_132 = arith.constant 0 : i32
        %dma_start3A_133 = arith.constant 0 : i32
        %dma_start3A_134 = tpu.memref_slice %arg9[%dma_start3A_132, %dma_start3A_133] : memref<48x128xi32, #tpu.memory_space<vmem>> -> memref<40x128xi32, #tpu.memory_space<vmem>>
        %dma_start3A_135 = arith.constant 0 : i32
        %dma_start3A_136 = tpu.memref_slice %arg3[%add3A_85, %dma_start3A_135] : memref<1280x128xi32, #tpu.memory_space<hbm>> -> memref<40x128xi32, #tpu.memory_space<hbm>>
        %dma_start3A_137 = arith.constant 0 : i32
        %dma_start3A_138 = arith.constant 0 : i32
        %dma_start3A_139 = tpu.memref_slice %arg9[%dma_start3A_137, %dma_start3A_138] : memref<48x128xi32, #tpu.memory_space<vmem>> -> memref<40x128xi32, #tpu.memory_space<vmem>>
        %dma_start3A_140 = arith.constant 0 : i32
        %dma_start3A_141 = tpu.memref_slice %arg3[%add3A_85, %dma_start3A_140] : memref<1280x128xi32, #tpu.memory_space<hbm>> -> memref<40x128xi32, #tpu.memory_space<hbm>>
        tpu.enqueue_dma source(%dma_start3A_141 : memref<40x128xi32, #tpu.memory_space<hbm>>) target(%dma_start3A_139 : memref<40x128xi32, #tpu.memory_space<vmem>>) target_semaphore(%run_scoped3A : memref<!tpu.dma_semaphore, #tpu.memory_space<semaphore_mem>>)
        %dma_wait3A = arith.constant 0 : i32
        %dma_wait3A_142 = arith.constant 0 : i32
        %dma_wait3A_143 = tpu.memref_slice %arg9[%dma_wait3A, %dma_wait3A_142] : memref<48x128xi32, #tpu.memory_space<vmem>> -> memref<40x128xi32, #tpu.memory_space<vmem>>
        %dma_wait3A_144 = arith.constant 0 : i32
        %dma_wait3A_145 = tpu.memref_slice %arg3[%add3A_85, %dma_wait3A_144] : memref<1280x128xi32, #tpu.memory_space<hbm>> -> memref<40x128xi32, #tpu.memory_space<hbm>>
        %dma_wait3A_146 = arith.constant 0 : i32
        %dma_wait3A_147 = arith.constant 0 : i32
        %dma_wait3A_148 = tpu.memref_slice %arg9[%dma_wait3A_146, %dma_wait3A_147] : memref<48x128xi32, #tpu.memory_space<vmem>> -> memref<40x128xi32, #tpu.memory_space<vmem>>
        %dma_wait3A_149 = arith.constant 0 : i32
        %dma_wait3A_150 = tpu.memref_slice %arg3[%add3A_85, %dma_wait3A_149] : memref<1280x128xi32, #tpu.memory_space<hbm>> -> memref<40x128xi32, #tpu.memory_space<hbm>>
        tpu.wait_dma2 semaphore(%run_scoped3A : memref<!tpu.dma_semaphore, #tpu.memory_space<semaphore_mem>>) src(%dma_wait3A_150 : memref<40x128xi32, #tpu.memory_space<hbm>>) dst(%dma_wait3A_148 : memref<40x128xi32, #tpu.memory_space<vmem>>)
        tpu.yield
      }) : () -> ()
      %dma_start3A_86 = arith.constant 0 : i32
      %dma_start3A_87 = arith.constant 0 : i32
      %dma_start3A_88 = arith.constant 0 : i32
      %dma_start3A_89 = tpu.memref_slice %arg10[%dma_start3A_87, %dma_start3A_88] : memref<128x128xf32, #tpu.memory_space<vmem>> -> memref<32x128xf32, #tpu.memory_space<vmem>>
      %dma_start3A_90 = arith.constant 0 : i32
      %dma_start3A_91 = tpu.memref_slice %arg8[%dma_start3A_86, %dma_start3A_90] : memref<48x128xi32, #tpu.memory_space<vmem>> -> memref<1x32xi32, #tpu.memory_space<vmem>>
      %dma_start3A_92 = tpu.memref_squeeze %dma_start3A_91 : memref<1x32xi32, #tpu.memory_space<vmem>> -> memref<32xi32, #tpu.memory_space<vmem>>
      %dma_start3A_93 = arith.constant 0 : i32
      %dma_start3A_94 = arith.constant 0 : i32
      %dma_start3A_95 = tpu.memref_slice %arg4[%dma_start3A_93, %dma_start3A_94] : memref<10112x128xf32, #tpu.memory_space<hbm>> -> memref<10112x128xf32, #tpu.memory_space<hbm>>
      tpu.enqueue_indirect_dma source(%dma_start3A_95 : memref<10112x128xf32, #tpu.memory_space<hbm>>) target(%dma_start3A_89 : memref<32x128xf32, #tpu.memory_space<vmem>>) offsets(%dma_start3A_92 : memref<32xi32, #tpu.memory_space<vmem>>) semaphore(%arg13 : memref<!tpu.dma_semaphore, #tpu.memory_space<semaphore_mem>>)
      %dma_start3A_96 = arith.constant 0 : i32
      %dma_start3A_97 = arith.constant 32 : i32
      %dma_start3A_98 = arith.constant 0 : i32
      %dma_start3A_99 = tpu.memref_slice %arg10[%dma_start3A_97, %dma_start3A_98] : memref<128x128xf32, #tpu.memory_space<vmem>> -> memref<32x128xf32, #tpu.memory_space<vmem>>
      %dma_start3A_100 = arith.constant 32 : i32
      %dma_start3A_101 = tpu.memref_slice %arg8[%dma_start3A_96, %dma_start3A_100] : memref<48x128xi32, #tpu.memory_space<vmem>> -> memref<1x32xi32, #tpu.memory_space<vmem>>
      %dma_start3A_102 = tpu.memref_squeeze %dma_start3A_101 : memref<1x32xi32, #tpu.memory_space<vmem>> -> memref<32xi32, #tpu.memory_space<vmem>>
      %dma_start3A_103 = arith.constant 0 : i32
      %dma_start3A_104 = arith.constant 0 : i32
      %dma_start3A_105 = tpu.memref_slice %arg4[%dma_start3A_103, %dma_start3A_104] : memref<10112x128xf32, #tpu.memory_space<hbm>> -> memref<10112x128xf32, #tpu.memory_space<hbm>>
      tpu.enqueue_indirect_dma source(%dma_start3A_105 : memref<10112x128xf32, #tpu.memory_space<hbm>>) target(%dma_start3A_99 : memref<32x128xf32, #tpu.memory_space<vmem>>) offsets(%dma_start3A_102 : memref<32xi32, #tpu.memory_space<vmem>>) semaphore(%arg13 : memref<!tpu.dma_semaphore, #tpu.memory_space<semaphore_mem>>)
      %dma_start3A_106 = arith.constant 0 : i32
      %dma_start3A_107 = arith.constant 64 : i32
      %dma_start3A_108 = arith.constant 0 : i32
      %dma_start3A_109 = tpu.memref_slice %arg10[%dma_start3A_107, %dma_start3A_108] : memref<128x128xf32, #tpu.memory_space<vmem>> -> memref<32x128xf32, #tpu.memory_space<vmem>>
      %dma_start3A_110 = arith.constant 64 : i32
      %dma_start3A_111 = tpu.memref_slice %arg8[%dma_start3A_106, %dma_start3A_110] : memref<48x128xi32, #tpu.memory_space<vmem>> -> memref<1x32xi32, #tpu.memory_space<vmem>>
      %dma_start3A_112 = tpu.memref_squeeze %dma_start3A_111 : memref<1x32xi32, #tpu.memory_space<vmem>> -> memref<32xi32, #tpu.memory_space<vmem>>
      %dma_start3A_113 = arith.constant 0 : i32
      %dma_start3A_114 = arith.constant 0 : i32
      %dma_start3A_115 = tpu.memref_slice %arg4[%dma_start3A_113, %dma_start3A_114] : memref<10112x128xf32, #tpu.memory_space<hbm>> -> memref<10112x128xf32, #tpu.memory_space<hbm>>
      tpu.enqueue_indirect_dma source(%dma_start3A_115 : memref<10112x128xf32, #tpu.memory_space<hbm>>) target(%dma_start3A_109 : memref<32x128xf32, #tpu.memory_space<vmem>>) offsets(%dma_start3A_112 : memref<32xi32, #tpu.memory_space<vmem>>) semaphore(%arg13 : memref<!tpu.dma_semaphore, #tpu.memory_space<semaphore_mem>>)
      %dma_start3A_116 = arith.constant 0 : i32
      %dma_start3A_117 = arith.constant 96 : i32
      %dma_start3A_118 = arith.constant 0 : i32
      %dma_start3A_119 = tpu.memref_slice %arg10[%dma_start3A_117, %dma_start3A_118] : memref<128x128xf32, #tpu.memory_space<vmem>> -> memref<32x128xf32, #tpu.memory_space<vmem>>
      %dma_start3A_120 = arith.constant 96 : i32
      %dma_start3A_121 = tpu.memref_slice %arg8[%dma_start3A_116, %dma_start3A_120] : memref<48x128xi32, #tpu.memory_space<vmem>> -> memref<1x32xi32, #tpu.memory_space<vmem>>
      %dma_start3A_122 = tpu.memref_squeeze %dma_start3A_121 : memref<1x32xi32, #tpu.memory_space<vmem>> -> memref<32xi32, #tpu.memory_space<vmem>>
      %dma_start3A_123 = arith.constant 0 : i32
      %dma_start3A_124 = arith.constant 0 : i32
      %dma_start3A_125 = tpu.memref_slice %arg4[%dma_start3A_123, %dma_start3A_124] : memref<10112x128xf32, #tpu.memory_space<hbm>> -> memref<10112x128xf32, #tpu.memory_space<hbm>>
      tpu.enqueue_indirect_dma source(%dma_start3A_125 : memref<10112x128xf32, #tpu.memory_space<hbm>>) target(%dma_start3A_119 : memref<32x128xf32, #tpu.memory_space<vmem>>) offsets(%dma_start3A_122 : memref<32xi32, #tpu.memory_space<vmem>>) semaphore(%arg13 : memref<!tpu.dma_semaphore, #tpu.memory_space<semaphore_mem>>)
      %scan3A_126 = arith.constant 0 : i32
      %scan3A_127 = arith.constant 0 : i32
      %scan3A_128 = arith.constant 20 : i32
      %scan3A_129 = arith.addi %scan3A_127, %scan3A_128 : i32
      %scan3A_130 = arith.constant 1 : i32
      scf.for %scan3A_132 = %scan3A_127 to %scan3A_129 step %scan3A_130  : i32 {
        %mul3A_133 = arith.constant 2 : i32
        %mul3A_134 = arith.muli %mul3A_133, %scan3A_132 : i32
        %add3A_135 = arith.constant 1 : i32
        %add3A_136 = arith.addi %mul3A_134, %add3A_135 : i32
        %dma_start3A_137 = arith.constant 0 : i32
        %dma_start3A_138 = arith.constant 0 : i32
        %dma_start3A_139 = tpu.memref_slice %arg11[%dma_start3A_137, %dma_start3A_138] : memref<128x128xf32, #tpu.memory_space<vmem>> -> memref<32x128xf32, #tpu.memory_space<vmem>>
        %dma_start3A_140 = arith.constant 0 : i32
        %dma_start3A_141 = tpu.memref_slice %arg8[%add3A_136, %dma_start3A_140] : memref<48x128xi32, #tpu.memory_space<vmem>> -> memref<1x32xi32, #tpu.memory_space<vmem>>
        %dma_start3A_142 = tpu.memref_squeeze %dma_start3A_141 : memref<1x32xi32, #tpu.memory_space<vmem>> -> memref<32xi32, #tpu.memory_space<vmem>>
        %dma_start3A_143 = arith.constant 0 : i32
        %dma_start3A_144 = arith.constant 0 : i32
        %dma_start3A_145 = tpu.memref_slice %arg4[%dma_start3A_143, %dma_start3A_144] : memref<10112x128xf32, #tpu.memory_space<hbm>> -> memref<10112x128xf32, #tpu.memory_space<hbm>>
        tpu.enqueue_indirect_dma source(%dma_start3A_145 : memref<10112x128xf32, #tpu.memory_space<hbm>>) target(%dma_start3A_139 : memref<32x128xf32, #tpu.memory_space<vmem>>) offsets(%dma_start3A_142 : memref<32xi32, #tpu.memory_space<vmem>>) semaphore(%arg14 : memref<!tpu.dma_semaphore, #tpu.memory_space<semaphore_mem>>)
        %dma_start3A_146 = arith.constant 32 : i32
        %dma_start3A_147 = arith.constant 0 : i32
        %dma_start3A_148 = tpu.memref_slice %arg11[%dma_start3A_146, %dma_start3A_147] : memref<128x128xf32, #tpu.memory_space<vmem>> -> memref<32x128xf32, #tpu.memory_space<vmem>>
        %dma_start3A_149 = arith.constant 32 : i32
        %dma_start3A_150 = tpu.memref_slice %arg8[%add3A_136, %dma_start3A_149] : memref<48x128xi32, #tpu.memory_space<vmem>> -> memref<1x32xi32, #tpu.memory_space<vmem>>
        %dma_start3A_151 = tpu.memref_squeeze %dma_start3A_150 : memref<1x32xi32, #tpu.memory_space<vmem>> -> memref<32xi32, #tpu.memory_space<vmem>>
        %dma_start3A_152 = arith.constant 0 : i32
        %dma_start3A_153 = arith.constant 0 : i32
        %dma_start3A_154 = tpu.memref_slice %arg4[%dma_start3A_152, %dma_start3A_153] : memref<10112x128xf32, #tpu.memory_space<hbm>> -> memref<10112x128xf32, #tpu.memory_space<hbm>>
        tpu.enqueue_indirect_dma source(%dma_start3A_154 : memref<10112x128xf32, #tpu.memory_space<hbm>>) target(%dma_start3A_148 : memref<32x128xf32, #tpu.memory_space<vmem>>) offsets(%dma_start3A_151 : memref<32xi32, #tpu.memory_space<vmem>>) semaphore(%arg14 : memref<!tpu.dma_semaphore, #tpu.memory_space<semaphore_mem>>)
        %dma_start3A_155 = arith.constant 64 : i32
        %dma_start3A_156 = arith.constant 0 : i32
        %dma_start3A_157 = tpu.memref_slice %arg11[%dma_start3A_155, %dma_start3A_156] : memref<128x128xf32, #tpu.memory_space<vmem>> -> memref<32x128xf32, #tpu.memory_space<vmem>>
        %dma_start3A_158 = arith.constant 64 : i32
        %dma_start3A_159 = tpu.memref_slice %arg8[%add3A_136, %dma_start3A_158] : memref<48x128xi32, #tpu.memory_space<vmem>> -> memref<1x32xi32, #tpu.memory_space<vmem>>
        %dma_start3A_160 = tpu.memref_squeeze %dma_start3A_159 : memref<1x32xi32, #tpu.memory_space<vmem>> -> memref<32xi32, #tpu.memory_space<vmem>>
        %dma_start3A_161 = arith.constant 0 : i32
        %dma_start3A_162 = arith.constant 0 : i32
        %dma_start3A_163 = tpu.memref_slice %arg4[%dma_start3A_161, %dma_start3A_162] : memref<10112x128xf32, #tpu.memory_space<hbm>> -> memref<10112x128xf32, #tpu.memory_space<hbm>>
        tpu.enqueue_indirect_dma source(%dma_start3A_163 : memref<10112x128xf32, #tpu.memory_space<hbm>>) target(%dma_start3A_157 : memref<32x128xf32, #tpu.memory_space<vmem>>) offsets(%dma_start3A_160 : memref<32xi32, #tpu.memory_space<vmem>>) semaphore(%arg14 : memref<!tpu.dma_semaphore, #tpu.memory_space<semaphore_mem>>)
        %dma_start3A_164 = arith.constant 96 : i32
        %dma_start3A_165 = arith.constant 0 : i32
        %dma_start3A_166 = tpu.memref_slice %arg11[%dma_start3A_164, %dma_start3A_165] : memref<128x128xf32, #tpu.memory_space<vmem>> -> memref<32x128xf32, #tpu.memory_space<vmem>>
        %dma_start3A_167 = arith.constant 96 : i32
        %dma_start3A_168 = tpu.memref_slice %arg8[%add3A_136, %dma_start3A_167] : memref<48x128xi32, #tpu.memory_space<vmem>> -> memref<1x32xi32, #tpu.memory_space<vmem>>
        %dma_start3A_169 = tpu.memref_squeeze %dma_start3A_168 : memref<1x32xi32, #tpu.memory_space<vmem>> -> memref<32xi32, #tpu.memory_space<vmem>>
        %dma_start3A_170 = arith.constant 0 : i32
        %dma_start3A_171 = arith.constant 0 : i32
        %dma_start3A_172 = tpu.memref_slice %arg4[%dma_start3A_170, %dma_start3A_171] : memref<10112x128xf32, #tpu.memory_space<hbm>> -> memref<10112x128xf32, #tpu.memory_space<hbm>>
        tpu.enqueue_indirect_dma source(%dma_start3A_172 : memref<10112x128xf32, #tpu.memory_space<hbm>>) target(%dma_start3A_166 : memref<32x128xf32, #tpu.memory_space<vmem>>) offsets(%dma_start3A_169 : memref<32xi32, #tpu.memory_space<vmem>>) semaphore(%arg14 : memref<!tpu.dma_semaphore, #tpu.memory_space<semaphore_mem>>)
        %dma_wait3A = arith.constant 0 : i32
        %dma_wait3A_173 = arith.constant 0 : i32
        %dma_wait3A_174 = tpu.memref_slice %arg8[%dma_wait3A, %dma_wait3A_173] : memref<48x128xi32, #tpu.memory_space<vmem>> -> memref<1x128xi32, #tpu.memory_space<vmem>>
        %dma_wait3A_175 = tpu.memref_squeeze %dma_wait3A_174 : memref<1x128xi32, #tpu.memory_space<vmem>> -> memref<128xi32, #tpu.memory_space<vmem>>
        %dma_wait3A_176 = arith.constant 0 : i32
        %dma_wait3A_177 = arith.constant 0 : i32
        %dma_wait3A_178 = tpu.memref_slice %arg4[%dma_wait3A_176, %dma_wait3A_177] : memref<10112x128xf32, #tpu.memory_space<hbm>> -> memref<10112x128xf32, #tpu.memory_space<hbm>>
        tpu.wait_indirect_dma semaphore(%arg13 : memref<!tpu.dma_semaphore, #tpu.memory_space<semaphore_mem>>) src(%dma_wait3A_178 : memref<10112x128xf32, #tpu.memory_space<hbm>>) dst(%arg10 : memref<128x128xf32, #tpu.memory_space<vmem>>)
        "tpu.region"() ({
          %run_scoped3A = tpu.sem_alloc : memref<!tpu.dma_semaphore, #tpu.memory_space<semaphore_mem>>
          %dma_start3A_194 = arith.constant 0 : i32
          %dma_start3A_195 = tpu.memref_slice %arg9[%mul3A_134, %dma_start3A_194] : memref<48x128xi32, #tpu.memory_space<vmem>> -> memref<1x128xi32, #tpu.memory_space<vmem>>
          %dma_start3A_196 = tpu.memref_squeeze %dma_start3A_195 : memref<1x128xi32, #tpu.memory_space<vmem>> -> memref<128xi32, #tpu.memory_space<vmem>>
          %dma_start3A_197 = arith.constant 0 : i32
          %dma_start3A_198 = arith.constant 0 : i32
          %dma_start3A_199 = tpu.memref_slice %arg12[%dma_start3A_197, %dma_start3A_198] : memref<10112x128xf32, #tpu.memory_space<vmem_shared>> -> memref<10112x128xf32, #tpu.memory_space<vmem_shared>>
          tpu.enqueue_indirect_dma source(%arg10 : memref<128x128xf32, #tpu.memory_space<vmem>>) target(%dma_start3A_199 : memref<10112x128xf32, #tpu.memory_space<vmem_shared>>) offsets(%dma_start3A_196 : memref<128xi32, #tpu.memory_space<vmem>>) semaphore(%run_scoped3A : memref<!tpu.dma_semaphore, #tpu.memory_space<semaphore_mem>>) {add = true}
          %dma_wait3A_200 = arith.constant 0 : i32
          %dma_wait3A_201 = tpu.memref_slice %arg9[%mul3A_134, %dma_wait3A_200] : memref<48x128xi32, #tpu.memory_space<vmem>> -> memref<1x128xi32, #tpu.memory_space<vmem>>
          %dma_wait3A_202 = tpu.memref_squeeze %dma_wait3A_201 : memref<1x128xi32, #tpu.memory_space<vmem>> -> memref<128xi32, #tpu.memory_space<vmem>>
          %dma_wait3A_203 = arith.constant 0 : i32
          %dma_wait3A_204 = arith.constant 0 : i32
          %dma_wait3A_205 = tpu.memref_slice %arg12[%dma_wait3A_203, %dma_wait3A_204] : memref<10112x128xf32, #tpu.memory_space<vmem_shared>> -> memref<10112x128xf32, #tpu.memory_space<vmem_shared>>
          tpu.wait_indirect_dma semaphore(%run_scoped3A : memref<!tpu.dma_semaphore, #tpu.memory_space<semaphore_mem>>) src(%arg10 : memref<128x128xf32, #tpu.memory_space<vmem>>) dst(%dma_wait3A_205 : memref<10112x128xf32, #tpu.memory_space<vmem_shared>>)
          tpu.yield
        }) : () -> ()
        %add3A_179 = arith.constant 2 : i32
        %add3A_180 = arith.addi %mul3A_134, %add3A_179 : i32
        %lt3A = arith.constant 40 : i32
        %lt3A_181 = arith.cmpi slt, %add3A_180, %lt3A : i32
        %convert_element_type3A_182 = arith.extui %lt3A_181 : i1 to i32
        %cond3A_183 = arith.constant 0 : i32
        %cond3A_184 = arith.cmpi ne, %convert_element_type3A_182, %cond3A_183 : i32
        scf.if %cond3A_184 {
          %add3A_194 = arith.constant 2 : i32
          %add3A_195 = arith.addi %mul3A_134, %add3A_194 : i32
          %dma_start3A_196 = arith.constant 0 : i32
          %dma_start3A_197 = arith.constant 0 : i32
          %dma_start3A_198 = tpu.memref_slice %arg10[%dma_start3A_196, %dma_start3A_197] : memref<128x128xf32, #tpu.memory_space<vmem>> -> memref<32x128xf32, #tpu.memory_space<vmem>>
          %dma_start3A_199 = arith.constant 0 : i32
          %dma_start3A_200 = tpu.memref_slice %arg8[%add3A_195, %dma_start3A_199] : memref<48x128xi32, #tpu.memory_space<vmem>> -> memref<1x32xi32, #tpu.memory_space<vmem>>
          %dma_start3A_201 = tpu.memref_squeeze %dma_start3A_200 : memref<1x32xi32, #tpu.memory_space<vmem>> -> memref<32xi32, #tpu.memory_space<vmem>>
          %dma_start3A_202 = arith.constant 0 : i32
          %dma_start3A_203 = arith.constant 0 : i32
          %dma_start3A_204 = tpu.memref_slice %arg4[%dma_start3A_202, %dma_start3A_203] : memref<10112x128xf32, #tpu.memory_space<hbm>> -> memref<10112x128xf32, #tpu.memory_space<hbm>>
          tpu.enqueue_indirect_dma source(%dma_start3A_204 : memref<10112x128xf32, #tpu.memory_space<hbm>>) target(%dma_start3A_198 : memref<32x128xf32, #tpu.memory_space<vmem>>) offsets(%dma_start3A_201 : memref<32xi32, #tpu.memory_space<vmem>>) semaphore(%arg13 : memref<!tpu.dma_semaphore, #tpu.memory_space<semaphore_mem>>)
          %dma_start3A_205 = arith.constant 32 : i32
          %dma_start3A_206 = arith.constant 0 : i32
          %dma_start3A_207 = tpu.memref_slice %arg10[%dma_start3A_205, %dma_start3A_206] : memref<128x128xf32, #tpu.memory_space<vmem>> -> memref<32x128xf32, #tpu.memory_space<vmem>>
          %dma_start3A_208 = arith.constant 32 : i32
          %dma_start3A_209 = tpu.memref_slice %arg8[%add3A_195, %dma_start3A_208] : memref<48x128xi32, #tpu.memory_space<vmem>> -> memref<1x32xi32, #tpu.memory_space<vmem>>
          %dma_start3A_210 = tpu.memref_squeeze %dma_start3A_209 : memref<1x32xi32, #tpu.memory_space<vmem>> -> memref<32xi32, #tpu.memory_space<vmem>>
          %dma_start3A_211 = arith.constant 0 : i32
          %dma_start3A_212 = arith.constant 0 : i32
          %dma_start3A_213 = tpu.memref_slice %arg4[%dma_start3A_211, %dma_start3A_212] : memref<10112x128xf32, #tpu.memory_space<hbm>> -> memref<10112x128xf32, #tpu.memory_space<hbm>>
          tpu.enqueue_indirect_dma source(%dma_start3A_213 : memref<10112x128xf32, #tpu.memory_space<hbm>>) target(%dma_start3A_207 : memref<32x128xf32, #tpu.memory_space<vmem>>) offsets(%dma_start3A_210 : memref<32xi32, #tpu.memory_space<vmem>>) semaphore(%arg13 : memref<!tpu.dma_semaphore, #tpu.memory_space<semaphore_mem>>)
          %dma_start3A_214 = arith.constant 64 : i32
          %dma_start3A_215 = arith.constant 0 : i32
          %dma_start3A_216 = tpu.memref_slice %arg10[%dma_start3A_214, %dma_start3A_215] : memref<128x128xf32, #tpu.memory_space<vmem>> -> memref<32x128xf32, #tpu.memory_space<vmem>>
          %dma_start3A_217 = arith.constant 64 : i32
          %dma_start3A_218 = tpu.memref_slice %arg8[%add3A_195, %dma_start3A_217] : memref<48x128xi32, #tpu.memory_space<vmem>> -> memref<1x32xi32, #tpu.memory_space<vmem>>
          %dma_start3A_219 = tpu.memref_squeeze %dma_start3A_218 : memref<1x32xi32, #tpu.memory_space<vmem>> -> memref<32xi32, #tpu.memory_space<vmem>>
          %dma_start3A_220 = arith.constant 0 : i32
          %dma_start3A_221 = arith.constant 0 : i32
          %dma_start3A_222 = tpu.memref_slice %arg4[%dma_start3A_220, %dma_start3A_221] : memref<10112x128xf32, #tpu.memory_space<hbm>> -> memref<10112x128xf32, #tpu.memory_space<hbm>>
          tpu.enqueue_indirect_dma source(%dma_start3A_222 : memref<10112x128xf32, #tpu.memory_space<hbm>>) target(%dma_start3A_216 : memref<32x128xf32, #tpu.memory_space<vmem>>) offsets(%dma_start3A_219 : memref<32xi32, #tpu.memory_space<vmem>>) semaphore(%arg13 : memref<!tpu.dma_semaphore, #tpu.memory_space<semaphore_mem>>)
          %dma_start3A_223 = arith.constant 96 : i32
          %dma_start3A_224 = arith.constant 0 : i32
          %dma_start3A_225 = tpu.memref_slice %arg10[%dma_start3A_223, %dma_start3A_224] : memref<128x128xf32, #tpu.memory_space<vmem>> -> memref<32x128xf32, #tpu.memory_space<vmem>>
          %dma_start3A_226 = arith.constant 96 : i32
          %dma_start3A_227 = tpu.memref_slice %arg8[%add3A_195, %dma_start3A_226] : memref<48x128xi32, #tpu.memory_space<vmem>> -> memref<1x32xi32, #tpu.memory_space<vmem>>
          %dma_start3A_228 = tpu.memref_squeeze %dma_start3A_227 : memref<1x32xi32, #tpu.memory_space<vmem>> -> memref<32xi32, #tpu.memory_space<vmem>>
          %dma_start3A_229 = arith.constant 0 : i32
          %dma_start3A_230 = arith.constant 0 : i32
          %dma_start3A_231 = tpu.memref_slice %arg4[%dma_start3A_229, %dma_start3A_230] : memref<10112x128xf32, #tpu.memory_space<hbm>> -> memref<10112x128xf32, #tpu.memory_space<hbm>>
          tpu.enqueue_indirect_dma source(%dma_start3A_231 : memref<10112x128xf32, #tpu.memory_space<hbm>>) target(%dma_start3A_225 : memref<32x128xf32, #tpu.memory_space<vmem>>) offsets(%dma_start3A_228 : memref<32xi32, #tpu.memory_space<vmem>>) semaphore(%arg13 : memref<!tpu.dma_semaphore, #tpu.memory_space<semaphore_mem>>)
        } else {
        }
        %dma_wait3A_185 = arith.constant 0 : i32
        %dma_wait3A_186 = arith.constant 0 : i32
        %dma_wait3A_187 = tpu.memref_slice %arg8[%dma_wait3A_185, %dma_wait3A_186] : memref<48x128xi32, #tpu.memory_space<vmem>> -> memref<1x128xi32, #tpu.memory_space<vmem>>
        %dma_wait3A_188 = tpu.memref_squeeze %dma_wait3A_187 : memref<1x128xi32, #tpu.memory_space<vmem>> -> memref<128xi32, #tpu.memory_space<vmem>>
        %dma_wait3A_189 = arith.constant 0 : i32
        %dma_wait3A_190 = arith.constant 0 : i32
        %dma_wait3A_191 = tpu.memref_slice %arg4[%dma_wait3A_189, %dma_wait3A_190] : memref<10112x128xf32, #tpu.memory_space<hbm>> -> memref<10112x128xf32, #tpu.memory_space<hbm>>
        tpu.wait_indirect_dma semaphore(%arg14 : memref<!tpu.dma_semaphore, #tpu.memory_space<semaphore_mem>>) src(%dma_wait3A_191 : memref<10112x128xf32, #tpu.memory_space<hbm>>) dst(%arg11 : memref<128x128xf32, #tpu.memory_space<vmem>>)
        %add3A_192 = arith.constant 1 : i32
        %add3A_193 = arith.addi %mul3A_134, %add3A_192 : i32
        "tpu.region"() ({
          %run_scoped3A = tpu.sem_alloc : memref<!tpu.dma_semaphore, #tpu.memory_space<semaphore_mem>>
          %dma_start3A_194 = arith.constant 0 : i32
          %dma_start3A_195 = tpu.memref_slice %arg9[%add3A_193, %dma_start3A_194] : memref<48x128xi32, #tpu.memory_space<vmem>> -> memref<1x128xi32, #tpu.memory_space<vmem>>
          %dma_start3A_196 = tpu.memref_squeeze %dma_start3A_195 : memref<1x128xi32, #tpu.memory_space<vmem>> -> memref<128xi32, #tpu.memory_space<vmem>>
          %dma_start3A_197 = arith.constant 0 : i32
          %dma_start3A_198 = arith.constant 0 : i32
          %dma_start3A_199 = tpu.memref_slice %arg12[%dma_start3A_197, %dma_start3A_198] : memref<10112x128xf32, #tpu.memory_space<vmem_shared>> -> memref<10112x128xf32, #tpu.memory_space<vmem_shared>>
          tpu.enqueue_indirect_dma source(%arg11 : memref<128x128xf32, #tpu.memory_space<vmem>>) target(%dma_start3A_199 : memref<10112x128xf32, #tpu.memory_space<vmem_shared>>) offsets(%dma_start3A_196 : memref<128xi32, #tpu.memory_space<vmem>>) semaphore(%run_scoped3A : memref<!tpu.dma_semaphore, #tpu.memory_space<semaphore_mem>>) {add = true}
          %dma_wait3A_200 = arith.constant 0 : i32
          %dma_wait3A_201 = tpu.memref_slice %arg9[%add3A_193, %dma_wait3A_200] : memref<48x128xi32, #tpu.memory_space<vmem>> -> memref<1x128xi32, #tpu.memory_space<vmem>>
          %dma_wait3A_202 = tpu.memref_squeeze %dma_wait3A_201 : memref<1x128xi32, #tpu.memory_space<vmem>> -> memref<128xi32, #tpu.memory_space<vmem>>
          %dma_wait3A_203 = arith.constant 0 : i32
          %dma_wait3A_204 = arith.constant 0 : i32
          %dma_wait3A_205 = tpu.memref_slice %arg12[%dma_wait3A_203, %dma_wait3A_204] : memref<10112x128xf32, #tpu.memory_space<vmem_shared>> -> memref<10112x128xf32, #tpu.memory_space<vmem_shared>>
          tpu.wait_indirect_dma semaphore(%run_scoped3A : memref<!tpu.dma_semaphore, #tpu.memory_space<semaphore_mem>>) src(%arg11 : memref<128x128xf32, #tpu.memory_space<vmem>>) dst(%dma_wait3A_205 : memref<10112x128xf32, #tpu.memory_space<vmem_shared>>)
          tpu.yield
        }) : () -> ()
      }
      %scan3A_131 = arith.constant 20 : i32
    } else {
    }
    %eq3A_12 = arith.constant 1 : i32
    %eq3A_13 = arith.cmpi eq, %arg0, %eq3A_12 : i32
    %convert_element_type3A_14 = arith.extui %eq3A_13 : i1 to i32
    %cond3A_15 = arith.constant 0 : i32
    %cond3A_16 = arith.cmpi ne, %convert_element_type3A_14, %cond3A_15 : i32
    scf.if %cond3A_16 {
      %mul3A = arith.constant 80 : i32
      %mul3A_28 = arith.muli %arg1, %mul3A : i32
      %add3A = arith.constant 0 : i32
      %add3A_29 = arith.addi %mul3A_28, %add3A : i32
      "tpu.region"() ({
        %run_scoped3A = tpu.sem_alloc : memref<!tpu.dma_semaphore, #tpu.memory_space<semaphore_mem>>
        %dma_start3A_132 = arith.constant 0 : i32
        %dma_start3A_133 = arith.constant 0 : i32
        %dma_start3A_134 = tpu.memref_slice %arg8[%dma_start3A_132, %dma_start3A_133] : memref<48x128xi32, #tpu.memory_space<vmem>> -> memref<40x128xi32, #tpu.memory_space<vmem>>
        %dma_start3A_135 = arith.constant 0 : i32
        %dma_start3A_136 = tpu.memref_slice %arg2[%add3A_29, %dma_start3A_135] : memref<1280x128xi32, #tpu.memory_space<hbm>> -> memref<40x128xi32, #tpu.memory_space<hbm>>
        %dma_start3A_137 = arith.constant 0 : i32
        %dma_start3A_138 = arith.constant 0 : i32
        %dma_start3A_139 = tpu.memref_slice %arg8[%dma_start3A_137, %dma_start3A_138] : memref<48x128xi32, #tpu.memory_space<vmem>> -> memref<40x128xi32, #tpu.memory_space<vmem>>
        %dma_start3A_140 = arith.constant 0 : i32
        %dma_start3A_141 = tpu.memref_slice %arg2[%add3A_29, %dma_start3A_140] : memref<1280x128xi32, #tpu.memory_space<hbm>> -> memref<40x128xi32, #tpu.memory_space<hbm>>
        tpu.enqueue_dma source(%dma_start3A_141 : memref<40x128xi32, #tpu.memory_space<hbm>>) target(%dma_start3A_139 : memref<40x128xi32, #tpu.memory_space<vmem>>) target_semaphore(%run_scoped3A : memref<!tpu.dma_semaphore, #tpu.memory_space<semaphore_mem>>)
        %dma_wait3A = arith.constant 0 : i32
        %dma_wait3A_142 = arith.constant 0 : i32
        %dma_wait3A_143 = tpu.memref_slice %arg8[%dma_wait3A, %dma_wait3A_142] : memref<48x128xi32, #tpu.memory_space<vmem>> -> memref<40x128xi32, #tpu.memory_space<vmem>>
        %dma_wait3A_144 = arith.constant 0 : i32
        %dma_wait3A_145 = tpu.memref_slice %arg2[%add3A_29, %dma_wait3A_144] : memref<1280x128xi32, #tpu.memory_space<hbm>> -> memref<40x128xi32, #tpu.memory_space<hbm>>
        %dma_wait3A_146 = arith.constant 0 : i32
        %dma_wait3A_147 = arith.constant 0 : i32
        %dma_wait3A_148 = tpu.memref_slice %arg8[%dma_wait3A_146, %dma_wait3A_147] : memref<48x128xi32, #tpu.memory_space<vmem>> -> memref<40x128xi32, #tpu.memory_space<vmem>>
        %dma_wait3A_149 = arith.constant 0 : i32
        %dma_wait3A_150 = tpu.memref_slice %arg2[%add3A_29, %dma_wait3A_149] : memref<1280x128xi32, #tpu.memory_space<hbm>> -> memref<40x128xi32, #tpu.memory_space<hbm>>
        tpu.wait_dma2 semaphore(%run_scoped3A : memref<!tpu.dma_semaphore, #tpu.memory_space<semaphore_mem>>) src(%dma_wait3A_150 : memref<40x128xi32, #tpu.memory_space<hbm>>) dst(%dma_wait3A_148 : memref<40x128xi32, #tpu.memory_space<vmem>>)
        tpu.yield
      }) : () -> ()
      %mul3A_30 = arith.constant 80 : i32
      %mul3A_31 = arith.muli %arg1, %mul3A_30 : i32
      %add3A_32 = arith.constant 0 : i32
      %add3A_33 = arith.addi %mul3A_31, %add3A_32 : i32
      "tpu.region"() ({
        %run_scoped3A = tpu.sem_alloc : memref<!tpu.dma_semaphore, #tpu.memory_space<semaphore_mem>>
        %dma_start3A_132 = arith.constant 0 : i32
        %dma_start3A_133 = arith.constant 0 : i32
        %dma_start3A_134 = tpu.memref_slice %arg9[%dma_start3A_132, %dma_start3A_133] : memref<48x128xi32, #tpu.memory_space<vmem>> -> memref<40x128xi32, #tpu.memory_space<vmem>>
        %dma_start3A_135 = arith.constant 0 : i32
        %dma_start3A_136 = tpu.memref_slice %arg3[%add3A_33, %dma_start3A_135] : memref<1280x128xi32, #tpu.memory_space<hbm>> -> memref<40x128xi32, #tpu.memory_space<hbm>>
        %dma_start3A_137 = arith.constant 0 : i32
        %dma_start3A_138 = arith.constant 0 : i32
        %dma_start3A_139 = tpu.memref_slice %arg9[%dma_start3A_137, %dma_start3A_138] : memref<48x128xi32, #tpu.memory_space<vmem>> -> memref<40x128xi32, #tpu.memory_space<vmem>>
        %dma_start3A_140 = arith.constant 0 : i32
        %dma_start3A_141 = tpu.memref_slice %arg3[%add3A_33, %dma_start3A_140] : memref<1280x128xi32, #tpu.memory_space<hbm>> -> memref<40x128xi32, #tpu.memory_space<hbm>>
        tpu.enqueue_dma source(%dma_start3A_141 : memref<40x128xi32, #tpu.memory_space<hbm>>) target(%dma_start3A_139 : memref<40x128xi32, #tpu.memory_space<vmem>>) target_semaphore(%run_scoped3A : memref<!tpu.dma_semaphore, #tpu.memory_space<semaphore_mem>>)
        %dma_wait3A = arith.constant 0 : i32
        %dma_wait3A_142 = arith.constant 0 : i32
        %dma_wait3A_143 = tpu.memref_slice %arg9[%dma_wait3A, %dma_wait3A_142] : memref<48x128xi32, #tpu.memory_space<vmem>> -> memref<40x128xi32, #tpu.memory_space<vmem>>
        %dma_wait3A_144 = arith.constant 0 : i32
        %dma_wait3A_145 = tpu.memref_slice %arg3[%add3A_33, %dma_wait3A_144] : memref<1280x128xi32, #tpu.memory_space<hbm>> -> memref<40x128xi32, #tpu.memory_space<hbm>>
        %dma_wait3A_146 = arith.constant 0 : i32
        %dma_wait3A_147 = arith.constant 0 : i32
        %dma_wait3A_148 = tpu.memref_slice %arg9[%dma_wait3A_146, %dma_wait3A_147] : memref<48x128xi32, #tpu.memory_space<vmem>> -> memref<40x128xi32, #tpu.memory_space<vmem>>
        %dma_wait3A_149 = arith.constant 0 : i32
        %dma_wait3A_150 = tpu.memref_slice %arg3[%add3A_33, %dma_wait3A_149] : memref<1280x128xi32, #tpu.memory_space<hbm>> -> memref<40x128xi32, #tpu.memory_space<hbm>>
        tpu.wait_dma2 semaphore(%run_scoped3A : memref<!tpu.dma_semaphore, #tpu.memory_space<semaphore_mem>>) src(%dma_wait3A_150 : memref<40x128xi32, #tpu.memory_space<hbm>>) dst(%dma_wait3A_148 : memref<40x128xi32, #tpu.memory_space<vmem>>)
        tpu.yield
      }) : () -> ()
      %dma_start3A = arith.constant 0 : i32
      %dma_start3A_34 = arith.constant 0 : i32
      %dma_start3A_35 = arith.constant 0 : i32
      %dma_start3A_36 = tpu.memref_slice %arg10[%dma_start3A_34, %dma_start3A_35] : memref<128x128xf32, #tpu.memory_space<vmem>> -> memref<32x128xf32, #tpu.memory_space<vmem>>
      %dma_start3A_37 = arith.constant 0 : i32
      %dma_start3A_38 = tpu.memref_slice %arg8[%dma_start3A, %dma_start3A_37] : memref<48x128xi32, #tpu.memory_space<vmem>> -> memref<1x32xi32, #tpu.memory_space<vmem>>
      %dma_start3A_39 = tpu.memref_squeeze %dma_start3A_38 : memref<1x32xi32, #tpu.memory_space<vmem>> -> memref<32xi32, #tpu.memory_space<vmem>>
      %dma_start3A_40 = arith.constant 0 : i32
      %dma_start3A_41 = arith.constant 0 : i32
      %dma_start3A_42 = tpu.memref_slice %arg5[%dma_start3A_40, %dma_start3A_41] : memref<10112x128xf32, #tpu.memory_space<hbm>> -> memref<10112x128xf32, #tpu.memory_space<hbm>>
      tpu.enqueue_indirect_dma source(%dma_start3A_42 : memref<10112x128xf32, #tpu.memory_space<hbm>>) target(%dma_start3A_36 : memref<32x128xf32, #tpu.memory_space<vmem>>) offsets(%dma_start3A_39 : memref<32xi32, #tpu.memory_space<vmem>>) semaphore(%arg13 : memref<!tpu.dma_semaphore, #tpu.memory_space<semaphore_mem>>)
      %dma_start3A_43 = arith.constant 0 : i32
      %dma_start3A_44 = arith.constant 32 : i32
      %dma_start3A_45 = arith.constant 0 : i32
      %dma_start3A_46 = tpu.memref_slice %arg10[%dma_start3A_44, %dma_start3A_45] : memref<128x128xf32, #tpu.memory_space<vmem>> -> memref<32x128xf32, #tpu.memory_space<vmem>>
      %dma_start3A_47 = arith.constant 32 : i32
      %dma_start3A_48 = tpu.memref_slice %arg8[%dma_start3A_43, %dma_start3A_47] : memref<48x128xi32, #tpu.memory_space<vmem>> -> memref<1x32xi32, #tpu.memory_space<vmem>>
      %dma_start3A_49 = tpu.memref_squeeze %dma_start3A_48 : memref<1x32xi32, #tpu.memory_space<vmem>> -> memref<32xi32, #tpu.memory_space<vmem>>
      %dma_start3A_50 = arith.constant 0 : i32
      %dma_start3A_51 = arith.constant 0 : i32
      %dma_start3A_52 = tpu.memref_slice %arg5[%dma_start3A_50, %dma_start3A_51] : memref<10112x128xf32, #tpu.memory_space<hbm>> -> memref<10112x128xf32, #tpu.memory_space<hbm>>
      tpu.enqueue_indirect_dma source(%dma_start3A_52 : memref<10112x128xf32, #tpu.memory_space<hbm>>) target(%dma_start3A_46 : memref<32x128xf32, #tpu.memory_space<vmem>>) offsets(%dma_start3A_49 : memref<32xi32, #tpu.memory_space<vmem>>) semaphore(%arg13 : memref<!tpu.dma_semaphore, #tpu.memory_space<semaphore_mem>>)
      %dma_start3A_53 = arith.constant 0 : i32
      %dma_start3A_54 = arith.constant 64 : i32
      %dma_start3A_55 = arith.constant 0 : i32
      %dma_start3A_56 = tpu.memref_slice %arg10[%dma_start3A_54, %dma_start3A_55] : memref<128x128xf32, #tpu.memory_space<vmem>> -> memref<32x128xf32, #tpu.memory_space<vmem>>
      %dma_start3A_57 = arith.constant 64 : i32
      %dma_start3A_58 = tpu.memref_slice %arg8[%dma_start3A_53, %dma_start3A_57] : memref<48x128xi32, #tpu.memory_space<vmem>> -> memref<1x32xi32, #tpu.memory_space<vmem>>
      %dma_start3A_59 = tpu.memref_squeeze %dma_start3A_58 : memref<1x32xi32, #tpu.memory_space<vmem>> -> memref<32xi32, #tpu.memory_space<vmem>>
      %dma_start3A_60 = arith.constant 0 : i32
      %dma_start3A_61 = arith.constant 0 : i32
      %dma_start3A_62 = tpu.memref_slice %arg5[%dma_start3A_60, %dma_start3A_61] : memref<10112x128xf32, #tpu.memory_space<hbm>> -> memref<10112x128xf32, #tpu.memory_space<hbm>>
      tpu.enqueue_indirect_dma source(%dma_start3A_62 : memref<10112x128xf32, #tpu.memory_space<hbm>>) target(%dma_start3A_56 : memref<32x128xf32, #tpu.memory_space<vmem>>) offsets(%dma_start3A_59 : memref<32xi32, #tpu.memory_space<vmem>>) semaphore(%arg13 : memref<!tpu.dma_semaphore, #tpu.memory_space<semaphore_mem>>)
      %dma_start3A_63 = arith.constant 0 : i32
      %dma_start3A_64 = arith.constant 96 : i32
      %dma_start3A_65 = arith.constant 0 : i32
      %dma_start3A_66 = tpu.memref_slice %arg10[%dma_start3A_64, %dma_start3A_65] : memref<128x128xf32, #tpu.memory_space<vmem>> -> memref<32x128xf32, #tpu.memory_space<vmem>>
      %dma_start3A_67 = arith.constant 96 : i32
      %dma_start3A_68 = tpu.memref_slice %arg8[%dma_start3A_63, %dma_start3A_67] : memref<48x128xi32, #tpu.memory_space<vmem>> -> memref<1x32xi32, #tpu.memory_space<vmem>>
      %dma_start3A_69 = tpu.memref_squeeze %dma_start3A_68 : memref<1x32xi32, #tpu.memory_space<vmem>> -> memref<32xi32, #tpu.memory_space<vmem>>
      %dma_start3A_70 = arith.constant 0 : i32
      %dma_start3A_71 = arith.constant 0 : i32
      %dma_start3A_72 = tpu.memref_slice %arg5[%dma_start3A_70, %dma_start3A_71] : memref<10112x128xf32, #tpu.memory_space<hbm>> -> memref<10112x128xf32, #tpu.memory_space<hbm>>
      tpu.enqueue_indirect_dma source(%dma_start3A_72 : memref<10112x128xf32, #tpu.memory_space<hbm>>) target(%dma_start3A_66 : memref<32x128xf32, #tpu.memory_space<vmem>>) offsets(%dma_start3A_69 : memref<32xi32, #tpu.memory_space<vmem>>) semaphore(%arg13 : memref<!tpu.dma_semaphore, #tpu.memory_space<semaphore_mem>>)
      %scan3A = arith.constant 0 : i32
      %scan3A_73 = arith.constant 0 : i32
      %scan3A_74 = arith.constant 20 : i32
      %scan3A_75 = arith.addi %scan3A_73, %scan3A_74 : i32
      %scan3A_76 = arith.constant 1 : i32
      scf.for %scan3A_132 = %scan3A_73 to %scan3A_75 step %scan3A_76  : i32 {
        %mul3A_133 = arith.constant 2 : i32
        %mul3A_134 = arith.muli %mul3A_133, %scan3A_132 : i32
        %add3A_135 = arith.constant 1 : i32
        %add3A_136 = arith.addi %mul3A_134, %add3A_135 : i32
        %dma_start3A_137 = arith.constant 0 : i32
        %dma_start3A_138 = arith.constant 0 : i32
        %dma_start3A_139 = tpu.memref_slice %arg11[%dma_start3A_137, %dma_start3A_138] : memref<128x128xf32, #tpu.memory_space<vmem>> -> memref<32x128xf32, #tpu.memory_space<vmem>>
        %dma_start3A_140 = arith.constant 0 : i32
        %dma_start3A_141 = tpu.memref_slice %arg8[%add3A_136, %dma_start3A_140] : memref<48x128xi32, #tpu.memory_space<vmem>> -> memref<1x32xi32, #tpu.memory_space<vmem>>
        %dma_start3A_142 = tpu.memref_squeeze %dma_start3A_141 : memref<1x32xi32, #tpu.memory_space<vmem>> -> memref<32xi32, #tpu.memory_space<vmem>>
        %dma_start3A_143 = arith.constant 0 : i32
        %dma_start3A_144 = arith.constant 0 : i32
        %dma_start3A_145 = tpu.memref_slice %arg5[%dma_start3A_143, %dma_start3A_144] : memref<10112x128xf32, #tpu.memory_space<hbm>> -> memref<10112x128xf32, #tpu.memory_space<hbm>>
        tpu.enqueue_indirect_dma source(%dma_start3A_145 : memref<10112x128xf32, #tpu.memory_space<hbm>>) target(%dma_start3A_139 : memref<32x128xf32, #tpu.memory_space<vmem>>) offsets(%dma_start3A_142 : memref<32xi32, #tpu.memory_space<vmem>>) semaphore(%arg14 : memref<!tpu.dma_semaphore, #tpu.memory_space<semaphore_mem>>)
        %dma_start3A_146 = arith.constant 32 : i32
        %dma_start3A_147 = arith.constant 0 : i32
        %dma_start3A_148 = tpu.memref_slice %arg11[%dma_start3A_146, %dma_start3A_147] : memref<128x128xf32, #tpu.memory_space<vmem>> -> memref<32x128xf32, #tpu.memory_space<vmem>>
        %dma_start3A_149 = arith.constant 32 : i32
        %dma_start3A_150 = tpu.memref_slice %arg8[%add3A_136, %dma_start3A_149] : memref<48x128xi32, #tpu.memory_space<vmem>> -> memref<1x32xi32, #tpu.memory_space<vmem>>
        %dma_start3A_151 = tpu.memref_squeeze %dma_start3A_150 : memref<1x32xi32, #tpu.memory_space<vmem>> -> memref<32xi32, #tpu.memory_space<vmem>>
        %dma_start3A_152 = arith.constant 0 : i32
        %dma_start3A_153 = arith.constant 0 : i32
        %dma_start3A_154 = tpu.memref_slice %arg5[%dma_start3A_152, %dma_start3A_153] : memref<10112x128xf32, #tpu.memory_space<hbm>> -> memref<10112x128xf32, #tpu.memory_space<hbm>>
        tpu.enqueue_indirect_dma source(%dma_start3A_154 : memref<10112x128xf32, #tpu.memory_space<hbm>>) target(%dma_start3A_148 : memref<32x128xf32, #tpu.memory_space<vmem>>) offsets(%dma_start3A_151 : memref<32xi32, #tpu.memory_space<vmem>>) semaphore(%arg14 : memref<!tpu.dma_semaphore, #tpu.memory_space<semaphore_mem>>)
        %dma_start3A_155 = arith.constant 64 : i32
        %dma_start3A_156 = arith.constant 0 : i32
        %dma_start3A_157 = tpu.memref_slice %arg11[%dma_start3A_155, %dma_start3A_156] : memref<128x128xf32, #tpu.memory_space<vmem>> -> memref<32x128xf32, #tpu.memory_space<vmem>>
        %dma_start3A_158 = arith.constant 64 : i32
        %dma_start3A_159 = tpu.memref_slice %arg8[%add3A_136, %dma_start3A_158] : memref<48x128xi32, #tpu.memory_space<vmem>> -> memref<1x32xi32, #tpu.memory_space<vmem>>
        %dma_start3A_160 = tpu.memref_squeeze %dma_start3A_159 : memref<1x32xi32, #tpu.memory_space<vmem>> -> memref<32xi32, #tpu.memory_space<vmem>>
        %dma_start3A_161 = arith.constant 0 : i32
        %dma_start3A_162 = arith.constant 0 : i32
        %dma_start3A_163 = tpu.memref_slice %arg5[%dma_start3A_161, %dma_start3A_162] : memref<10112x128xf32, #tpu.memory_space<hbm>> -> memref<10112x128xf32, #tpu.memory_space<hbm>>
        tpu.enqueue_indirect_dma source(%dma_start3A_163 : memref<10112x128xf32, #tpu.memory_space<hbm>>) target(%dma_start3A_157 : memref<32x128xf32, #tpu.memory_space<vmem>>) offsets(%dma_start3A_160 : memref<32xi32, #tpu.memory_space<vmem>>) semaphore(%arg14 : memref<!tpu.dma_semaphore, #tpu.memory_space<semaphore_mem>>)
        %dma_start3A_164 = arith.constant 96 : i32
        %dma_start3A_165 = arith.constant 0 : i32
        %dma_start3A_166 = tpu.memref_slice %arg11[%dma_start3A_164, %dma_start3A_165] : memref<128x128xf32, #tpu.memory_space<vmem>> -> memref<32x128xf32, #tpu.memory_space<vmem>>
        %dma_start3A_167 = arith.constant 96 : i32
        %dma_start3A_168 = tpu.memref_slice %arg8[%add3A_136, %dma_start3A_167] : memref<48x128xi32, #tpu.memory_space<vmem>> -> memref<1x32xi32, #tpu.memory_space<vmem>>
        %dma_start3A_169 = tpu.memref_squeeze %dma_start3A_168 : memref<1x32xi32, #tpu.memory_space<vmem>> -> memref<32xi32, #tpu.memory_space<vmem>>
        %dma_start3A_170 = arith.constant 0 : i32
        %dma_start3A_171 = arith.constant 0 : i32
        %dma_start3A_172 = tpu.memref_slice %arg5[%dma_start3A_170, %dma_start3A_171] : memref<10112x128xf32, #tpu.memory_space<hbm>> -> memref<10112x128xf32, #tpu.memory_space<hbm>>
        tpu.enqueue_indirect_dma source(%dma_start3A_172 : memref<10112x128xf32, #tpu.memory_space<hbm>>) target(%dma_start3A_166 : memref<32x128xf32, #tpu.memory_space<vmem>>) offsets(%dma_start3A_169 : memref<32xi32, #tpu.memory_space<vmem>>) semaphore(%arg14 : memref<!tpu.dma_semaphore, #tpu.memory_space<semaphore_mem>>)
        %dma_wait3A = arith.constant 0 : i32
        %dma_wait3A_173 = arith.constant 0 : i32
        %dma_wait3A_174 = tpu.memref_slice %arg8[%dma_wait3A, %dma_wait3A_173] : memref<48x128xi32, #tpu.memory_space<vmem>> -> memref<1x128xi32, #tpu.memory_space<vmem>>
        %dma_wait3A_175 = tpu.memref_squeeze %dma_wait3A_174 : memref<1x128xi32, #tpu.memory_space<vmem>> -> memref<128xi32, #tpu.memory_space<vmem>>
        %dma_wait3A_176 = arith.constant 0 : i32
        %dma_wait3A_177 = arith.constant 0 : i32
        %dma_wait3A_178 = tpu.memref_slice %arg5[%dma_wait3A_176, %dma_wait3A_177] : memref<10112x128xf32, #tpu.memory_space<hbm>> -> memref<10112x128xf32, #tpu.memory_space<hbm>>
        tpu.wait_indirect_dma semaphore(%arg13 : memref<!tpu.dma_semaphore, #tpu.memory_space<semaphore_mem>>) src(%dma_wait3A_178 : memref<10112x128xf32, #tpu.memory_space<hbm>>) dst(%arg10 : memref<128x128xf32, #tpu.memory_space<vmem>>)
        "tpu.region"() ({
          %run_scoped3A = tpu.sem_alloc : memref<!tpu.dma_semaphore, #tpu.memory_space<semaphore_mem>>
          %dma_start3A_194 = arith.constant 0 : i32
          %dma_start3A_195 = tpu.memref_slice %arg9[%mul3A_134, %dma_start3A_194] : memref<48x128xi32, #tpu.memory_space<vmem>> -> memref<1x128xi32, #tpu.memory_space<vmem>>
          %dma_start3A_196 = tpu.memref_squeeze %dma_start3A_195 : memref<1x128xi32, #tpu.memory_space<vmem>> -> memref<128xi32, #tpu.memory_space<vmem>>
          %dma_start3A_197 = arith.constant 0 : i32
          %dma_start3A_198 = arith.constant 0 : i32
          %dma_start3A_199 = tpu.memref_slice %arg12[%dma_start3A_197, %dma_start3A_198] : memref<10112x128xf32, #tpu.memory_space<vmem_shared>> -> memref<10112x128xf32, #tpu.memory_space<vmem_shared>>
          tpu.enqueue_indirect_dma source(%arg10 : memref<128x128xf32, #tpu.memory_space<vmem>>) target(%dma_start3A_199 : memref<10112x128xf32, #tpu.memory_space<vmem_shared>>) offsets(%dma_start3A_196 : memref<128xi32, #tpu.memory_space<vmem>>) semaphore(%run_scoped3A : memref<!tpu.dma_semaphore, #tpu.memory_space<semaphore_mem>>) {add = true}
          %dma_wait3A_200 = arith.constant 0 : i32
          %dma_wait3A_201 = tpu.memref_slice %arg9[%mul3A_134, %dma_wait3A_200] : memref<48x128xi32, #tpu.memory_space<vmem>> -> memref<1x128xi32, #tpu.memory_space<vmem>>
          %dma_wait3A_202 = tpu.memref_squeeze %dma_wait3A_201 : memref<1x128xi32, #tpu.memory_space<vmem>> -> memref<128xi32, #tpu.memory_space<vmem>>
          %dma_wait3A_203 = arith.constant 0 : i32
          %dma_wait3A_204 = arith.constant 0 : i32
          %dma_wait3A_205 = tpu.memref_slice %arg12[%dma_wait3A_203, %dma_wait3A_204] : memref<10112x128xf32, #tpu.memory_space<vmem_shared>> -> memref<10112x128xf32, #tpu.memory_space<vmem_shared>>
          tpu.wait_indirect_dma semaphore(%run_scoped3A : memref<!tpu.dma_semaphore, #tpu.memory_space<semaphore_mem>>) src(%arg10 : memref<128x128xf32, #tpu.memory_space<vmem>>) dst(%dma_wait3A_205 : memref<10112x128xf32, #tpu.memory_space<vmem_shared>>)
          tpu.yield
        }) : () -> ()
        %add3A_179 = arith.constant 2 : i32
        %add3A_180 = arith.addi %mul3A_134, %add3A_179 : i32
        %lt3A = arith.constant 40 : i32
        %lt3A_181 = arith.cmpi slt, %add3A_180, %lt3A : i32
        %convert_element_type3A_182 = arith.extui %lt3A_181 : i1 to i32
        %cond3A_183 = arith.constant 0 : i32
        %cond3A_184 = arith.cmpi ne, %convert_element_type3A_182, %cond3A_183 : i32
        scf.if %cond3A_184 {
          %add3A_194 = arith.constant 2 : i32
          %add3A_195 = arith.addi %mul3A_134, %add3A_194 : i32
          %dma_start3A_196 = arith.constant 0 : i32
          %dma_start3A_197 = arith.constant 0 : i32
          %dma_start3A_198 = tpu.memref_slice %arg10[%dma_start3A_196, %dma_start3A_197] : memref<128x128xf32, #tpu.memory_space<vmem>> -> memref<32x128xf32, #tpu.memory_space<vmem>>
          %dma_start3A_199 = arith.constant 0 : i32
          %dma_start3A_200 = tpu.memref_slice %arg8[%add3A_195, %dma_start3A_199] : memref<48x128xi32, #tpu.memory_space<vmem>> -> memref<1x32xi32, #tpu.memory_space<vmem>>
          %dma_start3A_201 = tpu.memref_squeeze %dma_start3A_200 : memref<1x32xi32, #tpu.memory_space<vmem>> -> memref<32xi32, #tpu.memory_space<vmem>>
          %dma_start3A_202 = arith.constant 0 : i32
          %dma_start3A_203 = arith.constant 0 : i32
          %dma_start3A_204 = tpu.memref_slice %arg5[%dma_start3A_202, %dma_start3A_203] : memref<10112x128xf32, #tpu.memory_space<hbm>> -> memref<10112x128xf32, #tpu.memory_space<hbm>>
          tpu.enqueue_indirect_dma source(%dma_start3A_204 : memref<10112x128xf32, #tpu.memory_space<hbm>>) target(%dma_start3A_198 : memref<32x128xf32, #tpu.memory_space<vmem>>) offsets(%dma_start3A_201 : memref<32xi32, #tpu.memory_space<vmem>>) semaphore(%arg13 : memref<!tpu.dma_semaphore, #tpu.memory_space<semaphore_mem>>)
          %dma_start3A_205 = arith.constant 32 : i32
          %dma_start3A_206 = arith.constant 0 : i32
          %dma_start3A_207 = tpu.memref_slice %arg10[%dma_start3A_205, %dma_start3A_206] : memref<128x128xf32, #tpu.memory_space<vmem>> -> memref<32x128xf32, #tpu.memory_space<vmem>>
          %dma_start3A_208 = arith.constant 32 : i32
          %dma_start3A_209 = tpu.memref_slice %arg8[%add3A_195, %dma_start3A_208] : memref<48x128xi32, #tpu.memory_space<vmem>> -> memref<1x32xi32, #tpu.memory_space<vmem>>
          %dma_start3A_210 = tpu.memref_squeeze %dma_start3A_209 : memref<1x32xi32, #tpu.memory_space<vmem>> -> memref<32xi32, #tpu.memory_space<vmem>>
          %dma_start3A_211 = arith.constant 0 : i32
          %dma_start3A_212 = arith.constant 0 : i32
          %dma_start3A_213 = tpu.memref_slice %arg5[%dma_start3A_211, %dma_start3A_212] : memref<10112x128xf32, #tpu.memory_space<hbm>> -> memref<10112x128xf32, #tpu.memory_space<hbm>>
          tpu.enqueue_indirect_dma source(%dma_start3A_213 : memref<10112x128xf32, #tpu.memory_space<hbm>>) target(%dma_start3A_207 : memref<32x128xf32, #tpu.memory_space<vmem>>) offsets(%dma_start3A_210 : memref<32xi32, #tpu.memory_space<vmem>>) semaphore(%arg13 : memref<!tpu.dma_semaphore, #tpu.memory_space<semaphore_mem>>)
          %dma_start3A_214 = arith.constant 64 : i32
          %dma_start3A_215 = arith.constant 0 : i32
          %dma_start3A_216 = tpu.memref_slice %arg10[%dma_start3A_214, %dma_start3A_215] : memref<128x128xf32, #tpu.memory_space<vmem>> -> memref<32x128xf32, #tpu.memory_space<vmem>>
          %dma_start3A_217 = arith.constant 64 : i32
          %dma_start3A_218 = tpu.memref_slice %arg8[%add3A_195, %dma_start3A_217] : memref<48x128xi32, #tpu.memory_space<vmem>> -> memref<1x32xi32, #tpu.memory_space<vmem>>
          %dma_start3A_219 = tpu.memref_squeeze %dma_start3A_218 : memref<1x32xi32, #tpu.memory_space<vmem>> -> memref<32xi32, #tpu.memory_space<vmem>>
          %dma_start3A_220 = arith.constant 0 : i32
          %dma_start3A_221 = arith.constant 0 : i32
          %dma_start3A_222 = tpu.memref_slice %arg5[%dma_start3A_220, %dma_start3A_221] : memref<10112x128xf32, #tpu.memory_space<hbm>> -> memref<10112x128xf32, #tpu.memory_space<hbm>>
          tpu.enqueue_indirect_dma source(%dma_start3A_222 : memref<10112x128xf32, #tpu.memory_space<hbm>>) target(%dma_start3A_216 : memref<32x128xf32, #tpu.memory_space<vmem>>) offsets(%dma_start3A_219 : memref<32xi32, #tpu.memory_space<vmem>>) semaphore(%arg13 : memref<!tpu.dma_semaphore, #tpu.memory_space<semaphore_mem>>)
          %dma_start3A_223 = arith.constant 96 : i32
          %dma_start3A_224 = arith.constant 0 : i32
          %dma_start3A_225 = tpu.memref_slice %arg10[%dma_start3A_223, %dma_start3A_224] : memref<128x128xf32, #tpu.memory_space<vmem>> -> memref<32x128xf32, #tpu.memory_space<vmem>>
          %dma_start3A_226 = arith.constant 96 : i32
          %dma_start3A_227 = tpu.memref_slice %arg8[%add3A_195, %dma_start3A_226] : memref<48x128xi32, #tpu.memory_space<vmem>> -> memref<1x32xi32, #tpu.memory_space<vmem>>
          %dma_start3A_228 = tpu.memref_squeeze %dma_start3A_227 : memref<1x32xi32, #tpu.memory_space<vmem>> -> memref<32xi32, #tpu.memory_space<vmem>>
          %dma_start3A_229 = arith.constant 0 : i32
          %dma_start3A_230 = arith.constant 0 : i32
          %dma_start3A_231 = tpu.memref_slice %arg5[%dma_start3A_229, %dma_start3A_230] : memref<10112x128xf32, #tpu.memory_space<hbm>> -> memref<10112x128xf32, #tpu.memory_space<hbm>>
          tpu.enqueue_indirect_dma source(%dma_start3A_231 : memref<10112x128xf32, #tpu.memory_space<hbm>>) target(%dma_start3A_225 : memref<32x128xf32, #tpu.memory_space<vmem>>) offsets(%dma_start3A_228 : memref<32xi32, #tpu.memory_space<vmem>>) semaphore(%arg13 : memref<!tpu.dma_semaphore, #tpu.memory_space<semaphore_mem>>)
        } else {
        }
        %dma_wait3A_185 = arith.constant 0 : i32
        %dma_wait3A_186 = arith.constant 0 : i32
        %dma_wait3A_187 = tpu.memref_slice %arg8[%dma_wait3A_185, %dma_wait3A_186] : memref<48x128xi32, #tpu.memory_space<vmem>> -> memref<1x128xi32, #tpu.memory_space<vmem>>
        %dma_wait3A_188 = tpu.memref_squeeze %dma_wait3A_187 : memref<1x128xi32, #tpu.memory_space<vmem>> -> memref<128xi32, #tpu.memory_space<vmem>>
        %dma_wait3A_189 = arith.constant 0 : i32
        %dma_wait3A_190 = arith.constant 0 : i32
        %dma_wait3A_191 = tpu.memref_slice %arg5[%dma_wait3A_189, %dma_wait3A_190] : memref<10112x128xf32, #tpu.memory_space<hbm>> -> memref<10112x128xf32, #tpu.memory_space<hbm>>
        tpu.wait_indirect_dma semaphore(%arg14 : memref<!tpu.dma_semaphore, #tpu.memory_space<semaphore_mem>>) src(%dma_wait3A_191 : memref<10112x128xf32, #tpu.memory_space<hbm>>) dst(%arg11 : memref<128x128xf32, #tpu.memory_space<vmem>>)
        %add3A_192 = arith.constant 1 : i32
        %add3A_193 = arith.addi %mul3A_134, %add3A_192 : i32
        "tpu.region"() ({
          %run_scoped3A = tpu.sem_alloc : memref<!tpu.dma_semaphore, #tpu.memory_space<semaphore_mem>>
          %dma_start3A_194 = arith.constant 0 : i32
          %dma_start3A_195 = tpu.memref_slice %arg9[%add3A_193, %dma_start3A_194] : memref<48x128xi32, #tpu.memory_space<vmem>> -> memref<1x128xi32, #tpu.memory_space<vmem>>
          %dma_start3A_196 = tpu.memref_squeeze %dma_start3A_195 : memref<1x128xi32, #tpu.memory_space<vmem>> -> memref<128xi32, #tpu.memory_space<vmem>>
          %dma_start3A_197 = arith.constant 0 : i32
          %dma_start3A_198 = arith.constant 0 : i32
          %dma_start3A_199 = tpu.memref_slice %arg12[%dma_start3A_197, %dma_start3A_198] : memref<10112x128xf32, #tpu.memory_space<vmem_shared>> -> memref<10112x128xf32, #tpu.memory_space<vmem_shared>>
          tpu.enqueue_indirect_dma source(%arg11 : memref<128x128xf32, #tpu.memory_space<vmem>>) target(%dma_start3A_199 : memref<10112x128xf32, #tpu.memory_space<vmem_shared>>) offsets(%dma_start3A_196 : memref<128xi32, #tpu.memory_space<vmem>>) semaphore(%run_scoped3A : memref<!tpu.dma_semaphore, #tpu.memory_space<semaphore_mem>>) {add = true}
          %dma_wait3A_200 = arith.constant 0 : i32
          %dma_wait3A_201 = tpu.memref_slice %arg9[%add3A_193, %dma_wait3A_200] : memref<48x128xi32, #tpu.memory_space<vmem>> -> memref<1x128xi32, #tpu.memory_space<vmem>>
          %dma_wait3A_202 = tpu.memref_squeeze %dma_wait3A_201 : memref<1x128xi32, #tpu.memory_space<vmem>> -> memref<128xi32, #tpu.memory_space<vmem>>
          %dma_wait3A_203 = arith.constant 0 : i32
          %dma_wait3A_204 = arith.constant 0 : i32
          %dma_wait3A_205 = tpu.memref_slice %arg12[%dma_wait3A_203, %dma_wait3A_204] : memref<10112x128xf32, #tpu.memory_space<vmem_shared>> -> memref<10112x128xf32, #tpu.memory_space<vmem_shared>>
          tpu.wait_indirect_dma semaphore(%run_scoped3A : memref<!tpu.dma_semaphore, #tpu.memory_space<semaphore_mem>>) src(%arg11 : memref<128x128xf32, #tpu.memory_space<vmem>>) dst(%dma_wait3A_205 : memref<10112x128xf32, #tpu.memory_space<vmem_shared>>)
          tpu.yield
        }) : () -> ()
      }
      %scan3A_77 = arith.constant 20 : i32
      %mul3A_78 = arith.constant 80 : i32
      %mul3A_79 = arith.muli %arg1, %mul3A_78 : i32
      %add3A_80 = arith.constant 40 : i32
      %add3A_81 = arith.addi %mul3A_79, %add3A_80 : i32
      "tpu.region"() ({
        %run_scoped3A = tpu.sem_alloc : memref<!tpu.dma_semaphore, #tpu.memory_space<semaphore_mem>>
        %dma_start3A_132 = arith.constant 0 : i32
        %dma_start3A_133 = arith.constant 0 : i32
        %dma_start3A_134 = tpu.memref_slice %arg8[%dma_start3A_132, %dma_start3A_133] : memref<48x128xi32, #tpu.memory_space<vmem>> -> memref<40x128xi32, #tpu.memory_space<vmem>>
        %dma_start3A_135 = arith.constant 0 : i32
        %dma_start3A_136 = tpu.memref_slice %arg2[%add3A_81, %dma_start3A_135] : memref<1280x128xi32, #tpu.memory_space<hbm>> -> memref<40x128xi32, #tpu.memory_space<hbm>>
        %dma_start3A_137 = arith.constant 0 : i32
        %dma_start3A_138 = arith.constant 0 : i32
        %dma_start3A_139 = tpu.memref_slice %arg8[%dma_start3A_137, %dma_start3A_138] : memref<48x128xi32, #tpu.memory_space<vmem>> -> memref<40x128xi32, #tpu.memory_space<vmem>>
        %dma_start3A_140 = arith.constant 0 : i32
        %dma_start3A_141 = tpu.memref_slice %arg2[%add3A_81, %dma_start3A_140] : memref<1280x128xi32, #tpu.memory_space<hbm>> -> memref<40x128xi32, #tpu.memory_space<hbm>>
        tpu.enqueue_dma source(%dma_start3A_141 : memref<40x128xi32, #tpu.memory_space<hbm>>) target(%dma_start3A_139 : memref<40x128xi32, #tpu.memory_space<vmem>>) target_semaphore(%run_scoped3A : memref<!tpu.dma_semaphore, #tpu.memory_space<semaphore_mem>>)
        %dma_wait3A = arith.constant 0 : i32
        %dma_wait3A_142 = arith.constant 0 : i32
        %dma_wait3A_143 = tpu.memref_slice %arg8[%dma_wait3A, %dma_wait3A_142] : memref<48x128xi32, #tpu.memory_space<vmem>> -> memref<40x128xi32, #tpu.memory_space<vmem>>
        %dma_wait3A_144 = arith.constant 0 : i32
        %dma_wait3A_145 = tpu.memref_slice %arg2[%add3A_81, %dma_wait3A_144] : memref<1280x128xi32, #tpu.memory_space<hbm>> -> memref<40x128xi32, #tpu.memory_space<hbm>>
        %dma_wait3A_146 = arith.constant 0 : i32
        %dma_wait3A_147 = arith.constant 0 : i32
        %dma_wait3A_148 = tpu.memref_slice %arg8[%dma_wait3A_146, %dma_wait3A_147] : memref<48x128xi32, #tpu.memory_space<vmem>> -> memref<40x128xi32, #tpu.memory_space<vmem>>
        %dma_wait3A_149 = arith.constant 0 : i32
        %dma_wait3A_150 = tpu.memref_slice %arg2[%add3A_81, %dma_wait3A_149] : memref<1280x128xi32, #tpu.memory_space<hbm>> -> memref<40x128xi32, #tpu.memory_space<hbm>>
        tpu.wait_dma2 semaphore(%run_scoped3A : memref<!tpu.dma_semaphore, #tpu.memory_space<semaphore_mem>>) src(%dma_wait3A_150 : memref<40x128xi32, #tpu.memory_space<hbm>>) dst(%dma_wait3A_148 : memref<40x128xi32, #tpu.memory_space<vmem>>)
        tpu.yield
      }) : () -> ()
      %mul3A_82 = arith.constant 80 : i32
      %mul3A_83 = arith.muli %arg1, %mul3A_82 : i32
      %add3A_84 = arith.constant 40 : i32
      %add3A_85 = arith.addi %mul3A_83, %add3A_84 : i32
      "tpu.region"() ({
        %run_scoped3A = tpu.sem_alloc : memref<!tpu.dma_semaphore, #tpu.memory_space<semaphore_mem>>
        %dma_start3A_132 = arith.constant 0 : i32
        %dma_start3A_133 = arith.constant 0 : i32
        %dma_start3A_134 = tpu.memref_slice %arg9[%dma_start3A_132, %dma_start3A_133] : memref<48x128xi32, #tpu.memory_space<vmem>> -> memref<40x128xi32, #tpu.memory_space<vmem>>
        %dma_start3A_135 = arith.constant 0 : i32
        %dma_start3A_136 = tpu.memref_slice %arg3[%add3A_85, %dma_start3A_135] : memref<1280x128xi32, #tpu.memory_space<hbm>> -> memref<40x128xi32, #tpu.memory_space<hbm>>
        %dma_start3A_137 = arith.constant 0 : i32
        %dma_start3A_138 = arith.constant 0 : i32
        %dma_start3A_139 = tpu.memref_slice %arg9[%dma_start3A_137, %dma_start3A_138] : memref<48x128xi32, #tpu.memory_space<vmem>> -> memref<40x128xi32, #tpu.memory_space<vmem>>
        %dma_start3A_140 = arith.constant 0 : i32
        %dma_start3A_141 = tpu.memref_slice %arg3[%add3A_85, %dma_start3A_140] : memref<1280x128xi32, #tpu.memory_space<hbm>> -> memref<40x128xi32, #tpu.memory_space<hbm>>
        tpu.enqueue_dma source(%dma_start3A_141 : memref<40x128xi32, #tpu.memory_space<hbm>>) target(%dma_start3A_139 : memref<40x128xi32, #tpu.memory_space<vmem>>) target_semaphore(%run_scoped3A : memref<!tpu.dma_semaphore, #tpu.memory_space<semaphore_mem>>)
        %dma_wait3A = arith.constant 0 : i32
        %dma_wait3A_142 = arith.constant 0 : i32
        %dma_wait3A_143 = tpu.memref_slice %arg9[%dma_wait3A, %dma_wait3A_142] : memref<48x128xi32, #tpu.memory_space<vmem>> -> memref<40x128xi32, #tpu.memory_space<vmem>>
        %dma_wait3A_144 = arith.constant 0 : i32
        %dma_wait3A_145 = tpu.memref_slice %arg3[%add3A_85, %dma_wait3A_144] : memref<1280x128xi32, #tpu.memory_space<hbm>> -> memref<40x128xi32, #tpu.memory_space<hbm>>
        %dma_wait3A_146 = arith.constant 0 : i32
        %dma_wait3A_147 = arith.constant 0 : i32
        %dma_wait3A_148 = tpu.memref_slice %arg9[%dma_wait3A_146, %dma_wait3A_147] : memref<48x128xi32, #tpu.memory_space<vmem>> -> memref<40x128xi32, #tpu.memory_space<vmem>>
        %dma_wait3A_149 = arith.constant 0 : i32
        %dma_wait3A_150 = tpu.memref_slice %arg3[%add3A_85, %dma_wait3A_149] : memref<1280x128xi32, #tpu.memory_space<hbm>> -> memref<40x128xi32, #tpu.memory_space<hbm>>
        tpu.wait_dma2 semaphore(%run_scoped3A : memref<!tpu.dma_semaphore, #tpu.memory_space<semaphore_mem>>) src(%dma_wait3A_150 : memref<40x128xi32, #tpu.memory_space<hbm>>) dst(%dma_wait3A_148 : memref<40x128xi32, #tpu.memory_space<vmem>>)
        tpu.yield
      }) : () -> ()
      %dma_start3A_86 = arith.constant 0 : i32
      %dma_start3A_87 = arith.constant 0 : i32
      %dma_start3A_88 = arith.constant 0 : i32
      %dma_start3A_89 = tpu.memref_slice %arg10[%dma_start3A_87, %dma_start3A_88] : memref<128x128xf32, #tpu.memory_space<vmem>> -> memref<32x128xf32, #tpu.memory_space<vmem>>
      %dma_start3A_90 = arith.constant 0 : i32
      %dma_start3A_91 = tpu.memref_slice %arg8[%dma_start3A_86, %dma_start3A_90] : memref<48x128xi32, #tpu.memory_space<vmem>> -> memref<1x32xi32, #tpu.memory_space<vmem>>
      %dma_start3A_92 = tpu.memref_squeeze %dma_start3A_91 : memref<1x32xi32, #tpu.memory_space<vmem>> -> memref<32xi32, #tpu.memory_space<vmem>>
      %dma_start3A_93 = arith.constant 0 : i32
      %dma_start3A_94 = arith.constant 0 : i32
      %dma_start3A_95 = tpu.memref_slice %arg5[%dma_start3A_93, %dma_start3A_94] : memref<10112x128xf32, #tpu.memory_space<hbm>> -> memref<10112x128xf32, #tpu.memory_space<hbm>>
      tpu.enqueue_indirect_dma source(%dma_start3A_95 : memref<10112x128xf32, #tpu.memory_space<hbm>>) target(%dma_start3A_89 : memref<32x128xf32, #tpu.memory_space<vmem>>) offsets(%dma_start3A_92 : memref<32xi32, #tpu.memory_space<vmem>>) semaphore(%arg13 : memref<!tpu.dma_semaphore, #tpu.memory_space<semaphore_mem>>)
      %dma_start3A_96 = arith.constant 0 : i32
      %dma_start3A_97 = arith.constant 32 : i32
      %dma_start3A_98 = arith.constant 0 : i32
      %dma_start3A_99 = tpu.memref_slice %arg10[%dma_start3A_97, %dma_start3A_98] : memref<128x128xf32, #tpu.memory_space<vmem>> -> memref<32x128xf32, #tpu.memory_space<vmem>>
      %dma_start3A_100 = arith.constant 32 : i32
      %dma_start3A_101 = tpu.memref_slice %arg8[%dma_start3A_96, %dma_start3A_100] : memref<48x128xi32, #tpu.memory_space<vmem>> -> memref<1x32xi32, #tpu.memory_space<vmem>>
      %dma_start3A_102 = tpu.memref_squeeze %dma_start3A_101 : memref<1x32xi32, #tpu.memory_space<vmem>> -> memref<32xi32, #tpu.memory_space<vmem>>
      %dma_start3A_103 = arith.constant 0 : i32
      %dma_start3A_104 = arith.constant 0 : i32
      %dma_start3A_105 = tpu.memref_slice %arg5[%dma_start3A_103, %dma_start3A_104] : memref<10112x128xf32, #tpu.memory_space<hbm>> -> memref<10112x128xf32, #tpu.memory_space<hbm>>
      tpu.enqueue_indirect_dma source(%dma_start3A_105 : memref<10112x128xf32, #tpu.memory_space<hbm>>) target(%dma_start3A_99 : memref<32x128xf32, #tpu.memory_space<vmem>>) offsets(%dma_start3A_102 : memref<32xi32, #tpu.memory_space<vmem>>) semaphore(%arg13 : memref<!tpu.dma_semaphore, #tpu.memory_space<semaphore_mem>>)
      %dma_start3A_106 = arith.constant 0 : i32
      %dma_start3A_107 = arith.constant 64 : i32
      %dma_start3A_108 = arith.constant 0 : i32
      %dma_start3A_109 = tpu.memref_slice %arg10[%dma_start3A_107, %dma_start3A_108] : memref<128x128xf32, #tpu.memory_space<vmem>> -> memref<32x128xf32, #tpu.memory_space<vmem>>
      %dma_start3A_110 = arith.constant 64 : i32
      %dma_start3A_111 = tpu.memref_slice %arg8[%dma_start3A_106, %dma_start3A_110] : memref<48x128xi32, #tpu.memory_space<vmem>> -> memref<1x32xi32, #tpu.memory_space<vmem>>
      %dma_start3A_112 = tpu.memref_squeeze %dma_start3A_111 : memref<1x32xi32, #tpu.memory_space<vmem>> -> memref<32xi32, #tpu.memory_space<vmem>>
      %dma_start3A_113 = arith.constant 0 : i32
      %dma_start3A_114 = arith.constant 0 : i32
      %dma_start3A_115 = tpu.memref_slice %arg5[%dma_start3A_113, %dma_start3A_114] : memref<10112x128xf32, #tpu.memory_space<hbm>> -> memref<10112x128xf32, #tpu.memory_space<hbm>>
      tpu.enqueue_indirect_dma source(%dma_start3A_115 : memref<10112x128xf32, #tpu.memory_space<hbm>>) target(%dma_start3A_109 : memref<32x128xf32, #tpu.memory_space<vmem>>) offsets(%dma_start3A_112 : memref<32xi32, #tpu.memory_space<vmem>>) semaphore(%arg13 : memref<!tpu.dma_semaphore, #tpu.memory_space<semaphore_mem>>)
      %dma_start3A_116 = arith.constant 0 : i32
      %dma_start3A_117 = arith.constant 96 : i32
      %dma_start3A_118 = arith.constant 0 : i32
      %dma_start3A_119 = tpu.memref_slice %arg10[%dma_start3A_117, %dma_start3A_118] : memref<128x128xf32, #tpu.memory_space<vmem>> -> memref<32x128xf32, #tpu.memory_space<vmem>>
      %dma_start3A_120 = arith.constant 96 : i32
      %dma_start3A_121 = tpu.memref_slice %arg8[%dma_start3A_116, %dma_start3A_120] : memref<48x128xi32, #tpu.memory_space<vmem>> -> memref<1x32xi32, #tpu.memory_space<vmem>>
      %dma_start3A_122 = tpu.memref_squeeze %dma_start3A_121 : memref<1x32xi32, #tpu.memory_space<vmem>> -> memref<32xi32, #tpu.memory_space<vmem>>
      %dma_start3A_123 = arith.constant 0 : i32
      %dma_start3A_124 = arith.constant 0 : i32
      %dma_start3A_125 = tpu.memref_slice %arg5[%dma_start3A_123, %dma_start3A_124] : memref<10112x128xf32, #tpu.memory_space<hbm>> -> memref<10112x128xf32, #tpu.memory_space<hbm>>
      tpu.enqueue_indirect_dma source(%dma_start3A_125 : memref<10112x128xf32, #tpu.memory_space<hbm>>) target(%dma_start3A_119 : memref<32x128xf32, #tpu.memory_space<vmem>>) offsets(%dma_start3A_122 : memref<32xi32, #tpu.memory_space<vmem>>) semaphore(%arg13 : memref<!tpu.dma_semaphore, #tpu.memory_space<semaphore_mem>>)
      %scan3A_126 = arith.constant 0 : i32
      %scan3A_127 = arith.constant 0 : i32
      %scan3A_128 = arith.constant 20 : i32
      %scan3A_129 = arith.addi %scan3A_127, %scan3A_128 : i32
      %scan3A_130 = arith.constant 1 : i32
      scf.for %scan3A_132 = %scan3A_127 to %scan3A_129 step %scan3A_130  : i32 {
        %mul3A_133 = arith.constant 2 : i32
        %mul3A_134 = arith.muli %mul3A_133, %scan3A_132 : i32
        %add3A_135 = arith.constant 1 : i32
        %add3A_136 = arith.addi %mul3A_134, %add3A_135 : i32
        %dma_start3A_137 = arith.constant 0 : i32
        %dma_start3A_138 = arith.constant 0 : i32
        %dma_start3A_139 = tpu.memref_slice %arg11[%dma_start3A_137, %dma_start3A_138] : memref<128x128xf32, #tpu.memory_space<vmem>> -> memref<32x128xf32, #tpu.memory_space<vmem>>
        %dma_start3A_140 = arith.constant 0 : i32
        %dma_start3A_141 = tpu.memref_slice %arg8[%add3A_136, %dma_start3A_140] : memref<48x128xi32, #tpu.memory_space<vmem>> -> memref<1x32xi32, #tpu.memory_space<vmem>>
        %dma_start3A_142 = tpu.memref_squeeze %dma_start3A_141 : memref<1x32xi32, #tpu.memory_space<vmem>> -> memref<32xi32, #tpu.memory_space<vmem>>
        %dma_start3A_143 = arith.constant 0 : i32
        %dma_start3A_144 = arith.constant 0 : i32
        %dma_start3A_145 = tpu.memref_slice %arg5[%dma_start3A_143, %dma_start3A_144] : memref<10112x128xf32, #tpu.memory_space<hbm>> -> memref<10112x128xf32, #tpu.memory_space<hbm>>
        tpu.enqueue_indirect_dma source(%dma_start3A_145 : memref<10112x128xf32, #tpu.memory_space<hbm>>) target(%dma_start3A_139 : memref<32x128xf32, #tpu.memory_space<vmem>>) offsets(%dma_start3A_142 : memref<32xi32, #tpu.memory_space<vmem>>) semaphore(%arg14 : memref<!tpu.dma_semaphore, #tpu.memory_space<semaphore_mem>>)
        %dma_start3A_146 = arith.constant 32 : i32
        %dma_start3A_147 = arith.constant 0 : i32
        %dma_start3A_148 = tpu.memref_slice %arg11[%dma_start3A_146, %dma_start3A_147] : memref<128x128xf32, #tpu.memory_space<vmem>> -> memref<32x128xf32, #tpu.memory_space<vmem>>
        %dma_start3A_149 = arith.constant 32 : i32
        %dma_start3A_150 = tpu.memref_slice %arg8[%add3A_136, %dma_start3A_149] : memref<48x128xi32, #tpu.memory_space<vmem>> -> memref<1x32xi32, #tpu.memory_space<vmem>>
        %dma_start3A_151 = tpu.memref_squeeze %dma_start3A_150 : memref<1x32xi32, #tpu.memory_space<vmem>> -> memref<32xi32, #tpu.memory_space<vmem>>
        %dma_start3A_152 = arith.constant 0 : i32
        %dma_start3A_153 = arith.constant 0 : i32
        %dma_start3A_154 = tpu.memref_slice %arg5[%dma_start3A_152, %dma_start3A_153] : memref<10112x128xf32, #tpu.memory_space<hbm>> -> memref<10112x128xf32, #tpu.memory_space<hbm>>
        tpu.enqueue_indirect_dma source(%dma_start3A_154 : memref<10112x128xf32, #tpu.memory_space<hbm>>) target(%dma_start3A_148 : memref<32x128xf32, #tpu.memory_space<vmem>>) offsets(%dma_start3A_151 : memref<32xi32, #tpu.memory_space<vmem>>) semaphore(%arg14 : memref<!tpu.dma_semaphore, #tpu.memory_space<semaphore_mem>>)
        %dma_start3A_155 = arith.constant 64 : i32
        %dma_start3A_156 = arith.constant 0 : i32
        %dma_start3A_157 = tpu.memref_slice %arg11[%dma_start3A_155, %dma_start3A_156] : memref<128x128xf32, #tpu.memory_space<vmem>> -> memref<32x128xf32, #tpu.memory_space<vmem>>
        %dma_start3A_158 = arith.constant 64 : i32
        %dma_start3A_159 = tpu.memref_slice %arg8[%add3A_136, %dma_start3A_158] : memref<48x128xi32, #tpu.memory_space<vmem>> -> memref<1x32xi32, #tpu.memory_space<vmem>>
        %dma_start3A_160 = tpu.memref_squeeze %dma_start3A_159 : memref<1x32xi32, #tpu.memory_space<vmem>> -> memref<32xi32, #tpu.memory_space<vmem>>
        %dma_start3A_161 = arith.constant 0 : i32
        %dma_start3A_162 = arith.constant 0 : i32
        %dma_start3A_163 = tpu.memref_slice %arg5[%dma_start3A_161, %dma_start3A_162] : memref<10112x128xf32, #tpu.memory_space<hbm>> -> memref<10112x128xf32, #tpu.memory_space<hbm>>
        tpu.enqueue_indirect_dma source(%dma_start3A_163 : memref<10112x128xf32, #tpu.memory_space<hbm>>) target(%dma_start3A_157 : memref<32x128xf32, #tpu.memory_space<vmem>>) offsets(%dma_start3A_160 : memref<32xi32, #tpu.memory_space<vmem>>) semaphore(%arg14 : memref<!tpu.dma_semaphore, #tpu.memory_space<semaphore_mem>>)
        %dma_start3A_164 = arith.constant 96 : i32
        %dma_start3A_165 = arith.constant 0 : i32
        %dma_start3A_166 = tpu.memref_slice %arg11[%dma_start3A_164, %dma_start3A_165] : memref<128x128xf32, #tpu.memory_space<vmem>> -> memref<32x128xf32, #tpu.memory_space<vmem>>
        %dma_start3A_167 = arith.constant 96 : i32
        %dma_start3A_168 = tpu.memref_slice %arg8[%add3A_136, %dma_start3A_167] : memref<48x128xi32, #tpu.memory_space<vmem>> -> memref<1x32xi32, #tpu.memory_space<vmem>>
        %dma_start3A_169 = tpu.memref_squeeze %dma_start3A_168 : memref<1x32xi32, #tpu.memory_space<vmem>> -> memref<32xi32, #tpu.memory_space<vmem>>
        %dma_start3A_170 = arith.constant 0 : i32
        %dma_start3A_171 = arith.constant 0 : i32
        %dma_start3A_172 = tpu.memref_slice %arg5[%dma_start3A_170, %dma_start3A_171] : memref<10112x128xf32, #tpu.memory_space<hbm>> -> memref<10112x128xf32, #tpu.memory_space<hbm>>
        tpu.enqueue_indirect_dma source(%dma_start3A_172 : memref<10112x128xf32, #tpu.memory_space<hbm>>) target(%dma_start3A_166 : memref<32x128xf32, #tpu.memory_space<vmem>>) offsets(%dma_start3A_169 : memref<32xi32, #tpu.memory_space<vmem>>) semaphore(%arg14 : memref<!tpu.dma_semaphore, #tpu.memory_space<semaphore_mem>>)
        %dma_wait3A = arith.constant 0 : i32
        %dma_wait3A_173 = arith.constant 0 : i32
        %dma_wait3A_174 = tpu.memref_slice %arg8[%dma_wait3A, %dma_wait3A_173] : memref<48x128xi32, #tpu.memory_space<vmem>> -> memref<1x128xi32, #tpu.memory_space<vmem>>
        %dma_wait3A_175 = tpu.memref_squeeze %dma_wait3A_174 : memref<1x128xi32, #tpu.memory_space<vmem>> -> memref<128xi32, #tpu.memory_space<vmem>>
        %dma_wait3A_176 = arith.constant 0 : i32
        %dma_wait3A_177 = arith.constant 0 : i32
        %dma_wait3A_178 = tpu.memref_slice %arg5[%dma_wait3A_176, %dma_wait3A_177] : memref<10112x128xf32, #tpu.memory_space<hbm>> -> memref<10112x128xf32, #tpu.memory_space<hbm>>
        tpu.wait_indirect_dma semaphore(%arg13 : memref<!tpu.dma_semaphore, #tpu.memory_space<semaphore_mem>>) src(%dma_wait3A_178 : memref<10112x128xf32, #tpu.memory_space<hbm>>) dst(%arg10 : memref<128x128xf32, #tpu.memory_space<vmem>>)
        "tpu.region"() ({
          %run_scoped3A = tpu.sem_alloc : memref<!tpu.dma_semaphore, #tpu.memory_space<semaphore_mem>>
          %dma_start3A_194 = arith.constant 0 : i32
          %dma_start3A_195 = tpu.memref_slice %arg9[%mul3A_134, %dma_start3A_194] : memref<48x128xi32, #tpu.memory_space<vmem>> -> memref<1x128xi32, #tpu.memory_space<vmem>>
          %dma_start3A_196 = tpu.memref_squeeze %dma_start3A_195 : memref<1x128xi32, #tpu.memory_space<vmem>> -> memref<128xi32, #tpu.memory_space<vmem>>
          %dma_start3A_197 = arith.constant 0 : i32
          %dma_start3A_198 = arith.constant 0 : i32
          %dma_start3A_199 = tpu.memref_slice %arg12[%dma_start3A_197, %dma_start3A_198] : memref<10112x128xf32, #tpu.memory_space<vmem_shared>> -> memref<10112x128xf32, #tpu.memory_space<vmem_shared>>
          tpu.enqueue_indirect_dma source(%arg10 : memref<128x128xf32, #tpu.memory_space<vmem>>) target(%dma_start3A_199 : memref<10112x128xf32, #tpu.memory_space<vmem_shared>>) offsets(%dma_start3A_196 : memref<128xi32, #tpu.memory_space<vmem>>) semaphore(%run_scoped3A : memref<!tpu.dma_semaphore, #tpu.memory_space<semaphore_mem>>) {add = true}
          %dma_wait3A_200 = arith.constant 0 : i32
          %dma_wait3A_201 = tpu.memref_slice %arg9[%mul3A_134, %dma_wait3A_200] : memref<48x128xi32, #tpu.memory_space<vmem>> -> memref<1x128xi32, #tpu.memory_space<vmem>>
          %dma_wait3A_202 = tpu.memref_squeeze %dma_wait3A_201 : memref<1x128xi32, #tpu.memory_space<vmem>> -> memref<128xi32, #tpu.memory_space<vmem>>
          %dma_wait3A_203 = arith.constant 0 : i32
          %dma_wait3A_204 = arith.constant 0 : i32
          %dma_wait3A_205 = tpu.memref_slice %arg12[%dma_wait3A_203, %dma_wait3A_204] : memref<10112x128xf32, #tpu.memory_space<vmem_shared>> -> memref<10112x128xf32, #tpu.memory_space<vmem_shared>>
          tpu.wait_indirect_dma semaphore(%run_scoped3A : memref<!tpu.dma_semaphore, #tpu.memory_space<semaphore_mem>>) src(%arg10 : memref<128x128xf32, #tpu.memory_space<vmem>>) dst(%dma_wait3A_205 : memref<10112x128xf32, #tpu.memory_space<vmem_shared>>)
          tpu.yield
        }) : () -> ()
        %add3A_179 = arith.constant 2 : i32
        %add3A_180 = arith.addi %mul3A_134, %add3A_179 : i32
        %lt3A = arith.constant 40 : i32
        %lt3A_181 = arith.cmpi slt, %add3A_180, %lt3A : i32
        %convert_element_type3A_182 = arith.extui %lt3A_181 : i1 to i32
        %cond3A_183 = arith.constant 0 : i32
        %cond3A_184 = arith.cmpi ne, %convert_element_type3A_182, %cond3A_183 : i32
        scf.if %cond3A_184 {
          %add3A_194 = arith.constant 2 : i32
          %add3A_195 = arith.addi %mul3A_134, %add3A_194 : i32
          %dma_start3A_196 = arith.constant 0 : i32
          %dma_start3A_197 = arith.constant 0 : i32
          %dma_start3A_198 = tpu.memref_slice %arg10[%dma_start3A_196, %dma_start3A_197] : memref<128x128xf32, #tpu.memory_space<vmem>> -> memref<32x128xf32, #tpu.memory_space<vmem>>
          %dma_start3A_199 = arith.constant 0 : i32
          %dma_start3A_200 = tpu.memref_slice %arg8[%add3A_195, %dma_start3A_199] : memref<48x128xi32, #tpu.memory_space<vmem>> -> memref<1x32xi32, #tpu.memory_space<vmem>>
          %dma_start3A_201 = tpu.memref_squeeze %dma_start3A_200 : memref<1x32xi32, #tpu.memory_space<vmem>> -> memref<32xi32, #tpu.memory_space<vmem>>
          %dma_start3A_202 = arith.constant 0 : i32
          %dma_start3A_203 = arith.constant 0 : i32
          %dma_start3A_204 = tpu.memref_slice %arg5[%dma_start3A_202, %dma_start3A_203] : memref<10112x128xf32, #tpu.memory_space<hbm>> -> memref<10112x128xf32, #tpu.memory_space<hbm>>
          tpu.enqueue_indirect_dma source(%dma_start3A_204 : memref<10112x128xf32, #tpu.memory_space<hbm>>) target(%dma_start3A_198 : memref<32x128xf32, #tpu.memory_space<vmem>>) offsets(%dma_start3A_201 : memref<32xi32, #tpu.memory_space<vmem>>) semaphore(%arg13 : memref<!tpu.dma_semaphore, #tpu.memory_space<semaphore_mem>>)
          %dma_start3A_205 = arith.constant 32 : i32
          %dma_start3A_206 = arith.constant 0 : i32
          %dma_start3A_207 = tpu.memref_slice %arg10[%dma_start3A_205, %dma_start3A_206] : memref<128x128xf32, #tpu.memory_space<vmem>> -> memref<32x128xf32, #tpu.memory_space<vmem>>
          %dma_start3A_208 = arith.constant 32 : i32
          %dma_start3A_209 = tpu.memref_slice %arg8[%add3A_195, %dma_start3A_208] : memref<48x128xi32, #tpu.memory_space<vmem>> -> memref<1x32xi32, #tpu.memory_space<vmem>>
          %dma_start3A_210 = tpu.memref_squeeze %dma_start3A_209 : memref<1x32xi32, #tpu.memory_space<vmem>> -> memref<32xi32, #tpu.memory_space<vmem>>
          %dma_start3A_211 = arith.constant 0 : i32
          %dma_start3A_212 = arith.constant 0 : i32
          %dma_start3A_213 = tpu.memref_slice %arg5[%dma_start3A_211, %dma_start3A_212] : memref<10112x128xf32, #tpu.memory_space<hbm>> -> memref<10112x128xf32, #tpu.memory_space<hbm>>
          tpu.enqueue_indirect_dma source(%dma_start3A_213 : memref<10112x128xf32, #tpu.memory_space<hbm>>) target(%dma_start3A_207 : memref<32x128xf32, #tpu.memory_space<vmem>>) offsets(%dma_start3A_210 : memref<32xi32, #tpu.memory_space<vmem>>) semaphore(%arg13 : memref<!tpu.dma_semaphore, #tpu.memory_space<semaphore_mem>>)
          %dma_start3A_214 = arith.constant 64 : i32
          %dma_start3A_215 = arith.constant 0 : i32
          %dma_start3A_216 = tpu.memref_slice %arg10[%dma_start3A_214, %dma_start3A_215] : memref<128x128xf32, #tpu.memory_space<vmem>> -> memref<32x128xf32, #tpu.memory_space<vmem>>
          %dma_start3A_217 = arith.constant 64 : i32
          %dma_start3A_218 = tpu.memref_slice %arg8[%add3A_195, %dma_start3A_217] : memref<48x128xi32, #tpu.memory_space<vmem>> -> memref<1x32xi32, #tpu.memory_space<vmem>>
          %dma_start3A_219 = tpu.memref_squeeze %dma_start3A_218 : memref<1x32xi32, #tpu.memory_space<vmem>> -> memref<32xi32, #tpu.memory_space<vmem>>
          %dma_start3A_220 = arith.constant 0 : i32
          %dma_start3A_221 = arith.constant 0 : i32
          %dma_start3A_222 = tpu.memref_slice %arg5[%dma_start3A_220, %dma_start3A_221] : memref<10112x128xf32, #tpu.memory_space<hbm>> -> memref<10112x128xf32, #tpu.memory_space<hbm>>
          tpu.enqueue_indirect_dma source(%dma_start3A_222 : memref<10112x128xf32, #tpu.memory_space<hbm>>) target(%dma_start3A_216 : memref<32x128xf32, #tpu.memory_space<vmem>>) offsets(%dma_start3A_219 : memref<32xi32, #tpu.memory_space<vmem>>) semaphore(%arg13 : memref<!tpu.dma_semaphore, #tpu.memory_space<semaphore_mem>>)
          %dma_start3A_223 = arith.constant 96 : i32
          %dma_start3A_224 = arith.constant 0 : i32
          %dma_start3A_225 = tpu.memref_slice %arg10[%dma_start3A_223, %dma_start3A_224] : memref<128x128xf32, #tpu.memory_space<vmem>> -> memref<32x128xf32, #tpu.memory_space<vmem>>
          %dma_start3A_226 = arith.constant 96 : i32
          %dma_start3A_227 = tpu.memref_slice %arg8[%add3A_195, %dma_start3A_226] : memref<48x128xi32, #tpu.memory_space<vmem>> -> memref<1x32xi32, #tpu.memory_space<vmem>>
          %dma_start3A_228 = tpu.memref_squeeze %dma_start3A_227 : memref<1x32xi32, #tpu.memory_space<vmem>> -> memref<32xi32, #tpu.memory_space<vmem>>
          %dma_start3A_229 = arith.constant 0 : i32
          %dma_start3A_230 = arith.constant 0 : i32
          %dma_start3A_231 = tpu.memref_slice %arg5[%dma_start3A_229, %dma_start3A_230] : memref<10112x128xf32, #tpu.memory_space<hbm>> -> memref<10112x128xf32, #tpu.memory_space<hbm>>
          tpu.enqueue_indirect_dma source(%dma_start3A_231 : memref<10112x128xf32, #tpu.memory_space<hbm>>) target(%dma_start3A_225 : memref<32x128xf32, #tpu.memory_space<vmem>>) offsets(%dma_start3A_228 : memref<32xi32, #tpu.memory_space<vmem>>) semaphore(%arg13 : memref<!tpu.dma_semaphore, #tpu.memory_space<semaphore_mem>>)
        } else {
        }
        %dma_wait3A_185 = arith.constant 0 : i32
        %dma_wait3A_186 = arith.constant 0 : i32
        %dma_wait3A_187 = tpu.memref_slice %arg8[%dma_wait3A_185, %dma_wait3A_186] : memref<48x128xi32, #tpu.memory_space<vmem>> -> memref<1x128xi32, #tpu.memory_space<vmem>>
        %dma_wait3A_188 = tpu.memref_squeeze %dma_wait3A_187 : memref<1x128xi32, #tpu.memory_space<vmem>> -> memref<128xi32, #tpu.memory_space<vmem>>
        %dma_wait3A_189 = arith.constant 0 : i32
        %dma_wait3A_190 = arith.constant 0 : i32
        %dma_wait3A_191 = tpu.memref_slice %arg5[%dma_wait3A_189, %dma_wait3A_190] : memref<10112x128xf32, #tpu.memory_space<hbm>> -> memref<10112x128xf32, #tpu.memory_space<hbm>>
        tpu.wait_indirect_dma semaphore(%arg14 : memref<!tpu.dma_semaphore, #tpu.memory_space<semaphore_mem>>) src(%dma_wait3A_191 : memref<10112x128xf32, #tpu.memory_space<hbm>>) dst(%arg11 : memref<128x128xf32, #tpu.memory_space<vmem>>)
        %add3A_192 = arith.constant 1 : i32
        %add3A_193 = arith.addi %mul3A_134, %add3A_192 : i32
        "tpu.region"() ({
          %run_scoped3A = tpu.sem_alloc : memref<!tpu.dma_semaphore, #tpu.memory_space<semaphore_mem>>
          %dma_start3A_194 = arith.constant 0 : i32
          %dma_start3A_195 = tpu.memref_slice %arg9[%add3A_193, %dma_start3A_194] : memref<48x128xi32, #tpu.memory_space<vmem>> -> memref<1x128xi32, #tpu.memory_space<vmem>>
          %dma_start3A_196 = tpu.memref_squeeze %dma_start3A_195 : memref<1x128xi32, #tpu.memory_space<vmem>> -> memref<128xi32, #tpu.memory_space<vmem>>
          %dma_start3A_197 = arith.constant 0 : i32
          %dma_start3A_198 = arith.constant 0 : i32
          %dma_start3A_199 = tpu.memref_slice %arg12[%dma_start3A_197, %dma_start3A_198] : memref<10112x128xf32, #tpu.memory_space<vmem_shared>> -> memref<10112x128xf32, #tpu.memory_space<vmem_shared>>
          tpu.enqueue_indirect_dma source(%arg11 : memref<128x128xf32, #tpu.memory_space<vmem>>) target(%dma_start3A_199 : memref<10112x128xf32, #tpu.memory_space<vmem_shared>>) offsets(%dma_start3A_196 : memref<128xi32, #tpu.memory_space<vmem>>) semaphore(%run_scoped3A : memref<!tpu.dma_semaphore, #tpu.memory_space<semaphore_mem>>) {add = true}
          %dma_wait3A_200 = arith.constant 0 : i32
          %dma_wait3A_201 = tpu.memref_slice %arg9[%add3A_193, %dma_wait3A_200] : memref<48x128xi32, #tpu.memory_space<vmem>> -> memref<1x128xi32, #tpu.memory_space<vmem>>
          %dma_wait3A_202 = tpu.memref_squeeze %dma_wait3A_201 : memref<1x128xi32, #tpu.memory_space<vmem>> -> memref<128xi32, #tpu.memory_space<vmem>>
          %dma_wait3A_203 = arith.constant 0 : i32
          %dma_wait3A_204 = arith.constant 0 : i32
          %dma_wait3A_205 = tpu.memref_slice %arg12[%dma_wait3A_203, %dma_wait3A_204] : memref<10112x128xf32, #tpu.memory_space<vmem_shared>> -> memref<10112x128xf32, #tpu.memory_space<vmem_shared>>
          tpu.wait_indirect_dma semaphore(%run_scoped3A : memref<!tpu.dma_semaphore, #tpu.memory_space<semaphore_mem>>) src(%arg11 : memref<128x128xf32, #tpu.memory_space<vmem>>) dst(%dma_wait3A_205 : memref<10112x128xf32, #tpu.memory_space<vmem_shared>>)
          tpu.yield
        }) : () -> ()
      }
      %scan3A_131 = arith.constant 20 : i32
    } else {
    }
    %barrier3A_17 = arith.constant 0 : index
    tpu.barrier barrier_id(%barrier3A_17)
    %eq3A_18 = arith.constant 0 : i32
    %eq3A_19 = arith.cmpi eq, %arg0, %eq3A_18 : i32
    %convert_element_type3A_20 = arith.extui %eq3A_19 : i1 to i32
    %cond3A_21 = arith.constant 0 : i32
    %cond3A_22 = arith.cmpi ne, %convert_element_type3A_20, %cond3A_21 : i32
    scf.if %cond3A_22 {
      %mul3A = arith.constant 632 : i32
      %mul3A_28 = arith.muli %arg1, %mul3A : i32
      %mul3A_29 = arith.constant 632 : i32
      %mul3A_30 = arith.muli %arg1, %mul3A_29 : i32
      "tpu.region"() ({
        %run_scoped3A = tpu.sem_alloc : memref<!tpu.dma_semaphore, #tpu.memory_space<semaphore_mem>>
        %dma_start3A = arith.constant 0 : i32
        %dma_start3A_31 = tpu.memref_slice %arg6[%mul3A_30, %dma_start3A] : memref<10112x128xf32, #tpu.memory_space<hbm>> -> memref<632x128xf32, #tpu.memory_space<hbm>>
        %dma_start3A_32 = arith.constant 0 : i32
        %dma_start3A_33 = tpu.memref_slice %arg12[%mul3A_28, %dma_start3A_32] : memref<10112x128xf32, #tpu.memory_space<vmem_shared>> -> memref<632x128xf32, #tpu.memory_space<vmem_shared>>
        tpu.enqueue_dma source(%dma_start3A_33 : memref<632x128xf32, #tpu.memory_space<vmem_shared>>) target(%dma_start3A_31 : memref<632x128xf32, #tpu.memory_space<hbm>>) target_semaphore(%run_scoped3A : memref<!tpu.dma_semaphore, #tpu.memory_space<semaphore_mem>>)
        %dma_wait3A = arith.constant 0 : i32
        %dma_wait3A_34 = tpu.memref_slice %arg6[%mul3A_30, %dma_wait3A] : memref<10112x128xf32, #tpu.memory_space<hbm>> -> memref<632x128xf32, #tpu.memory_space<hbm>>
        %dma_wait3A_35 = arith.constant 0 : i32
        %dma_wait3A_36 = tpu.memref_slice %arg12[%mul3A_28, %dma_wait3A_35] : memref<10112x128xf32, #tpu.memory_space<vmem_shared>> -> memref<632x128xf32, #tpu.memory_space<vmem_shared>>
        tpu.wait_dma2 semaphore(%run_scoped3A : memref<!tpu.dma_semaphore, #tpu.memory_space<semaphore_mem>>) src(%dma_wait3A_36 : memref<632x128xf32, #tpu.memory_space<vmem_shared>>) dst(%dma_wait3A_34 : memref<632x128xf32, #tpu.memory_space<hbm>>)
        tpu.yield
      }) : () -> ()
    } else {
    }
    %eq3A_23 = arith.constant 1 : i32
    %eq3A_24 = arith.cmpi eq, %arg0, %eq3A_23 : i32
    %convert_element_type3A_25 = arith.extui %eq3A_24 : i1 to i32
    %cond3A_26 = arith.constant 0 : i32
    %cond3A_27 = arith.cmpi ne, %convert_element_type3A_25, %cond3A_26 : i32
    scf.if %cond3A_27 {
      %mul3A = arith.constant 632 : i32
      %mul3A_28 = arith.muli %arg1, %mul3A : i32
      %mul3A_29 = arith.constant 632 : i32
      %mul3A_30 = arith.muli %arg1, %mul3A_29 : i32
      "tpu.region"() ({
        %run_scoped3A = tpu.sem_alloc : memref<!tpu.dma_semaphore, #tpu.memory_space<semaphore_mem>>
        %dma_start3A = arith.constant 0 : i32
        %dma_start3A_31 = tpu.memref_slice %arg7[%mul3A_30, %dma_start3A] : memref<10112x128xf32, #tpu.memory_space<hbm>> -> memref<632x128xf32, #tpu.memory_space<hbm>>
        %dma_start3A_32 = arith.constant 0 : i32
        %dma_start3A_33 = tpu.memref_slice %arg12[%mul3A_28, %dma_start3A_32] : memref<10112x128xf32, #tpu.memory_space<vmem_shared>> -> memref<632x128xf32, #tpu.memory_space<vmem_shared>>
        tpu.enqueue_dma source(%dma_start3A_33 : memref<632x128xf32, #tpu.memory_space<vmem_shared>>) target(%dma_start3A_31 : memref<632x128xf32, #tpu.memory_space<hbm>>) target_semaphore(%run_scoped3A : memref<!tpu.dma_semaphore, #tpu.memory_space<semaphore_mem>>)
        %dma_wait3A = arith.constant 0 : i32
        %dma_wait3A_34 = tpu.memref_slice %arg7[%mul3A_30, %dma_wait3A] : memref<10112x128xf32, #tpu.memory_space<hbm>> -> memref<632x128xf32, #tpu.memory_space<hbm>>
        %dma_wait3A_35 = arith.constant 0 : i32
        %dma_wait3A_36 = tpu.memref_slice %arg12[%mul3A_28, %dma_wait3A_35] : memref<10112x128xf32, #tpu.memory_space<vmem_shared>> -> memref<632x128xf32, #tpu.memory_space<vmem_shared>>
        tpu.wait_dma2 semaphore(%run_scoped3A : memref<!tpu.dma_semaphore, #tpu.memory_space<semaphore_mem>>) src(%dma_wait3A_36 : memref<632x128xf32, #tpu.memory_space<vmem_shared>>) dst(%dma_wait3A_34 : memref<632x128xf32, #tpu.memory_space<hbm>>)
        tpu.yield
      }) : () -> ()
    } else {
    }
    return
  }
}

module attributes {stable_mosaic.version = 14 : i64} {
  func.func @_tc_prep_body(%arg0: i32, %arg1: memref<1000x256xf32, #tpu.memory_space<vmem>>, %arg2: memref<256x256xf32, #tpu.memory_space<vmem>>, %arg3: memref<1000x128xf32, #tpu.memory_space<vmem>>, %arg4: memref<1000x128xf32, #tpu.memory_space<vmem>>, %arg5: memref<1000x128xf32, #tpu.memory_space<vmem>>, %arg6: memref<1000x128xf32, #tpu.memory_space<vmem>>, %arg7: memref<1000x1xf32, #tpu.memory_space<vmem>>) attributes {dimension_semantics = [#tpu.dimension_semantics<arbitrary>], iteration_bounds = array<i64: 10>, scalar_prefetch = 0 : i64, scratch_operands = 0 : i64, tpu.core_type = #tpu.core_type<tc>, window_params = [{transform_indices = @transform_0, window_bounds = array<i64: 1000, 256>}, {pipeline_mode = #tpu.pipeline_mode<synchronous>, transform_indices = @transform_1, window_bounds = array<i64: 256, 256>}, {transform_indices = @transform_2, window_bounds = array<i64: 1000, 128>}, {transform_indices = @transform_3, window_bounds = array<i64: 1000, 128>}, {transform_indices = @transform_4, window_bounds = array<i64: 1000, 128>}, {transform_indices = @transform_5, window_bounds = array<i64: 1000, 128>}, {transform_indices = @transform_6, window_bounds = array<i64: 1000, 1>}]} {
    %get3A = arith.constant 0 : index
    %get3A_0 = arith.constant 0 : index
    %get3A_1 = vector.load %arg3[%get3A, %get3A_0] : memref<1000x128xf32, #tpu.memory_space<vmem>>, vector<1000x1xf32>
    %get3A_2 = arith.constant 0 : index
    %get3A_3 = arith.constant 0 : index
    %get3A_4 = vector.load %arg4[%get3A_2, %get3A_3] : memref<1000x128xf32, #tpu.memory_space<vmem>>, vector<1000x1xf32>
    %add3A = arith.addf %get3A_1, %get3A_4 : vector<1000x1xf32>
    %add3A_5 = arith.constant 1.000000e+00 : f32
    %add3A_6 = vector.broadcast %add3A_5 : f32 to vector<1000x1xf32>
    %add3A_7 = arith.addf %add3A, %add3A_6 : vector<1000x1xf32>
    %rsqrt3A = math.rsqrt %add3A_7 : vector<1000x1xf32>
    %get3A_8 = arith.constant 0 : index
    %get3A_9 = arith.constant 0 : index
    %get3A_10 = vector.load %arg1[%get3A_8, %get3A_9] : memref<1000x256xf32, #tpu.memory_space<vmem>>, vector<1000x256xf32>
    %get3A_11 = arith.constant 0 : index
    %get3A_12 = arith.constant 0 : index
    %get3A_13 = vector.load %arg2[%get3A_11, %get3A_12] : memref<256x256xf32, #tpu.memory_space<vmem>>, vector<256x256xf32>
    %dot_general3A = arith.constant dense<0.000000e+00> : vector<1000x256xf32>
    %dot_general3A_14 = tpu.matmul %get3A_10, %get3A_13, %dot_general3A {dimension_numbers = #tpu.dot_dimension_numbers<[1], [0], [0], [1], [0, 0, 1, 1], [], []>, precision = #tpu.contract_precision<fp32>, transpose_lhs_hint = false} : vector<1000x256xf32>, vector<256x256xf32>, vector<1000x256xf32> -> vector<1000x256xf32>
    %mul3A = vector.broadcast %rsqrt3A : vector<1000x1xf32> to vector<1000x256xf32>
    %mul3A_15 = arith.mulf %dot_general3A_14, %mul3A : vector<1000x256xf32>
    %slice3A = vector.extract_strided_slice %mul3A_15 {offsets = [0, 0], sizes = [1000, 128], strides = [1, 1]} : vector<1000x256xf32> to vector<1000x128xf32>
    %swap3A = arith.constant 0 : index
    %swap3A_16 = arith.constant 0 : index
    %swap3A_17 = vector.load %arg5[%swap3A, %swap3A_16] : memref<1000x128xf32, #tpu.memory_space<vmem>>, vector<1000x128xf32>
    tpu.vector_store %arg5[%swap3A, %swap3A_16], %slice3A {strides = array<i32>} : memref<1000x128xf32, #tpu.memory_space<vmem>>, vector<1000x128xf32>,
    %slice3A_18 = vector.extract_strided_slice %mul3A_15 {offsets = [0, 128], sizes = [1000, 128], strides = [1, 1]} : vector<1000x256xf32> to vector<1000x128xf32>
    %swap3A_19 = arith.constant 0 : index
    %swap3A_20 = arith.constant 0 : index
    %swap3A_21 = vector.load %arg6[%swap3A_19, %swap3A_20] : memref<1000x128xf32, #tpu.memory_space<vmem>>, vector<1000x128xf32>
    tpu.vector_store %arg6[%swap3A_19, %swap3A_20], %slice3A_18 {strides = array<i32>} : memref<1000x128xf32, #tpu.memory_space<vmem>>, vector<1000x128xf32>,
    %swap3A_22 = arith.constant 0 : index
    %swap3A_23 = arith.constant 0 : index
    %swap3A_24 = vector.load %arg7[%swap3A_22, %swap3A_23] : memref<1000x1xf32, #tpu.memory_space<vmem>>, vector<1000x1xf32>
    tpu.vector_store %arg7[%swap3A_22, %swap3A_23], %rsqrt3A {strides = array<i32>} : memref<1000x1xf32, #tpu.memory_space<vmem>>, vector<1000x1xf32>,
    return
  }
  func.func @transform_0(%arg0: i32) -> (i32, i32) {
    %c0_i32 = arith.constant 0 : i32
    %c0_i32_0 = arith.constant 0 : i32
    return %arg0, %c0_i32 : i32, i32
  }
  func.func @transform_1(%arg0: i32) -> (i32, i32) {
    %c0_i32 = arith.constant 0 : i32
    %c0_i32_0 = arith.constant 0 : i32
    %c0_i32_1 = arith.constant 0 : i32
    return %c0_i32, %c0_i32_0 : i32, i32
  }
  func.func @transform_2(%arg0: i32) -> (i32, i32) {
    %c0_i32 = arith.constant 0 : i32
    %c0_i32_0 = arith.constant 0 : i32
    return %arg0, %c0_i32 : i32, i32
  }
  func.func @transform_3(%arg0: i32) -> (i32, i32) {
    %c0_i32 = arith.constant 0 : i32
    %c0_i32_0 = arith.constant 0 : i32
    return %arg0, %c0_i32 : i32, i32
  }
  func.func @transform_4(%arg0: i32) -> (i32, i32) {
    %c0_i32 = arith.constant 0 : i32
    %c0_i32_0 = arith.constant 0 : i32
    return %arg0, %c0_i32 : i32, i32
  }
  func.func @transform_5(%arg0: i32) -> (i32, i32) {
    %c0_i32 = arith.constant 0 : i32
    %c0_i32_0 = arith.constant 0 : i32
    return %arg0, %c0_i32 : i32, i32
  }
  func.func @transform_6(%arg0: i32) -> (i32, i32) {
    %c0_i32 = arith.constant 0 : i32
    %c0_i32_0 = arith.constant 0 : i32
    return %arg0, %c0_i32 : i32, i32
  }
}

module attributes {stable_mosaic.version = 14 : i64} {
  func.func @_tc_out_body(%arg0: i32, %arg1: memref<1000x128xf32, #tpu.memory_space<vmem>>, %arg2: memref<1000x128xf32, #tpu.memory_space<vmem>>, %arg3: memref<1000x1xf32, #tpu.memory_space<vmem>>, %arg4: memref<1x256xf32, #tpu.memory_space<vmem>>, %arg5: memref<1000x256xf32, #tpu.memory_space<vmem>>) attributes {dimension_semantics = [#tpu.dimension_semantics<arbitrary>], iteration_bounds = array<i64: 10>, scalar_prefetch = 0 : i64, scratch_operands = 0 : i64, tpu.core_type = #tpu.core_type<tc>, window_params = [{transform_indices = @transform_0, window_bounds = array<i64: 1000, 128>}, {transform_indices = @transform_1, window_bounds = array<i64: 1000, 128>}, {transform_indices = @transform_2, window_bounds = array<i64: 1000, 1>}, {pipeline_mode = #tpu.pipeline_mode<synchronous>, transform_indices = @transform_3, window_bounds = array<i64: 1, 256>}, {transform_indices = @transform_4, window_bounds = array<i64: 1000, 256>}]} {
    %get3A = arith.constant 0 : index
    %get3A_0 = arith.constant 0 : index
    %get3A_1 = vector.load %arg1[%get3A, %get3A_0] : memref<1000x128xf32, #tpu.memory_space<vmem>>, vector<1000x128xf32>
    %get3A_2 = arith.constant 0 : index
    %get3A_3 = arith.constant 0 : index
    %get3A_4 = vector.load %arg2[%get3A_2, %get3A_3] : memref<1000x128xf32, #tpu.memory_space<vmem>>, vector<1000x128xf32>
    %concatenate3A = tpu.concatenate %get3A_1, %get3A_4 in 1 : vector<1000x128xf32>, vector<1000x128xf32> -> vector<1000x256xf32>
    %get3A_5 = arith.constant 0 : index
    %get3A_6 = arith.constant 0 : index
    %get3A_7 = vector.load %arg3[%get3A_5, %get3A_6] : memref<1000x1xf32, #tpu.memory_space<vmem>>, vector<1000x1xf32>
    %mul3A = vector.broadcast %get3A_7 : vector<1000x1xf32> to vector<1000x256xf32>
    %mul3A_8 = arith.mulf %concatenate3A, %mul3A : vector<1000x256xf32>
    %get3A_9 = arith.constant 0 : index
    %get3A_10 = arith.constant 0 : index
    %get3A_11 = vector.load %arg4[%get3A_9, %get3A_10] : memref<1x256xf32, #tpu.memory_space<vmem>>, vector<1x256xf32>
    %add3A = vector.broadcast %get3A_11 : vector<1x256xf32> to vector<1000x256xf32>
    %add3A_12 = arith.addf %mul3A_8, %add3A : vector<1000x256xf32>
    %swap3A = arith.constant 0 : index
    %swap3A_13 = arith.constant 0 : index
    %swap3A_14 = vector.load %arg5[%swap3A, %swap3A_13] : memref<1000x256xf32, #tpu.memory_space<vmem>>, vector<1000x256xf32>
    tpu.vector_store %arg5[%swap3A, %swap3A_13], %add3A_12 {strides = array<i32>} : memref<1000x256xf32, #tpu.memory_space<vmem>>, vector<1000x256xf32>,
    return
  }
  func.func @transform_0(%arg0: i32) -> (i32, i32) {
    %c0_i32 = arith.constant 0 : i32
    %c0_i32_0 = arith.constant 0 : i32
    return %arg0, %c0_i32 : i32, i32
  }
  func.func @transform_1(%arg0: i32) -> (i32, i32) {
    %c0_i32 = arith.constant 0 : i32
    %c0_i32_0 = arith.constant 0 : i32
    return %arg0, %c0_i32 : i32, i32
  }
  func.func @transform_2(%arg0: i32) -> (i32, i32) {
    %c0_i32 = arith.constant 0 : i32
    %c0_i32_0 = arith.constant 0 : i32
    return %arg0, %c0_i32 : i32, i32
  }
  func.func @transform_3(%arg0: i32) -> (i32, i32) {
    %c0_i32 = arith.constant 0 : i32
    %c0_i32_0 = arith.constant 0 : i32
    %c0_i32_1 = arith.constant 0 : i32
    return %c0_i32, %c0_i32_0 : i32, i32
  }
  func.func @transform_4(%arg0: i32) -> (i32, i32) {
    %c0_i32 = arith.constant 0 : i32
    %c0_i32_0 = arith.constant 0 : i32
    return %arg0, %c0_i32 : i32, i32
  }
}

</mosaic_0001>

<sc_bundles>
// kernel: kernel.6.cloned.1.call-start
scs
__scs_entry_jumppad:
0x0: {  	(pc) =	sbr.rel $0x88, $3  }
0x1: {  	(tag) =	ssettag $0x0;
	lr =	simm.s32 $0x1  }
0x2: {  	[smem:$0x3F9D] =	sst lr;
	_ =	strace $0xD0000000  }
0x3: {  	_ = 	snop  }
0x4: {  	_ = 	snop  }
0x5: {  	_ = 	snop  }
0x6: {  	_ = 	snop  }
0x7: {  	_ = 	snop  }
__scs_overlays_trampoline_lowered:
0x8: {  	[smem:$0x3FAC] =	sst s0  }
0x9: {  	[smem:$0x3FAD] =	sst s1  }
0xa: {  	[smem:$0x3FAE] =	sst s2  }
0xb: {  	[smem:$0x3FAF] =	sst s3  }
0xc: {  	[smem:$0x3FB0] =	sst s4  }
0xd: {  	[smem:$0x3FB1] =	sst s5  }
0xe: {  	[smem:$0x3FB2] =	sst s6  }
0xf: {  	[smem:$0x3FB3] =	sst s7  }
0x10: {  	[smem:$0x3FB4] =	sst s8  }
0x11: {  	[smem:$0x3FB5] =	sst s9;
	s0 =	simm.s32 @!p0 $0x0  }
0x12: {  	s1 =	sld [smem:$0x3F9B];
	s0 =	simm.s32 @p0 $0x1  }
0x13: {  	[smem:$0x3FB6] =	sst s0;
	s0 =	simm.s32 @!p1 $0x0  }
0x14: {  	s2 =	sld [smem:$0x3F9A];
	s0 =	simm.s32 @p1 $0x1  }
0x15: {  	[smem:$0x3FB7] =	sst s0;
	s0 =	simm.s32 @!p2 $0x0  }
0x16: {  	s3 =	sld [smem:$0x3FDB];
	s0 =	simm.s32 @p2 $0x1  }
0x17: {  	s4 =	simm.s32 $0x1BF5;
	[smem:$0x3FB9] =	sst s0  }
0x18: {  	s0 =	sld [smem:$0x3F9C];
	_ =	swait.ge [sflag:s4], $0x0  }
0x19: {  	s7 =	sld [smem:$0x3F9D]  }
0x1a: {  	s8 =	sadd.s32 $0xFFFFE003, lr  }
0x1b: {  	s9 =	sadd.s32 $0xFFFFFEF7, lr;
	s5 =	simm.s32 $0xFFFFFFFF;
	p2 =	slt.u32 s8, $0xFFFFF086  }
0x1c: {  	p1 =	slt.u32 s9, $0xF7A;
	s5 =	simm.s32 @!p2 $0x0  }
0x1d: {  	s5 =	simm.s32 @p1 $0x1;
	p0 =	seq.s32 s7, s2  }
0x1e: {  	s7 =	smul.u32 @!p0 $0xF7A, s2;
	p2 =	seq.s32 @!p0 s5, $0x0  }
0x1f: {  	s9 =	smul.u32 $0xF7A, s1;
	s8 =	simm.s32 @!p0 $0x1BF5;
	p2 =	por !p2, p0  }
0x20: {  	[sflag:s8] =	ssyncset.s32 @!p0 $0xFFFFF086;
	s6 =	sadd.s32 @!p0 s3, s7;
	s7 =	simm.s32 @!p0 $0x108  }
0x21: {  	s3 =	sadd.s32 s3, s9;
	s6 =	sadd.s32 @!p0 $0x88, s6;
	s7 =	simm.s32 @p2 $0x1082  }
0x22: {  	[simem:s7], [sflag:s8] =	dma.local @!p0 [hbm:s6], $0xF7A  }
0x23: {  	s9 =	sor.u32 $0xD0000000, s2;
	s6 =	simm.s32 $0x108;
	_ =	swait.ge @!p0 [sflag:s8], $0x0  }
0x24: {  	s3 =	sadd.s32 $0x88, s3;
	s6 =	simm.s32 @!p1 $0x1082;
	[sflag:s4] =	ssyncset.s32 $0xFFFFF086  }
0x25: {  	[simem:s6], [sflag:s4] =	dma.local [hbm:s3], $0xF7A  }
0x26: {  	[smem:$0x3F9D] =	sst s1;
	(tag) =	ssettag s2;
	_ =	strace s9  }
0x27: {  	s1 =	sld [smem:$0x3FAD]  }
0x28: {  	s2 =	sld [smem:$0x3FAE]  }
0x29: {  	s4 =	sld [smem:$0x3FB0]  }
0x2a: {  	p0 =	seq.s32 s5, $0x0;
	s5 =	sld [smem:$0x3FB1]  }
0x2b: {  	s6 =	sld [smem:$0x3FB2]  }
0x2c: {  	s7 =	sld [smem:$0x3FB3]  }
0x2d: {  	s3 =	simm.s32 $0x108;
	s8 =	sld [smem:$0x3FB4]  }
0x2e: {  	s3 =	simm.s32 @!p0 $0x1082;
	s9 =	sld [smem:$0x3FB5]  }
0x2f: {  	lr =	sadd.s32 s0, s3;
	s0 =	sld [smem:$0x3FAC]  }
0x30: {  	s3 =	sld [smem:$0x3FAF]  }
0x31: {  	[smem:$0x3FB8] =	sst s10  }
0x32: {  	s10 =	sld [smem:$0x3FB6];
	_ =	sdelay $0x3  }
0x33: {  	p0 =	seq.s32 s10, $0x1;
	s10 =	sld [smem:$0x3FB8];
	_ =	sdelay $0x3  }
0x34: {  	[smem:$0x3FB8] =	sst s10  }
0x35: {  	s10 =	sld [smem:$0x3FB7];
	_ =	sdelay $0x3  }
0x36: {  	p1 =	seq.s32 s10, $0x1;
	s10 =	sld [smem:$0x3FB8];
	_ =	sdelay $0x3  }
0x37: {  	[smem:$0x3FB8] =	sst s10  }
0x38: {  	s10 =	sld [smem:$0x3FB9]  }
0x39: {  	_ = 	snop;
	(pc) =	sbr.ind lr, $3  }
0x3a: {  	_ = 	snop  }
0x3b: {  	_ = 	snop  }
0x3c: {  	p2 =	seq.s32 s10, $0x1;
	s10 =	sld [smem:$0x3FB8]  }
0x3d: {  	_ =	shalt  }
0x3e: {  	_ =	shalt  }
0x3f: {  	_ =	shalt  }
0x40: {  	_ =	shalt  }
0x41: {  	_ =	shalt  }
0x42: {  	_ =	shalt  }
0x43: {  	_ =	shalt  }
0x44: {  	_ =	shalt  }
0x45: {  	_ =	shalt  }
0x46: {  	_ =	shalt  }
0x47: {  	_ =	shalt  }
0x48: {  	_ =	shalt  }
0x49: {  	_ =	shalt  }
0x4a: {  	_ =	shalt  }
0x4b: {  	_ =	shalt  }
0x4c: {  	_ =	shalt  }
0x4d: {  	_ =	shalt  }
0x4e: {  	_ =	shalt  }
0x4f: {  	_ =	shalt  }
0x50: {  	_ =	shalt  }
0x51: {  	_ =	shalt  }
0x52: {  	_ =	shalt  }
0x53: {  	_ =	shalt  }
0x54: {  	_ =	shalt  }
0x55: {  	_ =	shalt  }
0x56: {  	_ =	shalt  }
0x57: {  	_ =	shalt  }
0x58: {  	_ =	shalt  }
0x59: {  	_ =	shalt  }
0x5a: {  	_ =	shalt  }
0x5b: {  	_ =	shalt  }
0x5c: {  	_ =	shalt  }
0x5d: {  	_ =	shalt  }
0x5e: {  	_ =	shalt  }
0x5f: {  	_ =	shalt  }
0x60: {  	_ =	shalt  }
0x61: {  	_ =	shalt  }
0x62: {  	_ =	shalt  }
0x63: {  	_ =	shalt  }
0x64: {  	_ =	shalt  }
0x65: {  	_ =	shalt  }
0x66: {  	_ =	shalt  }
0x67: {  	_ =	shalt  }
0x68: {  	_ =	shalt  }
0x69: {  	_ =	shalt  }
0x6a: {  	_ =	shalt  }
0x6b: {  	_ =	shalt  }
0x6c: {  	_ =	shalt  }
0x6d: {  	_ =	shalt  }
0x6e: {  	_ =	shalt  }
0x6f: {  	_ =	shalt  }
0x70: {  	_ =	shalt  }
0x71: {  	_ =	shalt  }
0x72: {  	_ =	shalt  }
0x73: {  	_ =	shalt  }
0x74: {  	_ =	shalt  }
0x75: {  	_ =	shalt  }
0x76: {  	_ =	shalt  }
0x77: {  	_ =	shalt  }
0x78: {  	_ =	shalt  }
0x79: {  	_ =	shalt  }
0x7a: {  	_ =	shalt  }
0x7b: {  	_ =	shalt  }
0x7c: {  	_ =	shalt  }
0x7d: {  	_ =	shalt  }
0x7e: {  	_ =	shalt  }
0x7f: {  	_ =	shalt  }
0x80: {  	_ =	shalt  }
0x81: {  	_ =	shalt  }
0x82: {  	_ =	shalt  }
0x83: {  	_ =	shalt  }
0x84: {  	_ =	shalt  }
0x85: {  	_ =	shalt  }
0x86: {  	_ =	shalt  }
0x87: {  	_ =	shalt  }
.Lfunc_end0:
.L_simem_size_0:
called_computation_lowered:
.L_overlay_start_0:
0x88: {  	s2 =	sld [smem:$0x3FD9]  }
0x89: {  	s3 =	sld [smem:$0x3FFE];
	_ =	sdelay $0x1  }
0x8a: {  	s1 =	srdreg.scid  }
0x8b: {  	s0 =	sand.u32 $0x1, s1  }
0x8c: {  	s17 =	sshll.u32 s0, $0xA;
	s2 =	sadd.s32 s3, s2  }
0x8d: {  	s2 =	sadd.s32 s2, s17  }
0x8e: {  	[smem:$0x3FC4] =	sst s2  }
0x8f: {  	_ = 	snop  }
0x90: {  	s2 =	sld [smem:$0x3FD0];
	(tm) =	ssettm $0x1  }
0x91: {  	s18 =	sld [smem:$0x3FFB];
	_ =	sdelay $0x3  }
0x92: {  	_ =	strace s18  }
0x93: {  	s3 =	sld [smem:$0x3FFC];
	_ =	sdelay $0x3  }
0x94: {  	_ =	strace s3  }
0x95: {  	s3 =	sld [smem:$0x3FFD];
	_ =	sdelay $0x3  }
0x96: {  	_ =	strace s3  }
0x97: {  	_ =	strace $0x8FFFFFFF  }
0x98: {  	s19 =	sld [smem:$0x3FDB];
	_ =	sdelay $0x1  }
0x99: {  	s4 =	simm.s32 $_scs_section_size  }
0x9a: {  	s5 =	simm.s32 $_size__tile_overlayer_lowered;
	s6 =	simm.s32 $_tile_overlayer_lowered  }
0x9b: {  	s22 =	simm.s32 $0x1BFF;
	s21 =	sshll.u32 s6, $0x1;
	s3 =	sadd.s32 s4, s19  }
0x9c: {  	s7 =	simm.s32 $0x0;
	s20 =	sshll.u32 s5, $0x1;
	s5 =	sadd.s32 s21, s3  }
0x9d: {  	[timem:s7], [sflag:s22] =	dma.local [hbm:s5], s20  }
0x9e: {  	_ =	swait.ge [sflag:s22], s20  }
0x9f: {  	s4 =	ssub.s32 $0x0, s20;
	[sflag:s22] =	ssyncset.done $0x0  }
0xa0: {  	[sflag:s22] =	ssyncadd.s32 s4;
	_ =	sdelay $0x1  }
0xa1: {  	s23 =	simm.s32 $0x1B8B  }
0xa2: {  	_ =	swait.ge [sflag:s23], $0x1  }
0xa3: {  	[sflag:s23] =	ssyncset.done $0x0  }
0xa4: {  	s25 =	simm.s32 $0x1B8E;
	s24 =	sld [smem:$0x3FFE];
	[sflag:s23] =	ssyncadd.s32 $0xFFFFFFFF  }
0xa5: {  	s26 =	simm.s32 $execute0_lowered;
	[smem:$0x3FD2] =	sst s25  }
0xa6: {  	s5 =	sshll.u32 s26, $0x1;
	_ =	strace $0x80000046;
	[dreg:$0x1] =	wrdreg $0xFFFFFFFF  }
0xa7: {  	s28 =	simm.s32 $_size_execute0_lowered;
	s3 =	sadd.s32 s3, s5;
	[dreg:$0x0] =	wrdreg $0x0  }
0xa8: {  	s5 =	sshll.u32 s28, $0x1;
	[dreg:$0x2] =	wrdreg s3  }
0xa9: {  	[dreg:$0x3] =	wrdreg s5  }
0xaa: {  	[dreg:$0x4] =	wrdreg $0xC0  }
0xab: {  	_ =	task [dreg:s7], $0x5FFFF  }
0xac: {  	[dreg:$0x1] =	wrdreg $0xFFFFFFFF  }
0xad: {  	[dreg:$0x0] =	wrdreg $0x60  }
0xae: {  	[dreg:$0x2] =	wrdreg s24  }
0xaf: {  	[dreg:$0x3] =	wrdreg s2  }
0xb0: {  	[dreg:$0x4] =	wrdreg $0x54000  }
0xb1: {  	[dreg:$0x5] =	wrdreg $0x9  }
0xb2: {  	_ =	task.clear_ibuf [dreg:s7], $0x6FFFF;
	_ =	strace $0x90000046  }
0xb3: {  	s29 =	simm.s32 $0x9;
	_ =	strace $0x80000048  }
0xb4: {  	_ =	swait.ge [sflag:s29], $0x1  }
0xb5: {  	[sflag:s29] =	ssyncadd.s32 $0xFFFFFFFF  }
0xb6: {  	_ =	strace $0x90000048  }
0xb7: {  	_ =	sfence  }
0xb8: {  	s30 =	sld [smem:$0x0];
	_ =	sdelay $0x2  }
0xb9: {  	s31 =	sshll.u32 s1, $0xD;
	s1 =	sshrl.u32 s1, $0x2  }
0xba: {  	s3 =	sand.u32 $0x4000, s31;
	s1 =	sadd.s32 s1, s30  }
0xbb: {  	s0 =	sor.u32 s3, s0;
	s1 =	sshll.u32 s1, $0x11  }
0xbc: {  	s0 =	sor.u32 s1, s0  }
0xbd: {  	s0 =	sadd.s32 $0x8F2B, s0  }
0xbe: {  	[sflag:s0] =	ssyncadd.remote.s32 $0x1  }
0xbf: {  	_ =	sfence.sel $0xFFFF  }
0xc0: {  	[dreg:$0x0] =	wrdreg $0xFFFFFFFF;
	(pc) =	sbr.abs _section_cstart, $3  }
0xc1: {  	[dreg:$0x1] =	wrdreg $0xFFFFFFFF  }
0xc2: {  	_ =	task.clear_ibuf [dreg:s7], $0x2FFFF;
	_ =	strace $0x9FFFFFFF  }
0xc3: {  	(tm) =	ssettm $0x7FFFFFFF  }
tec
execute0_lowered:
.L_overlay_start_1:
0x0: {  	(tag) =	ssettag $0x1  }
0x1: {  	s0 =	rddreg [dreg:$0x0]  }
0x2: {  	s1 =	srdreg.scid;
	s3 =	rddreg [dreg:$0x1]  }
0x3: {  	s9 =	stileid.u32;
	s2 =	rddreg [dreg:$0x2];
	s31 =	simm.s32 $0x0  }
0x4: {  	s7 =	simm.s32 $0x39000;
	[smem:$0x7FF] =	sst s31;
	s5 =	sadd.s32 $0x11000, s0  }
0x5: {  	s8 =	simm.s32 $0x300;
	_ =	strace $0x80000047;
	[dreg:$0x4] =	wrdreg s5  }
0x6: {  	s11 =	simm.s32 $0x380;
	s13 =	simm.s32 $0x400;
	[dreg:$0xc] =	wrdreg s8  }
0x7: {  	s14 =	simm.s32 $0x480;
	s16 =	simm.s32 $0x500;
	[dreg:$0xd] =	wrdreg s11  }
0x8: {  	s18 =	simm.s32 $0x580;
	s19 =	simm.s32 $0x600;
	[dreg:$0xe] =	wrdreg s13  }
0x9: {  	s20 =	simm.s32 $0x680;
	s21 =	simm.s32 $0x700;
	[dreg:$0xf] =	wrdreg s14  }
0xa: {  	s23 =	simm.s32 $0x780;
	s24 =	simm.s32 $0x800;
	[dreg:$0x10] =	wrdreg s16  }
0xb: {  	s25 =	simm.s32 $0x880;
	s26 =	simm.s32 $0x900;
	[dreg:$0x11] =	wrdreg s18  }
0xc: {  	s28 =	simm.s32 $0xA00;
	s29 =	simm.s32 $0xA80;
	[dreg:$0x12] =	wrdreg s19  }
0xd: {  	s30 =	simm.s32 $0xB00;
	s1 =	sand.u32 $0x1, s1;
	[dreg:$0x13] =	wrdreg s20  }
0xe: {  	s4 =	sshll.u32 s9, $0x1;
	s6 =	smul.u32 $0x2780, s9;
	[dreg:$0x14] =	wrdreg s21  }
0xf: {  	s12 =	smul.u32 $0x4F000, s9;
	s22 =	sshll.u32 s9, $0x6;
	[dreg:$0x15] =	wrdreg s23  }
0x10: {  	s4 =	sor.u32 s1, s4;
	p0 =	seq.s32 s1, $0x1;
	[dreg:$0x16] =	wrdreg s24  }
0x11: {  	s5 =	simm.s32 $0x180;
	s1 =	ssub.s32 $0x2, s1;
	[dreg:$0x17] =	wrdreg s25  }
0x12: {  	s8 =	simm.s32 $0x80;
	[dreg:$0x18] =	wrdreg s26;
	s26 =	simm.s32 $0x980  }
0x13: {  	s18 =	simm.s32 $0xB80;
	s19 =	simm.s32 $0xC80;
	s20 =	simm.s32 $0xD00  }
0x14: {  	s21 =	simm.s32 $0xD80;
	s23 =	simm.s32 $0xE80;
	s24 =	simm.s32 $0xF00  }
0x15: {  	s25 =	simm.s32 $0xF80;
	s11 =	simm.s32 $0x1080;
	s13 =	simm.s32 $0x1180  }
0x16: {  	s14 =	simm.s32 $0x1200;
	s16 =	simm.s32 $0x1300;
	s4 =	smul.u32 $0x280, s4  }
0x17: {  	s7 =	simm.s32 @!p0 $0x11800;
	s3 =	sadd.s32 s3, s6;
	[dreg:$0x9] =	wrdreg s5  }
0x18: {  	s10 =	sshrl.u32 s1, $0x1;
	s15 =	sshrl.u32 s12, $0x2;
	p0 =	por $0x0, $0x0  }
0x19: {  	s12 =	simm.s32 $0x1100;
	[dreg:$0x6] =	wrdreg s3;
	s1 =	ssub.s32 s1, s10  }
0x1a: {  	s17 =	sadd.s32 s15, s2;
	s3 =	simm.s32 $0x2;
	s10 =	simm.s32 $0x1000  }
0x1b: {  	s15 =	simm.s32 $0x1280;
	s4 =	sadd.s32 s4, s0;
	s0 =	sadd.s32 s7, s0  }
0x1c: {  	s7 =	simm.s32 $0x280;
	s1 =	smax.u32 s1, $0x1;
	s5 =	sshrl.u32 s17, $0x3  }
0x1d: {  	s4 =	sadd.s32 $0x2000, s4;
	[dreg:$0xb] =	wrdreg s7;
	p1 =	sne.s32 s1, $0x1  }
.Ltmp0:
0x1e: {  	s0 =	sadd.s32 s0, s6;
	[dreg:$0x5] =	wrdreg s4;
	(pc) =	sbr.rel @!p1 .LBB2_1-.Ltmp0, $4  }
0x1f: {  	s17 =	simm.s32 $0x1380;
	s6 =	simm.s32 $0x200;
	[dreg:$0x7] =	wrdreg s0  }
0x20: {  	s7 =	simm.s32 $0x1400;
	s4 =	simm.s32 $0x100;
	[dreg:$0xa] =	wrdreg s6  }
0x21: {  	s1 =	sadd.s32 $0xFFFFFFFF, s1;
	s6 =	simm.s32 $0x1;
	[dreg:$0x8] =	wrdreg s4  }
0x22: {  	s4 =	sor.u32 $0x1C02, s22;
	s22 =	simm.s32 $0xE00;
	s0 =	rddreg [dreg:$0x5]  }
0x23: {  	[tilespmem:s31], [sflag:$0x2] =	stream.linear.gather [hbm4b:s0+s31], $0x1400, $0x38;
	[tilespmem:$0x19000] =	vst v63  }
0x24: {  	_ =	swait.ge [sflag:s3], $0x1400  }
0x25: {  	[sflag:s3] =	ssyncset.done $0x0  }
0x26: {  	s9 =	rddreg [dreg:$0x4];
	[sflag:s3] =	ssyncadd.s32 $0xFFFFEC00  }
0x27: {  	[tilespmem:s7], [sflag:$0x2] =	stream.linear.gather [hbm4b:s9+s31], $0x4000, $0x38;
	[tilespmem:$0x19000] =	vst v63  }
0x28: {  	_ =	swait.ge [sflag:s3], $0x4000  }
0x29: {  	[sflag:s3] =	ssyncset.done $0x0  }
0x2a: {  	s9 =	rddreg [dreg:$0x6];
	[sflag:s3] =	ssyncadd.s32 $0xFFFFC000  }
0x2b: {  	[spmem:s5], [sflag:s4] =	dma.local [hbm:s9], $0x2780  }
0x2c: {  	_ =	swait.ge [sflag:s3], $0x2780  }
0x2d: {  	[sflag:s3] =	ssyncset.done $0x0  }
0x2e: {  	[sflag:s3] =	ssyncadd.s32 $0xFFFFD880  }
0x2f: {  	[bflag:$0x0] =	sbarrier.arrive $0xFFFF  }
0x30: {  	[spmem:s2] =	stream.indirect.scatter.add.f32 [tilespmem:s7], [sflag:$0x1], $0x80, s31, s8, $0xb8;
	[tilespmem:$0x19000] =	vst v63  }
0x31: {  	_ = 	snop  }
0x32: {  	[spmem:s2] =	stream.indirect.scatter.add.f32 [tilespmem:s7], [sflag:$0x1], $0x80, s8, s8, $0xb8;
	[tilespmem:$0x19000] =	vst v63  }
0x33: {  	s0 =	rddreg [dreg:$0x8]  }
0x34: {  	[spmem:s2] =	stream.indirect.scatter.add.f32 [tilespmem:s7], [sflag:$0x1], $0x80, s0, s8, $0xb8;
	[tilespmem:$0x19000] =	vst v63  }
0x35: {  	s9 =	smov.u32 s1;
	s1 =	rddreg [dreg:$0x9]  }
0x36: {  	[spmem:s2] =	stream.indirect.scatter.add.f32 [tilespmem:s7], [sflag:$0x1], $0x80, s1, s8, $0xb8;
	[tilespmem:$0x19000] =	vst v63  }
0x37: {  	s0 =	rddreg [dreg:$0xa]  }
0x38: {  	[spmem:s2] =	stream.indirect.scatter.add.f32 [tilespmem:s7], [sflag:$0x1], $0x80, s0, s8, $0xb8;
	[tilespmem:$0x19000] =	vst v63  }
0x39: {  	s1 =	rddreg [dreg:$0xb]  }
0x3a: {  	[spmem:s2] =	stream.indirect.scatter.add.f32 [tilespmem:s7], [sflag:$0x1], $0x80, s1, s8, $0xb8;
	[tilespmem:$0x19000] =	vst v63  }
0x3b: {  	s0 =	rddreg [dreg:$0xc]  }
0x3c: {  	[spmem:s2] =	stream.indirect.scatter.add.f32 [tilespmem:s7], [sflag:$0x1], $0x80, s0, s8, $0xb8;
	[tilespmem:$0x19000] =	vst v63  }
0x3d: {  	s1 =	rddreg [dreg:$0xd]  }
0x3e: {  	[spmem:s2] =	stream.indirect.scatter.add.f32 [tilespmem:s7], [sflag:$0x1], $0x80, s1, s8, $0xb8;
	[tilespmem:$0x19000] =	vst v63  }
0x3f: {  	_ =	swait.ge [sflag:s6], $0x4000  }
0x40: {  	[sflag:s6] =	ssyncset.done $0x0  }
0x41: {  	[sflag:s6] =	ssyncadd.s32 $0xFFFFC000  }
0x42: {  	_ =	swait.ge [sflag:s6], $0x4000  }
0x43: {  	[sflag:s6] =	ssyncset.done $0x0  }
0x44: {  	[sflag:s6] =	ssyncadd.s32 $0xFFFFC000  }
0x45: {  	_ =	swait.ge [sflag:s6], $0x4000  }
0x46: {  	[sflag:s6] =	ssyncset.done $0x0  }
0x47: {  	[sflag:s6] =	ssyncadd.s32 $0xFFFFC000  }
0x48: {  	_ =	swait.ge [sflag:s6], $0x4000  }
0x49: {  	[sflag:s6] =	ssyncset.done $0x0  }
0x4a: {  	[sflag:s6] =	ssyncadd.s32 $0xFFFFC000  }
0x4b: {  	_ =	swait.ge [sflag:s6], $0x4000  }
0x4c: {  	[sflag:s6] =	ssyncset.done $0x0  }
0x4d: {  	[sflag:s6] =	ssyncadd.s32 $0xFFFFC000  }
0x4e: {  	_ =	swait.ge [sflag:s6], $0x4000  }
0x4f: {  	[sflag:s6] =	ssyncset.done $0x0  }
0x50: {  	[sflag:s6] =	ssyncadd.s32 $0xFFFFC000  }
0x51: {  	_ =	swait.ge [sflag:s6], $0x4000  }
0x52: {  	[sflag:s6] =	ssyncset.done $0x0  }
0x53: {  	[sflag:s6] =	ssyncadd.s32 $0xFFFFC000  }
0x54: {  	_ =	swait.ge [sflag:s6], $0x4000  }
0x55: {  	[sflag:s6] =	ssyncset.done $0x0  }
0x56: {  	s0 =	rddreg [dreg:$0xe];
	[sflag:s6] =	ssyncadd.s32 $0xFFFFC000  }
0x57: {  	[spmem:s2] =	stream.indirect.scatter.add.f32 [tilespmem:s7], [sflag:$0x1], $0x80, s0, s8, $0xb8;
	[tilespmem:$0x19000] =	vst v63  }
0x58: {  	s1 =	rddreg [dreg:$0xf]  }
0x59: {  	[spmem:s2] =	stream.indirect.scatter.add.f32 [tilespmem:s7], [sflag:$0x1], $0x80, s1, s8, $0xb8;
	[tilespmem:$0x19000] =	vst v63  }
0x5a: {  	s0 =	rddreg [dreg:$0x10]  }
0x5b: {  	[spmem:s2] =	stream.indirect.scatter.add.f32 [tilespmem:s7], [sflag:$0x1], $0x80, s0, s8, $0xb8;
	[tilespmem:$0x19000] =	vst v63  }
0x5c: {  	s1 =	rddreg [dreg:$0x11]  }
0x5d: {  	[spmem:s2] =	stream.indirect.scatter.add.f32 [tilespmem:s7], [sflag:$0x1], $0x80, s1, s8, $0xb8;
	[tilespmem:$0x19000] =	vst v63  }
0x5e: {  	s0 =	rddreg [dreg:$0x12]  }
0x5f: {  	[spmem:s2] =	stream.indirect.scatter.add.f32 [tilespmem:s7], [sflag:$0x1], $0x80, s0, s8, $0xb8;
	[tilespmem:$0x19000] =	vst v63  }
0x60: {  	s1 =	rddreg [dreg:$0x13]  }
0x61: {  	[spmem:s2] =	stream.indirect.scatter.add.f32 [tilespmem:s7], [sflag:$0x1], $0x80, s1, s8, $0xb8;
	[tilespmem:$0x19000] =	vst v63  }
0x62: {  	s0 =	rddreg [dreg:$0x14]  }
0x63: {  	[spmem:s2] =	stream.indirect.scatter.add.f32 [tilespmem:s7], [sflag:$0x1], $0x80, s0, s8, $0xb8;
	[tilespmem:$0x19000] =	vst v63  }
0x64: {  	s1 =	rddreg [dreg:$0x15]  }
0x65: {  	[spmem:s2] =	stream.indirect.scatter.add.f32 [tilespmem:s7], [sflag:$0x1], $0x80, s1, s8, $0xb8;
	[tilespmem:$0x19000] =	vst v63  }
0x66: {  	_ =	swait.ge [sflag:s6], $0x4000  }
0x67: {  	[sflag:s6] =	ssyncset.done $0x0  }
0x68: {  	[sflag:s6] =	ssyncadd.s32 $0xFFFFC000  }
0x69: {  	_ =	swait.ge [sflag:s6], $0x4000  }
0x6a: {  	[sflag:s6] =	ssyncset.done $0x0  }
0x6b: {  	[sflag:s6] =	ssyncadd.s32 $0xFFFFC000  }
0x6c: {  	_ =	swait.ge [sflag:s6], $0x4000  }
0x6d: {  	[sflag:s6] =	ssyncset.done $0x0  }
0x6e: {  	[sflag:s6] =	ssyncadd.s32 $0xFFFFC000  }
0x6f: {  	_ =	swait.ge [sflag:s6], $0x4000  }
0x70: {  	[sflag:s6] =	ssyncset.done $0x0  }
0x71: {  	[sflag:s6] =	ssyncadd.s32 $0xFFFFC000  }
0x72: {  	_ =	swait.ge [sflag:s6], $0x4000  }
0x73: {  	[sflag:s6] =	ssyncset.done $0x0  }
0x74: {  	[sflag:s6] =	ssyncadd.s32 $0xFFFFC000  }
0x75: {  	_ =	swait.ge [sflag:s6], $0x4000  }
0x76: {  	[sflag:s6] =	ssyncset.done $0x0  }
0x77: {  	[sflag:s6] =	ssyncadd.s32 $0xFFFFC000  }
0x78: {  	_ =	swait.ge [sflag:s6], $0x4000  }
0x79: {  	[sflag:s6] =	ssyncset.done $0x0  }
0x7a: {  	[sflag:s6] =	ssyncadd.s32 $0xFFFFC000  }
0x7b: {  	_ =	swait.ge [sflag:s6], $0x4000  }
0x7c: {  	[sflag:s6] =	ssyncset.done $0x0  }
0x7d: {  	s0 =	rddreg [dreg:$0x16];
	[sflag:s6] =	ssyncadd.s32 $0xFFFFC000  }
0x7e: {  	[spmem:s2] =	stream.indirect.scatter.add.f32 [tilespmem:s7], [sflag:$0x1], $0x80, s0, s8, $0xb8;
	[tilespmem:$0x19000] =	vst v63  }
0x7f: {  	s1 =	rddreg [dreg:$0x17]  }
0x80: {  	[spmem:s2] =	stream.indirect.scatter.add.f32 [tilespmem:s7], [sflag:$0x1], $0x80, s1, s8, $0xb8;
	[tilespmem:$0x19000] =	vst v63  }
0x81: {  	s0 =	rddreg [dreg:$0x18]  }
0x82: {  	[spmem:s2] =	stream.indirect.scatter.add.f32 [tilespmem:s7], [sflag:$0x1], $0x80, s0, s8, $0xb8;
	[tilespmem:$0x19000] =	vst v63  }
0x83: {  	_ = 	snop  }
0x84: {  	[spmem:s2] =	stream.indirect.scatter.add.f32 [tilespmem:s7], [sflag:$0x1], $0x80, s26, s8, $0xb8;
	[tilespmem:$0x19000] =	vst v63  }
0x85: {  	_ = 	snop  }
0x86: {  	[spmem:s2] =	stream.indirect.scatter.add.f32 [tilespmem:s7], [sflag:$0x1], $0x80, s28, s8, $0xb8;
	[tilespmem:$0x19000] =	vst v63  }
0x87: {  	_ = 	snop  }
0x88: {  	[spmem:s2] =	stream.indirect.scatter.add.f32 [tilespmem:s7], [sflag:$0x1], $0x80, s29, s8, $0xb8;
	[tilespmem:$0x19000] =	vst v63  }
0x89: {  	_ = 	snop  }
0x8a: {  	[spmem:s2] =	stream.indirect.scatter.add.f32 [tilespmem:s7], [sflag:$0x1], $0x80, s30, s8, $0xb8;
	[tilespmem:$0x19000] =	vst v63  }
0x8b: {  	_ = 	snop  }
0x8c: {  	[spmem:s2] =	stream.indirect.scatter.add.f32 [tilespmem:s7], [sflag:$0x1], $0x80, s18, s8, $0xb8;
	[tilespmem:$0x19000] =	vst v63  }
0x8d: {  	_ =	swait.ge [sflag:s6], $0x4000  }
0x8e: {  	[sflag:s6] =	ssyncset.done $0x0  }
0x8f: {  	[sflag:s6] =	ssyncadd.s32 $0xFFFFC000  }
0x90: {  	_ =	swait.ge [sflag:s6], $0x4000  }
0x91: {  	[sflag:s6] =	ssyncset.done $0x0  }
0x92: {  	[sflag:s6] =	ssyncadd.s32 $0xFFFFC000  }
0x93: {  	_ =	swait.ge [sflag:s6], $0x4000  }
0x94: {  	[sflag:s6] =	ssyncset.done $0x0  }
0x95: {  	[sflag:s6] =	ssyncadd.s32 $0xFFFFC000  }
0x96: {  	_ =	swait.ge [sflag:s6], $0x4000  }
0x97: {  	[sflag:s6] =	ssyncset.done $0x0  }
0x98: {  	[sflag:s6] =	ssyncadd.s32 $0xFFFFC000  }
0x99: {  	_ =	swait.ge [sflag:s6], $0x4000  }
0x9a: {  	[sflag:s6] =	ssyncset.done $0x0  }
0x9b: {  	[sflag:s6] =	ssyncadd.s32 $0xFFFFC000  }
0x9c: {  	_ =	swait.ge [sflag:s6], $0x4000  }
0x9d: {  	[sflag:s6] =	ssyncset.done $0x0  }
0x9e: {  	[sflag:s6] =	ssyncadd.s32 $0xFFFFC000  }
0x9f: {  	_ =	swait.ge [sflag:s6], $0x4000  }
0xa0: {  	[sflag:s6] =	ssyncset.done $0x0  }
0xa1: {  	[sflag:s6] =	ssyncadd.s32 $0xFFFFC000  }
0xa2: {  	_ =	swait.ge [sflag:s6], $0x4000  }
0xa3: {  	[sflag:s6] =	ssyncset.done $0x0  }
0xa4: {  	s1 =	simm.s32 $0xC00;
	[sflag:s6] =	ssyncadd.s32 $0xFFFFC000  }
0xa5: {  	[spmem:s2] =	stream.indirect.scatter.add.f32 [tilespmem:s7], [sflag:$0x1], $0x80, s1, s8, $0xb8;
	[tilespmem:$0x19000] =	vst v63  }
0xa6: {  	_ = 	snop  }
0xa7: {  	[spmem:s2] =	stream.indirect.scatter.add.f32 [tilespmem:s7], [sflag:$0x1], $0x80, s19, s8, $0xb8;
	[tilespmem:$0x19000] =	vst v63  }
0xa8: {  	_ = 	snop  }
0xa9: {  	[spmem:s2] =	stream.indirect.scatter.add.f32 [tilespmem:s7], [sflag:$0x1], $0x80, s20, s8, $0xb8;
	[tilespmem:$0x19000] =	vst v63  }
0xaa: {  	_ = 	snop  }
0xab: {  	[spmem:s2] =	stream.indirect.scatter.add.f32 [tilespmem:s7], [sflag:$0x1], $0x80, s21, s8, $0xb8;
	[tilespmem:$0x19000] =	vst v63  }
0xac: {  	_ = 	snop  }
0xad: {  	[spmem:s2] =	stream.indirect.scatter.add.f32 [tilespmem:s7], [sflag:$0x1], $0x80, s22, s8, $0xb8;
	[tilespmem:$0x19000] =	vst v63  }
0xae: {  	_ = 	snop  }
0xaf: {  	[spmem:s2] =	stream.indirect.scatter.add.f32 [tilespmem:s7], [sflag:$0x1], $0x80, s23, s8, $0xb8;
	[tilespmem:$0x19000] =	vst v63  }
0xb0: {  	_ = 	snop  }
0xb1: {  	[spmem:s2] =	stream.indirect.scatter.add.f32 [tilespmem:s7], [sflag:$0x1], $0x80, s24, s8, $0xb8;
	[tilespmem:$0x19000] =	vst v63  }
0xb2: {  	_ = 	snop  }
0xb3: {  	[spmem:s2] =	stream.indirect.scatter.add.f32 [tilespmem:s7], [sflag:$0x1], $0x80, s25, s8, $0xb8;
	[tilespmem:$0x19000] =	vst v63  }
0xb4: {  	_ =	swait.ge [sflag:s6], $0x4000  }
0xb5: {  	[sflag:s6] =	ssyncset.done $0x0  }
0xb6: {  	[sflag:s6] =	ssyncadd.s32 $0xFFFFC000  }
0xb7: {  	_ =	swait.ge [sflag:s6], $0x4000  }
0xb8: {  	[sflag:s6] =	ssyncset.done $0x0  }
0xb9: {  	[sflag:s6] =	ssyncadd.s32 $0xFFFFC000  }
0xba: {  	_ =	swait.ge [sflag:s6], $0x4000  }
0xbb: {  	[sflag:s6] =	ssyncset.done $0x0  }
0xbc: {  	[sflag:s6] =	ssyncadd.s32 $0xFFFFC000  }
0xbd: {  	_ =	swait.ge [sflag:s6], $0x4000  }
0xbe: {  	[sflag:s6] =	ssyncset.done $0x0  }
0xbf: {  	[sflag:s6] =	ssyncadd.s32 $0xFFFFC000  }
0xc0: {  	_ =	swait.ge [sflag:s6], $0x4000  }
0xc1: {  	[sflag:s6] =	ssyncset.done $0x0  }
0xc2: {  	[sflag:s6] =	ssyncadd.s32 $0xFFFFC000  }
0xc3: {  	_ =	swait.ge [sflag:s6], $0x4000  }
0xc4: {  	[sflag:s6] =	ssyncset.done $0x0  }
0xc5: {  	[sflag:s6] =	ssyncadd.s32 $0xFFFFC000  }
0xc6: {  	_ =	swait.ge [sflag:s6], $0x4000  }
0xc7: {  	[sflag:s6] =	ssyncset.done $0x0  }
0xc8: {  	[sflag:s6] =	ssyncadd.s32 $0xFFFFC000  }
0xc9: {  	_ =	swait.ge [sflag:s6], $0x4000  }
0xca: {  	[sflag:s6] =	ssyncset.done $0x0  }
0xcb: {  	[sflag:s6] =	ssyncadd.s32 $0xFFFFC000  }
0xcc: {  	[spmem:s2] =	stream.indirect.scatter.add.f32 [tilespmem:s7], [sflag:$0x1], $0x80, s10, s8, $0xb8;
	[tilespmem:$0x19000] =	vst v63  }
0xcd: {  	_ = 	snop  }
0xce: {  	[spmem:s2] =	stream.indirect.scatter.add.f32 [tilespmem:s7], [sflag:$0x1], $0x80, s11, s8, $0xb8;
	[tilespmem:$0x19000] =	vst v63  }
0xcf: {  	_ = 	snop  }
0xd0: {  	[spmem:s2] =	stream.indirect.scatter.add.f32 [tilespmem:s7], [sflag:$0x1], $0x80, s12, s8, $0xb8;
	[tilespmem:$0x19000] =	vst v63  }
0xd1: {  	_ = 	snop  }
0xd2: {  	[spmem:s2] =	stream.indirect.scatter.add.f32 [tilespmem:s7], [sflag:$0x1], $0x80, s13, s8, $0xb8;
	[tilespmem:$0x19000] =	vst v63  }
0xd3: {  	_ = 	snop  }
0xd4: {  	[spmem:s2] =	stream.indirect.scatter.add.f32 [tilespmem:s7], [sflag:$0x1], $0x80, s14, s8, $0xb8;
	[tilespmem:$0x19000] =	vst v63  }
0xd5: {  	_ = 	snop  }
0xd6: {  	[spmem:s2] =	stream.indirect.scatter.add.f32 [tilespmem:s7], [sflag:$0x1], $0x80, s15, s8, $0xb8;
	[tilespmem:$0x19000] =	vst v63  }
0xd7: {  	_ = 	snop  }
0xd8: {  	[spmem:s2] =	stream.indirect.scatter.add.f32 [tilespmem:s7], [sflag:$0x1], $0x80, s16, s8, $0xb8;
	[tilespmem:$0x19000] =	vst v63  }
0xd9: {  	_ = 	snop  }
0xda: {  	[spmem:s2] =	stream.indirect.scatter.add.f32 [tilespmem:s7], [sflag:$0x1], $0x80, s17, s8, $0xb8;
	[tilespmem:$0x19000] =	vst v63  }
0xdb: {  	_ =	swait.ge [sflag:s6], $0x4000  }
0xdc: {  	[sflag:s6] =	ssyncset.done $0x0  }
0xdd: {  	[sflag:s6] =	ssyncadd.s32 $0xFFFFC000  }
0xde: {  	_ =	swait.ge [sflag:s6], $0x4000  }
0xdf: {  	[sflag:s6] =	ssyncset.done $0x0  }
0xe0: {  	[sflag:s6] =	ssyncadd.s32 $0xFFFFC000  }
0xe1: {  	_ =	swait.ge [sflag:s6], $0x4000  }
0xe2: {  	[sflag:s6] =	ssyncset.done $0x0  }
0xe3: {  	[sflag:s6] =	ssyncadd.s32 $0xFFFFC000  }
0xe4: {  	_ =	swait.ge [sflag:s6], $0x4000  }
0xe5: {  	[sflag:s6] =	ssyncset.done $0x0  }
0xe6: {  	[sflag:s6] =	ssyncadd.s32 $0xFFFFC000  }
0xe7: {  	_ =	swait.ge [sflag:s6], $0x4000  }
0xe8: {  	[sflag:s6] =	ssyncset.done $0x0  }
0xe9: {  	[sflag:s6] =	ssyncadd.s32 $0xFFFFC000  }
0xea: {  	_ =	swait.ge [sflag:s6], $0x4000  }
0xeb: {  	[sflag:s6] =	ssyncset.done $0x0  }
0xec: {  	[sflag:s6] =	ssyncadd.s32 $0xFFFFC000  }
0xed: {  	_ =	swait.ge [sflag:s6], $0x4000  }
0xee: {  	[sflag:s6] =	ssyncset.done $0x0  }
0xef: {  	[sflag:s6] =	ssyncadd.s32 $0xFFFFC000  }
0xf0: {  	_ =	swait.ge [sflag:s6], $0x4000  }
0xf1: {  	[sflag:s6] =	ssyncset.done $0x0  }
0xf2: {  	p1 =	sne.s32 s9, $0x1;
	[sflag:s6] =	ssyncadd.s32 $0xFFFFC000  }
.Ltmp1:
0xf3: {  	[bflag:$0x0] =	sbarrier.arrive $0xFFFF;
	(pc) =	sbr.rel @!p1 .LBB2_3-.Ltmp1, $4  }
0xf4: {  	s1 =	rddreg [dreg:$0x7]  }
0xf5: {  	[hbm:s1], [sflag:s4] =	dma.local [spmem:s5], $0x2780  }
0xf6: {  	p0 =	por $0x1, $0x1;
	_ =	swait.ge [sflag:s3], $0x2780  }
0xf7: {  	s1 =	sadd.s32 $0xFFFFFFFF, s9;
	s0 =	rddreg [dreg:$0x5];
	[sflag:s3] =	ssyncset.done $0x0  }
.LBB2_4:
0xf8: {  	[sflag:s3] =	ssyncadd.s32 $0xFFFFD880  }
0xf9: {  	[tilespmem:s31], [sflag:$0x2] =	stream.linear.gather [hbm4b:s0+s31], $0x1400, $0x38;
	[tilespmem:$0x19000] =	vst v63  }
0xfa: {  	_ =	swait.ge [sflag:s3], $0x1400  }
0xfb: {  	[sflag:s3] =	ssyncset.done $0x0  }
0xfc: {  	s9 =	rddreg [dreg:$0x4];
	[sflag:s3] =	ssyncadd.s32 $0xFFFFEC00  }
0xfd: {  	[tilespmem:s7], [sflag:$0x2] =	stream.linear.gather [hbm4b:s9+s31], $0x4000, $0x38;
	[tilespmem:$0x19000] =	vst v63  }
0xfe: {  	_ =	swait.ge [sflag:s3], $0x4000  }
0xff: {  	[sflag:s3] =	ssyncset.done $0x0  }
0x100: {  	s9 =	rddreg [dreg:$0x6];
	[sflag:s3] =	ssyncadd.s32 $0xFFFFC000  }
0x101: {  	[spmem:s5], [sflag:s4] =	dma.local [hbm:s9], $0x2780  }
0x102: {  	_ =	swait.ge [sflag:s3], $0x2780  }
0x103: {  	[sflag:s3] =	ssyncset.done $0x0  }
0x104: {  	[sflag:s3] =	ssyncadd.s32 $0xFFFFD880  }
0x105: {  	[bflag:$0x0] =	sbarrier.arrive $0xFFFF  }
0x106: {  	[spmem:s2] =	stream.indirect.scatter.add.f32 [tilespmem:s7], [sflag:$0x1], $0x80, s31, s8, $0xb8;
	[tilespmem:$0x19000] =	vst v63  }
0x107: {  	_ = 	snop  }
0x108: {  	[spmem:s2] =	stream.indirect.scatter.add.f32 [tilespmem:s7], [sflag:$0x1], $0x80, s8, s8, $0xb8;
	[tilespmem:$0x19000] =	vst v63  }
0x109: {  	s0 =	rddreg [dreg:$0x8]  }
0x10a: {  	[spmem:s2] =	stream.indirect.scatter.add.f32 [tilespmem:s7], [sflag:$0x1], $0x80, s0, s8, $0xb8;
	[tilespmem:$0x19000] =	vst v63  }
0x10b: {  	s9 =	rddreg [dreg:$0x9]  }
0x10c: {  	[spmem:s2] =	stream.indirect.scatter.add.f32 [tilespmem:s7], [sflag:$0x1], $0x80, s9, s8, $0xb8;
	[tilespmem:$0x19000] =	vst v63  }
0x10d: {  	s0 =	rddreg [dreg:$0xa]  }
0x10e: {  	[spmem:s2] =	stream.indirect.scatter.add.f32 [tilespmem:s7], [sflag:$0x1], $0x80, s0, s8, $0xb8;
	[tilespmem:$0x19000] =	vst v63  }
0x10f: {  	s9 =	rddreg [dreg:$0xb]  }
0x110: {  	[spmem:s2] =	stream.indirect.scatter.add.f32 [tilespmem:s7], [sflag:$0x1], $0x80, s9, s8, $0xb8;
	[tilespmem:$0x19000] =	vst v63  }
0x111: {  	s0 =	rddreg [dreg:$0xc]  }
0x112: {  	[spmem:s2] =	stream.indirect.scatter.add.f32 [tilespmem:s7], [sflag:$0x1], $0x80, s0, s8, $0xb8;
	[tilespmem:$0x19000] =	vst v63  }
0x113: {  	s9 =	rddreg [dreg:$0xd]  }
0x114: {  	[spmem:s2] =	stream.indirect.scatter.add.f32 [tilespmem:s7], [sflag:$0x1], $0x80, s9, s8, $0xb8;
	[tilespmem:$0x19000] =	vst v63  }
0x115: {  	_ =	swait.ge [sflag:s6], $0x4000  }
0x116: {  	[sflag:s6] =	ssyncset.done $0x0  }
0x117: {  	[sflag:s6] =	ssyncadd.s32 $0xFFFFC000  }
0x118: {  	_ =	swait.ge [sflag:s6], $0x4000  }
0x119: {  	[sflag:s6] =	ssyncset.done $0x0  }
0x11a: {  	[sflag:s6] =	ssyncadd.s32 $0xFFFFC000  }
0x11b: {  	_ =	swait.ge [sflag:s6], $0x4000  }
0x11c: {  	[sflag:s6] =	ssyncset.done $0x0  }
0x11d: {  	[sflag:s6] =	ssyncadd.s32 $0xFFFFC000  }
0x11e: {  	_ =	swait.ge [sflag:s6], $0x4000  }
0x11f: {  	[sflag:s6] =	ssyncset.done $0x0  }
0x120: {  	[sflag:s6] =	ssyncadd.s32 $0xFFFFC000  }
0x121: {  	_ =	swait.ge [sflag:s6], $0x4000  }
0x122: {  	[sflag:s6] =	ssyncset.done $0x0  }
0x123: {  	[sflag:s6] =	ssyncadd.s32 $0xFFFFC000  }
0x124: {  	_ =	swait.ge [sflag:s6], $0x4000  }
0x125: {  	[sflag:s6] =	ssyncset.done $0x0  }
0x126: {  	[sflag:s6] =	ssyncadd.s32 $0xFFFFC000  }
0x127: {  	_ =	swait.ge [sflag:s6], $0x4000  }
0x128: {  	[sflag:s6] =	ssyncset.done $0x0  }
0x129: {  	[sflag:s6] =	ssyncadd.s32 $0xFFFFC000  }
0x12a: {  	_ =	swait.ge [sflag:s6], $0x4000  }
0x12b: {  	[sflag:s6] =	ssyncset.done $0x0  }
0x12c: {  	s0 =	rddreg [dreg:$0xe];
	[sflag:s6] =	ssyncadd.s32 $0xFFFFC000  }
0x12d: {  	[spmem:s2] =	stream.indirect.scatter.add.f32 [tilespmem:s7], [sflag:$0x1], $0x80, s0, s8, $0xb8;
	[tilespmem:$0x19000] =	vst v63  }
0x12e: {  	s9 =	rddreg [dreg:$0xf]  }
0x12f: {  	[spmem:s2] =	stream.indirect.scatter.add.f32 [tilespmem:s7], [sflag:$0x1], $0x80, s9, s8, $0xb8;
	[tilespmem:$0x19000] =	vst v63  }
0x130: {  	s0 =	rddreg [dreg:$0x10]  }
0x131: {  	[spmem:s2] =	stream.indirect.scatter.add.f32 [tilespmem:s7], [sflag:$0x1], $0x80, s0, s8, $0xb8;
	[tilespmem:$0x19000] =	vst v63  }
0x132: {  	s9 =	rddreg [dreg:$0x11]  }
0x133: {  	[spmem:s2] =	stream.indirect.scatter.add.f32 [tilespmem:s7], [sflag:$0x1], $0x80, s9, s8, $0xb8;
	[tilespmem:$0x19000] =	vst v63  }
0x134: {  	s0 =	rddreg [dreg:$0x12]  }
0x135: {  	[spmem:s2] =	stream.indirect.scatter.add.f32 [tilespmem:s7], [sflag:$0x1], $0x80, s0, s8, $0xb8;
	[tilespmem:$0x19000] =	vst v63  }
0x136: {  	s9 =	rddreg [dreg:$0x13]  }
0x137: {  	[spmem:s2] =	stream.indirect.scatter.add.f32 [tilespmem:s7], [sflag:$0x1], $0x80, s9, s8, $0xb8;
	[tilespmem:$0x19000] =	vst v63  }
0x138: {  	s0 =	rddreg [dreg:$0x14]  }
0x139: {  	[spmem:s2] =	stream.indirect.scatter.add.f32 [tilespmem:s7], [sflag:$0x1], $0x80, s0, s8, $0xb8;
	[tilespmem:$0x19000] =	vst v63  }
0x13a: {  	s9 =	rddreg [dreg:$0x15]  }
0x13b: {  	[spmem:s2] =	stream.indirect.scatter.add.f32 [tilespmem:s7], [sflag:$0x1], $0x80, s9, s8, $0xb8;
	[tilespmem:$0x19000] =	vst v63  }
0x13c: {  	_ =	swait.ge [sflag:s6], $0x4000  }
0x13d: {  	[sflag:s6] =	ssyncset.done $0x0  }
0x13e: {  	[sflag:s6] =	ssyncadd.s32 $0xFFFFC000  }
0x13f: {  	_ =	swait.ge [sflag:s6], $0x4000  }
0x140: {  	[sflag:s6] =	ssyncset.done $0x0  }
0x141: {  	[sflag:s6] =	ssyncadd.s32 $0xFFFFC000  }
0x142: {  	_ =	swait.ge [sflag:s6], $0x4000  }
0x143: {  	[sflag:s6] =	ssyncset.done $0x0  }
0x144: {  	[sflag:s6] =	ssyncadd.s32 $0xFFFFC000  }
0x145: {  	_ =	swait.ge [sflag:s6], $0x4000  }
0x146: {  	[sflag:s6] =	ssyncset.done $0x0  }
0x147: {  	[sflag:s6] =	ssyncadd.s32 $0xFFFFC000  }
0x148: {  	_ =	swait.ge [sflag:s6], $0x4000  }
0x149: {  	[sflag:s6] =	ssyncset.done $0x0  }
0x14a: {  	[sflag:s6] =	ssyncadd.s32 $0xFFFFC000  }
0x14b: {  	_ =	swait.ge [sflag:s6], $0x4000  }
0x14c: {  	[sflag:s6] =	ssyncset.done $0x0  }
0x14d: {  	[sflag:s6] =	ssyncadd.s32 $0xFFFFC000  }
0x14e: {  	_ =	swait.ge [sflag:s6], $0x4000  }
0x14f: {  	[sflag:s6] =	ssyncset.done $0x0  }
0x150: {  	[sflag:s6] =	ssyncadd.s32 $0xFFFFC000  }
0x151: {  	_ =	swait.ge [sflag:s6], $0x4000  }
0x152: {  	[sflag:s6] =	ssyncset.done $0x0  }
0x153: {  	s0 =	rddreg [dreg:$0x16];
	[sflag:s6] =	ssyncadd.s32 $0xFFFFC000  }
0x154: {  	[spmem:s2] =	stream.indirect.scatter.add.f32 [tilespmem:s7], [sflag:$0x1], $0x80, s0, s8, $0xb8;
	[tilespmem:$0x19000] =	vst v63  }
0x155: {  	s9 =	rddreg [dreg:$0x17]  }
0x156: {  	[spmem:s2] =	stream.indirect.scatter.add.f32 [tilespmem:s7], [sflag:$0x1], $0x80, s9, s8, $0xb8;
	[tilespmem:$0x19000] =	vst v63  }
0x157: {  	s0 =	rddreg [dreg:$0x18]  }
0x158: {  	[spmem:s2] =	stream.indirect.scatter.add.f32 [tilespmem:s7], [sflag:$0x1], $0x80, s0, s8, $0xb8;
	[tilespmem:$0x19000] =	vst v63  }
0x159: {  	_ = 	snop  }
0x15a: {  	[spmem:s2] =	stream.indirect.scatter.add.f32 [tilespmem:s7], [sflag:$0x1], $0x80, s26, s8, $0xb8;
	[tilespmem:$0x19000] =	vst v63  }
0x15b: {  	_ = 	snop  }
0x15c: {  	[spmem:s2] =	stream.indirect.scatter.add.f32 [tilespmem:s7], [sflag:$0x1], $0x80, s28, s8, $0xb8;
	[tilespmem:$0x19000] =	vst v63  }
0x15d: {  	_ = 	snop  }
0x15e: {  	[spmem:s2] =	stream.indirect.scatter.add.f32 [tilespmem:s7], [sflag:$0x1], $0x80, s29, s8, $0xb8;
	[tilespmem:$0x19000] =	vst v63  }
0x15f: {  	_ = 	snop  }
0x160: {  	[spmem:s2] =	stream.indirect.scatter.add.f32 [tilespmem:s7], [sflag:$0x1], $0x80, s30, s8, $0xb8;
	[tilespmem:$0x19000] =	vst v63  }
0x161: {  	_ = 	snop  }
0x162: {  	[spmem:s2] =	stream.indirect.scatter.add.f32 [tilespmem:s7], [sflag:$0x1], $0x80, s18, s8, $0xb8;
	[tilespmem:$0x19000] =	vst v63  }
0x163: {  	_ =	swait.ge [sflag:s6], $0x4000  }
0x164: {  	[sflag:s6] =	ssyncset.done $0x0  }
0x165: {  	[sflag:s6] =	ssyncadd.s32 $0xFFFFC000  }
0x166: {  	_ =	swait.ge [sflag:s6], $0x4000  }
0x167: {  	[sflag:s6] =	ssyncset.done $0x0  }
0x168: {  	[sflag:s6] =	ssyncadd.s32 $0xFFFFC000  }
0x169: {  	_ =	swait.ge [sflag:s6], $0x4000  }
0x16a: {  	[sflag:s6] =	ssyncset.done $0x0  }
0x16b: {  	[sflag:s6] =	ssyncadd.s32 $0xFFFFC000  }
0x16c: {  	_ =	swait.ge [sflag:s6], $0x4000  }
0x16d: {  	[sflag:s6] =	ssyncset.done $0x0  }
0x16e: {  	[sflag:s6] =	ssyncadd.s32 $0xFFFFC000  }
0x16f: {  	_ =	swait.ge [sflag:s6], $0x4000  }
0x170: {  	[sflag:s6] =	ssyncset.done $0x0  }
0x171: {  	[sflag:s6] =	ssyncadd.s32 $0xFFFFC000  }
0x172: {  	_ =	swait.ge [sflag:s6], $0x4000  }
0x173: {  	[sflag:s6] =	ssyncset.done $0x0  }
0x174: {  	[sflag:s6] =	ssyncadd.s32 $0xFFFFC000  }
0x175: {  	_ =	swait.ge [sflag:s6], $0x4000  }
0x176: {  	[sflag:s6] =	ssyncset.done $0x0  }
0x177: {  	[sflag:s6] =	ssyncadd.s32 $0xFFFFC000  }
0x178: {  	_ =	swait.ge [sflag:s6], $0x4000  }
0x179: {  	[sflag:s6] =	ssyncset.done $0x0  }
0x17a: {  	s9 =	simm.s32 $0xC00;
	[sflag:s6] =	ssyncadd.s32 $0xFFFFC000  }
0x17b: {  	[spmem:s2] =	stream.indirect.scatter.add.f32 [tilespmem:s7], [sflag:$0x1], $0x80, s9, s8, $0xb8;
	[tilespmem:$0x19000] =	vst v63  }
0x17c: {  	_ = 	snop  }
0x17d: {  	[spmem:s2] =	stream.indirect.scatter.add.f32 [tilespmem:s7], [sflag:$0x1], $0x80, s19, s8, $0xb8;
	[tilespmem:$0x19000] =	vst v63  }
0x17e: {  	_ = 	snop  }
0x17f: {  	[spmem:s2] =	stream.indirect.scatter.add.f32 [tilespmem:s7], [sflag:$0x1], $0x80, s20, s8, $0xb8;
	[tilespmem:$0x19000] =	vst v63  }
0x180: {  	_ = 	snop  }
0x181: {  	[spmem:s2] =	stream.indirect.scatter.add.f32 [tilespmem:s7], [sflag:$0x1], $0x80, s21, s8, $0xb8;
	[tilespmem:$0x19000] =	vst v63  }
0x182: {  	_ = 	snop  }
0x183: {  	[spmem:s2] =	stream.indirect.scatter.add.f32 [tilespmem:s7], [sflag:$0x1], $0x80, s22, s8, $0xb8;
	[tilespmem:$0x19000] =	vst v63  }
0x184: {  	_ = 	snop  }
0x185: {  	[spmem:s2] =	stream.indirect.scatter.add.f32 [tilespmem:s7], [sflag:$0x1], $0x80, s23, s8, $0xb8;
	[tilespmem:$0x19000] =	vst v63  }
0x186: {  	_ = 	snop  }
0x187: {  	[spmem:s2] =	stream.indirect.scatter.add.f32 [tilespmem:s7], [sflag:$0x1], $0x80, s24, s8, $0xb8;
	[tilespmem:$0x19000] =	vst v63  }
0x188: {  	_ = 	snop  }
0x189: {  	[spmem:s2] =	stream.indirect.scatter.add.f32 [tilespmem:s7], [sflag:$0x1], $0x80, s25, s8, $0xb8;
	[tilespmem:$0x19000] =	vst v63  }
0x18a: {  	_ =	swait.ge [sflag:s6], $0x4000  }
0x18b: {  	[sflag:s6] =	ssyncset.done $0x0  }
0x18c: {  	[sflag:s6] =	ssyncadd.s32 $0xFFFFC000  }
0x18d: {  	_ =	swait.ge [sflag:s6], $0x4000  }
0x18e: {  	[sflag:s6] =	ssyncset.done $0x0  }
0x18f: {  	[sflag:s6] =	ssyncadd.s32 $0xFFFFC000  }
0x190: {  	_ =	swait.ge [sflag:s6], $0x4000  }
0x191: {  	[sflag:s6] =	ssyncset.done $0x0  }
0x192: {  	[sflag:s6] =	ssyncadd.s32 $0xFFFFC000  }
0x193: {  	_ =	swait.ge [sflag:s6], $0x4000  }
0x194: {  	[sflag:s6] =	ssyncset.done $0x0  }
0x195: {  	[sflag:s6] =	ssyncadd.s32 $0xFFFFC000  }
0x196: {  	_ =	swait.ge [sflag:s6], $0x4000  }
0x197: {  	[sflag:s6] =	ssyncset.done $0x0  }
0x198: {  	[sflag:s6] =	ssyncadd.s32 $0xFFFFC000  }
0x199: {  	_ =	swait.ge [sflag:s6], $0x4000  }
0x19a: {  	[sflag:s6] =	ssyncset.done $0x0  }
0x19b: {  	[sflag:s6] =	ssyncadd.s32 $0xFFFFC000  }
0x19c: {  	_ =	swait.ge [sflag:s6], $0x4000  }
0x19d: {  	[sflag:s6] =	ssyncset.done $0x0  }
0x19e: {  	[sflag:s6] =	ssyncadd.s32 $0xFFFFC000  }
0x19f: {  	_ =	swait.ge [sflag:s6], $0x4000  }
0x1a0: {  	[sflag:s6] =	ssyncset.done $0x0  }
0x1a1: {  	[sflag:s6] =	ssyncadd.s32 $0xFFFFC000  }
0x1a2: {  	[spmem:s2] =	stream.indirect.scatter.add.f32 [tilespmem:s7], [sflag:$0x1], $0x80, s10, s8, $0xb8;
	[tilespmem:$0x19000] =	vst v63  }
0x1a3: {  	_ = 	snop  }
0x1a4: {  	[spmem:s2] =	stream.indirect.scatter.add.f32 [tilespmem:s7], [sflag:$0x1], $0x80, s11, s8, $0xb8;
	[tilespmem:$0x19000] =	vst v63  }
0x1a5: {  	_ = 	snop  }
0x1a6: {  	[spmem:s2] =	stream.indirect.scatter.add.f32 [tilespmem:s7], [sflag:$0x1], $0x80, s12, s8, $0xb8;
	[tilespmem:$0x19000] =	vst v63  }
0x1a7: {  	_ = 	snop  }
0x1a8: {  	[spmem:s2] =	stream.indirect.scatter.add.f32 [tilespmem:s7], [sflag:$0x1], $0x80, s13, s8, $0xb8;
	[tilespmem:$0x19000] =	vst v63  }
0x1a9: {  	_ = 	snop  }
0x1aa: {  	[spmem:s2] =	stream.indirect.scatter.add.f32 [tilespmem:s7], [sflag:$0x1], $0x80, s14, s8, $0xb8;
	[tilespmem:$0x19000] =	vst v63  }
0x1ab: {  	_ = 	snop  }
0x1ac: {  	[spmem:s2] =	stream.indirect.scatter.add.f32 [tilespmem:s7], [sflag:$0x1], $0x80, s15, s8, $0xb8;
	[tilespmem:$0x19000] =	vst v63  }
0x1ad: {  	_ = 	snop  }
0x1ae: {  	[spmem:s2] =	stream.indirect.scatter.add.f32 [tilespmem:s7], [sflag:$0x1], $0x80, s16, s8, $0xb8;
	[tilespmem:$0x19000] =	vst v63  }
0x1af: {  	_ = 	snop  }
0x1b0: {  	[spmem:s2] =	stream.indirect.scatter.add.f32 [tilespmem:s7], [sflag:$0x1], $0x80, s17, s8, $0xb8;
	[tilespmem:$0x19000] =	vst v63  }
0x1b1: {  	_ =	swait.ge [sflag:s6], $0x4000  }
0x1b2: {  	[sflag:s6] =	ssyncset.done $0x0  }
0x1b3: {  	[sflag:s6] =	ssyncadd.s32 $0xFFFFC000  }
0x1b4: {  	_ =	swait.ge [sflag:s6], $0x4000  }
0x1b5: {  	[sflag:s6] =	ssyncset.done $0x0  }
0x1b6: {  	[sflag:s6] =	ssyncadd.s32 $0xFFFFC000  }
0x1b7: {  	_ =	swait.ge [sflag:s6], $0x4000  }
0x1b8: {  	[sflag:s6] =	ssyncset.done $0x0  }
0x1b9: {  	[sflag:s6] =	ssyncadd.s32 $0xFFFFC000  }
0x1ba: {  	_ =	swait.ge [sflag:s6], $0x4000  }
0x1bb: {  	[sflag:s6] =	ssyncset.done $0x0  }
0x1bc: {  	[sflag:s6] =	ssyncadd.s32 $0xFFFFC000  }
0x1bd: {  	_ =	swait.ge [sflag:s6], $0x4000  }
0x1be: {  	[sflag:s6] =	ssyncset.done $0x0  }
0x1bf: {  	[sflag:s6] =	ssyncadd.s32 $0xFFFFC000  }
0x1c0: {  	_ =	swait.ge [sflag:s6], $0x4000  }
0x1c1: {  	[sflag:s6] =	ssyncset.done $0x0  }
0x1c2: {  	[sflag:s6] =	ssyncadd.s32 $0xFFFFC000  }
0x1c3: {  	_ =	swait.ge [sflag:s6], $0x4000  }
0x1c4: {  	[sflag:s6] =	ssyncset.done $0x0  }
0x1c5: {  	[sflag:s6] =	ssyncadd.s32 $0xFFFFC000  }
0x1c6: {  	_ =	swait.ge [sflag:s6], $0x4000  }
0x1c7: {  	[sflag:s6] =	ssyncset.done $0x0  }
0x1c8: {  	p1 =	sne.s32 s1, $0x1;
	[sflag:s6] =	ssyncadd.s32 $0xFFFFC000  }
.Ltmp2:
0x1c9: {  	[bflag:$0x0] =	sbarrier.arrive $0xFFFF;
	(pc) =	sbr.rel @p1 .LBB2_4-.Ltmp2, $4  }
0x1ca: {  	s9 =	rddreg [dreg:$0x7]  }
0x1cb: {  	[hbm:s9], [sflag:s4] =	dma.local [spmem:s5], $0x2780  }
0x1cc: {  	_ =	swait.ge [sflag:s3], $0x2780  }
0x1cd: {  	s1 =	sadd.s32 $0xFFFFFFFF, s1;
	s0 =	rddreg [dreg:$0x5];
	[sflag:s3] =	ssyncset.done $0x0  }
0x1ce: {  	s17 =	simm.s32 $0xB80;
	s30 =	simm.s32 $0xB00;
	s29 =	simm.s32 $0xA80  }
0x1cf: {  	s28 =	simm.s32 $0xA00;
	s26 =	simm.s32 $0x980;
	s25 =	simm.s32 $0xF80  }
0x1d0: {  	s24 =	simm.s32 $0xF00;
	s23 =	simm.s32 $0xE80;
	s22 =	simm.s32 $0xE00  }
0x1d1: {  	s21 =	simm.s32 $0xD80;
	s20 =	simm.s32 $0xD00;
	s19 =	simm.s32 $0xC80  }
0x1d2: {  	s18 =	simm.s32 $0xC00;
	s16 =	simm.s32 $0x1300;
	s15 =	simm.s32 $0x1280  }
0x1d3: {  	s14 =	simm.s32 $0x1200;
	s13 =	simm.s32 $0x1180;
	s12 =	simm.s32 $0x1100  }
0x1d4: {  	s11 =	simm.s32 $0x1080;
	s10 =	simm.s32 $0x1000;
	s9 =	stileid.u32  }
.LBB2_6:
0x1d5: {  	[sflag:s3] =	ssyncadd.s32 @p0 $0xFFFFD880  }
0x1d6: {  	[tilespmem:s31], [sflag:$0x2] =	stream.linear.gather [hbm4b:s0+s31], $0x1400, $0x38;
	[tilespmem:$0x19000] =	vst v63  }
0x1d7: {  	_ =	swait.ge [sflag:s3], $0x1400  }
0x1d8: {  	[sflag:s3] =	ssyncset.done $0x0  }
0x1d9: {  	s1 =	rddreg [dreg:$0x4];
	[sflag:s3] =	ssyncadd.s32 $0xFFFFEC00  }
0x1da: {  	[tilespmem:s7], [sflag:$0x2] =	stream.linear.gather [hbm4b:s1+s31], $0x4000, $0x38;
	[tilespmem:$0x19000] =	vst v63  }
0x1db: {  	_ =	swait.ge [sflag:s3], $0x4000  }
0x1dc: {  	[sflag:s3] =	ssyncset.done $0x0  }
0x1dd: {  	s1 =	rddreg [dreg:$0x6];
	[sflag:s3] =	ssyncadd.s32 $0xFFFFC000  }
0x1de: {  	[spmem:s5], [sflag:s4] =	dma.local [hbm:s1], $0x2780  }
0x1df: {  	_ =	swait.ge [sflag:s3], $0x2780  }
0x1e0: {  	[sflag:s3] =	ssyncset.done $0x0  }
0x1e1: {  	[sflag:s3] =	ssyncadd.s32 $0xFFFFD880  }
0x1e2: {  	[bflag:$0x0] =	sbarrier.arrive $0xFFFF  }
0x1e3: {  	[spmem:s2] =	stream.indirect.scatter.add.f32 [tilespmem:s7], [sflag:$0x1], $0x80, s31, s8, $0xb8;
	[tilespmem:$0x19000] =	vst v63  }
0x1e4: {  	_ = 	snop  }
0x1e5: {  	[spmem:s2] =	stream.indirect.scatter.add.f32 [tilespmem:s7], [sflag:$0x1], $0x80, s8, s8, $0xb8;
	[tilespmem:$0x19000] =	vst v63  }
0x1e6: {  	s31 =	rddreg [dreg:$0x8]  }
0x1e7: {  	[spmem:s2] =	stream.indirect.scatter.add.f32 [tilespmem:s7], [sflag:$0x1], $0x80, s31, s8, $0xb8;
	[tilespmem:$0x19000] =	vst v63  }
0x1e8: {  	s1 =	rddreg [dreg:$0x9]  }
0x1e9: {  	[spmem:s2] =	stream.indirect.scatter.add.f32 [tilespmem:s7], [sflag:$0x1], $0x80, s1, s8, $0xb8;
	[tilespmem:$0x19000] =	vst v63  }
0x1ea: {  	s0 =	rddreg [dreg:$0xa]  }
0x1eb: {  	[spmem:s2] =	stream.indirect.scatter.add.f32 [tilespmem:s7], [sflag:$0x1], $0x80, s0, s8, $0xb8;
	[tilespmem:$0x19000] =	vst v63  }
0x1ec: {  	s31 =	rddreg [dreg:$0xb]  }
0x1ed: {  	[spmem:s2] =	stream.indirect.scatter.add.f32 [tilespmem:s7], [sflag:$0x1], $0x80, s31, s8, $0xb8;
	[tilespmem:$0x19000] =	vst v63  }
0x1ee: {  	s0 =	rddreg [dreg:$0xc]  }
0x1ef: {  	[spmem:s2] =	stream.indirect.scatter.add.f32 [tilespmem:s7], [sflag:$0x1], $0x80, s0, s8, $0xb8;
	[tilespmem:$0x19000] =	vst v63  }
0x1f0: {  	s31 =	rddreg [dreg:$0xd]  }
0x1f1: {  	[spmem:s2] =	stream.indirect.scatter.add.f32 [tilespmem:s7], [sflag:$0x1], $0x80, s31, s8, $0xb8;
	[tilespmem:$0x19000] =	vst v63  }
0x1f2: {  	_ =	swait.ge [sflag:s6], $0x4000  }
0x1f3: {  	[sflag:s6] =	ssyncset.done $0x0  }
0x1f4: {  	[sflag:s6] =	ssyncadd.s32 $0xFFFFC000  }
0x1f5: {  	_ =	swait.ge [sflag:s6], $0x4000  }
0x1f6: {  	[sflag:s6] =	ssyncset.done $0x0  }
0x1f7: {  	[sflag:s6] =	ssyncadd.s32 $0xFFFFC000  }
0x1f8: {  	_ =	swait.ge [sflag:s6], $0x4000  }
0x1f9: {  	[sflag:s6] =	ssyncset.done $0x0  }
0x1fa: {  	[sflag:s6] =	ssyncadd.s32 $0xFFFFC000  }
0x1fb: {  	_ =	swait.ge [sflag:s6], $0x4000  }
0x1fc: {  	[sflag:s6] =	ssyncset.done $0x0  }
0x1fd: {  	[sflag:s6] =	ssyncadd.s32 $0xFFFFC000  }
0x1fe: {  	_ =	swait.ge [sflag:s6], $0x4000  }
0x1ff: {  	[sflag:s6] =	ssyncset.done $0x0  }
0x200: {  	[sflag:s6] =	ssyncadd.s32 $0xFFFFC000  }
0x201: {  	_ =	swait.ge [sflag:s6], $0x4000  }
0x202: {  	[sflag:s6] =	ssyncset.done $0x0  }
0x203: {  	[sflag:s6] =	ssyncadd.s32 $0xFFFFC000  }
0x204: {  	_ =	swait.ge [sflag:s6], $0x4000  }
0x205: {  	[sflag:s6] =	ssyncset.done $0x0  }
0x206: {  	[sflag:s6] =	ssyncadd.s32 $0xFFFFC000  }
0x207: {  	_ =	swait.ge [sflag:s6], $0x4000  }
0x208: {  	[sflag:s6] =	ssyncset.done $0x0  }
0x209: {  	s1 =	rddreg [dreg:$0xe];
	[sflag:s6] =	ssyncadd.s32 $0xFFFFC000  }
0x20a: {  	[spmem:s2] =	stream.indirect.scatter.add.f32 [tilespmem:s7], [sflag:$0x1], $0x80, s1, s8, $0xb8;
	[tilespmem:$0x19000] =	vst v63  }
0x20b: {  	s31 =	rddreg [dreg:$0xf]  }
0x20c: {  	[spmem:s2] =	stream.indirect.scatter.add.f32 [tilespmem:s7], [sflag:$0x1], $0x80, s31, s8, $0xb8;
	[tilespmem:$0x19000] =	vst v63  }
0x20d: {  	s0 =	rddreg [dreg:$0x10]  }
0x20e: {  	[spmem:s2] =	stream.indirect.scatter.add.f32 [tilespmem:s7], [sflag:$0x1], $0x80, s0, s8, $0xb8;
	[tilespmem:$0x19000] =	vst v63  }
0x20f: {  	s31 =	rddreg [dreg:$0x11]  }
0x210: {  	[spmem:s2] =	stream.indirect.scatter.add.f32 [tilespmem:s7], [sflag:$0x1], $0x80, s31, s8, $0xb8;
	[tilespmem:$0x19000] =	vst v63  }
0x211: {  	s0 =	rddreg [dreg:$0x12]  }
0x212: {  	[spmem:s2] =	stream.indirect.scatter.add.f32 [tilespmem:s7], [sflag:$0x1], $0x80, s0, s8, $0xb8;
	[tilespmem:$0x19000] =	vst v63  }
0x213: {  	s31 =	rddreg [dreg:$0x13]  }
0x214: {  	[spmem:s2] =	stream.indirect.scatter.add.f32 [tilespmem:s7], [sflag:$0x1], $0x80, s31, s8, $0xb8;
	[tilespmem:$0x19000] =	vst v63  }
0x215: {  	s0 =	rddreg [dreg:$0x14]  }
0x216: {  	[spmem:s2] =	stream.indirect.scatter.add.f32 [tilespmem:s7], [sflag:$0x1], $0x80, s0, s8, $0xb8;
	[tilespmem:$0x19000] =	vst v63  }
0x217: {  	s31 =	rddreg [dreg:$0x15]  }
0x218: {  	[spmem:s2] =	stream.indirect.scatter.add.f32 [tilespmem:s7], [sflag:$0x1], $0x80, s31, s8, $0xb8;
	[tilespmem:$0x19000] =	vst v63  }
0x219: {  	_ =	swait.ge [sflag:s6], $0x4000  }
0x21a: {  	[sflag:s6] =	ssyncset.done $0x0  }
0x21b: {  	[sflag:s6] =	ssyncadd.s32 $0xFFFFC000  }
0x21c: {  	_ =	swait.ge [sflag:s6], $0x4000  }
0x21d: {  	[sflag:s6] =	ssyncset.done $0x0  }
0x21e: {  	[sflag:s6] =	ssyncadd.s32 $0xFFFFC000  }
0x21f: {  	_ =	swait.ge [sflag:s6], $0x4000  }
0x220: {  	[sflag:s6] =	ssyncset.done $0x0  }
0x221: {  	[sflag:s6] =	ssyncadd.s32 $0xFFFFC000  }
0x222: {  	_ =	swait.ge [sflag:s6], $0x4000  }
0x223: {  	[sflag:s6] =	ssyncset.done $0x0  }
0x224: {  	[sflag:s6] =	ssyncadd.s32 $0xFFFFC000  }
0x225: {  	_ =	swait.ge [sflag:s6], $0x4000  }
0x226: {  	[sflag:s6] =	ssyncset.done $0x0  }
0x227: {  	[sflag:s6] =	ssyncadd.s32 $0xFFFFC000  }
0x228: {  	_ =	swait.ge [sflag:s6], $0x4000  }
0x229: {  	[sflag:s6] =	ssyncset.done $0x0  }
0x22a: {  	[sflag:s6] =	ssyncadd.s32 $0xFFFFC000  }
0x22b: {  	_ =	swait.ge [sflag:s6], $0x4000  }
0x22c: {  	[sflag:s6] =	ssyncset.done $0x0  }
0x22d: {  	[sflag:s6] =	ssyncadd.s32 $0xFFFFC000  }
0x22e: {  	_ =	swait.ge [sflag:s6], $0x4000  }
0x22f: {  	[sflag:s6] =	ssyncset.done $0x0  }
0x230: {  	s31 =	rddreg [dreg:$0x16];
	[sflag:s6] =	ssyncadd.s32 $0xFFFFC000  }
0x231: {  	[spmem:s2] =	stream.indirect.scatter.add.f32 [tilespmem:s7], [sflag:$0x1], $0x80, s31, s8, $0xb8;
	[tilespmem:$0x19000] =	vst v63  }
0x232: {  	s1 =	rddreg [dreg:$0x17]  }
0x233: {  	[spmem:s2] =	stream.indirect.scatter.add.f32 [tilespmem:s7], [sflag:$0x1], $0x80, s1, s8, $0xb8;
	[tilespmem:$0x19000] =	vst v63  }
0x234: {  	s31 =	rddreg [dreg:$0x18]  }
0x235: {  	[spmem:s2] =	stream.indirect.scatter.add.f32 [tilespmem:s7], [sflag:$0x1], $0x80, s31, s8, $0xb8;
	[tilespmem:$0x19000] =	vst v63  }
0x236: {  	_ = 	snop  }
0x237: {  	[spmem:s2] =	stream.indirect.scatter.add.f32 [tilespmem:s7], [sflag:$0x1], $0x80, s26, s8, $0xb8;
	[tilespmem:$0x19000] =	vst v63  }
0x238: {  	_ = 	snop  }
0x239: {  	[spmem:s2] =	stream.indirect.scatter.add.f32 [tilespmem:s7], [sflag:$0x1], $0x80, s28, s8, $0xb8;
	[tilespmem:$0x19000] =	vst v63  }
0x23a: {  	_ = 	snop  }
0x23b: {  	[spmem:s2] =	stream.indirect.scatter.add.f32 [tilespmem:s7], [sflag:$0x1], $0x80, s29, s8, $0xb8;
	[tilespmem:$0x19000] =	vst v63  }
0x23c: {  	_ = 	snop  }
0x23d: {  	[spmem:s2] =	stream.indirect.scatter.add.f32 [tilespmem:s7], [sflag:$0x1], $0x80, s30, s8, $0xb8;
	[tilespmem:$0x19000] =	vst v63  }
0x23e: {  	_ = 	snop  }
0x23f: {  	[spmem:s2] =	stream.indirect.scatter.add.f32 [tilespmem:s7], [sflag:$0x1], $0x80, s17, s8, $0xb8;
	[tilespmem:$0x19000] =	vst v63  }
0x240: {  	_ =	swait.ge [sflag:s6], $0x4000  }
0x241: {  	[sflag:s6] =	ssyncset.done $0x0  }
0x242: {  	[sflag:s6] =	ssyncadd.s32 $0xFFFFC000  }
0x243: {  	_ =	swait.ge [sflag:s6], $0x4000  }
0x244: {  	[sflag:s6] =	ssyncset.done $0x0  }
0x245: {  	[sflag:s6] =	ssyncadd.s32 $0xFFFFC000  }
0x246: {  	_ =	swait.ge [sflag:s6], $0x4000  }
0x247: {  	[sflag:s6] =	ssyncset.done $0x0  }
0x248: {  	[sflag:s6] =	ssyncadd.s32 $0xFFFFC000  }
0x249: {  	_ =	swait.ge [sflag:s6], $0x4000  }
0x24a: {  	[sflag:s6] =	ssyncset.done $0x0  }
0x24b: {  	[sflag:s6] =	ssyncadd.s32 $0xFFFFC000  }
0x24c: {  	_ =	swait.ge [sflag:s6], $0x4000  }
0x24d: {  	[sflag:s6] =	ssyncset.done $0x0  }
0x24e: {  	[sflag:s6] =	ssyncadd.s32 $0xFFFFC000  }
0x24f: {  	_ =	swait.ge [sflag:s6], $0x4000  }
0x250: {  	[sflag:s6] =	ssyncset.done $0x0  }
0x251: {  	[sflag:s6] =	ssyncadd.s32 $0xFFFFC000  }
0x252: {  	_ =	swait.ge [sflag:s6], $0x4000  }
0x253: {  	[sflag:s6] =	ssyncset.done $0x0  }
0x254: {  	[sflag:s6] =	ssyncadd.s32 $0xFFFFC000  }
0x255: {  	_ =	swait.ge [sflag:s6], $0x4000  }
0x256: {  	[sflag:s6] =	ssyncset.done $0x0  }
0x257: {  	[sflag:s6] =	ssyncadd.s32 $0xFFFFC000  }
0x258: {  	[spmem:s2] =	stream.indirect.scatter.add.f32 [tilespmem:s7], [sflag:$0x1], $0x80, s18, s8, $0xb8;
	[tilespmem:$0x19000] =	vst v63  }
0x259: {  	_ = 	snop  }
0x25a: {  	[spmem:s2] =	stream.indirect.scatter.add.f32 [tilespmem:s7], [sflag:$0x1], $0x80, s19, s8, $0xb8;
	[tilespmem:$0x19000] =	vst v63  }
0x25b: {  	_ = 	snop  }
0x25c: {  	[spmem:s2] =	stream.indirect.scatter.add.f32 [tilespmem:s7], [sflag:$0x1], $0x80, s20, s8, $0xb8;
	[tilespmem:$0x19000] =	vst v63  }
0x25d: {  	_ = 	snop  }
0x25e: {  	[spmem:s2] =	stream.indirect.scatter.add.f32 [tilespmem:s7], [sflag:$0x1], $0x80, s21, s8, $0xb8;
	[tilespmem:$0x19000] =	vst v63  }
0x25f: {  	_ = 	snop  }
0x260: {  	[spmem:s2] =	stream.indirect.scatter.add.f32 [tilespmem:s7], [sflag:$0x1], $0x80, s22, s8, $0xb8;
	[tilespmem:$0x19000] =	vst v63  }
0x261: {  	_ = 	snop  }
0x262: {  	[spmem:s2] =	stream.indirect.scatter.add.f32 [tilespmem:s7], [sflag:$0x1], $0x80, s23, s8, $0xb8;
	[tilespmem:$0x19000] =	vst v63  }
0x263: {  	_ = 	snop  }
0x264: {  	[spmem:s2] =	stream.indirect.scatter.add.f32 [tilespmem:s7], [sflag:$0x1], $0x80, s24, s8, $0xb8;
	[tilespmem:$0x19000] =	vst v63  }
0x265: {  	_ = 	snop  }
0x266: {  	[spmem:s2] =	stream.indirect.scatter.add.f32 [tilespmem:s7], [sflag:$0x1], $0x80, s25, s8, $0xb8;
	[tilespmem:$0x19000] =	vst v63  }
0x267: {  	_ =	swait.ge [sflag:s6], $0x4000  }
0x268: {  	[sflag:s6] =	ssyncset.done $0x0  }
0x269: {  	[sflag:s6] =	ssyncadd.s32 $0xFFFFC000  }
0x26a: {  	_ =	swait.ge [sflag:s6], $0x4000  }
0x26b: {  	[sflag:s6] =	ssyncset.done $0x0  }
0x26c: {  	[sflag:s6] =	ssyncadd.s32 $0xFFFFC000  }
0x26d: {  	_ =	swait.ge [sflag:s6], $0x4000  }
0x26e: {  	[sflag:s6] =	ssyncset.done $0x0  }
0x26f: {  	[sflag:s6] =	ssyncadd.s32 $0xFFFFC000  }
0x270: {  	_ =	swait.ge [sflag:s6], $0x4000  }
0x271: {  	[sflag:s6] =	ssyncset.done $0x0  }
0x272: {  	[sflag:s6] =	ssyncadd.s32 $0xFFFFC000  }
0x273: {  	_ =	swait.ge [sflag:s6], $0x4000  }
0x274: {  	[sflag:s6] =	ssyncset.done $0x0  }
0x275: {  	[sflag:s6] =	ssyncadd.s32 $0xFFFFC000  }
0x276: {  	_ =	swait.ge [sflag:s6], $0x4000  }
0x277: {  	[sflag:s6] =	ssyncset.done $0x0  }
0x278: {  	[sflag:s6] =	ssyncadd.s32 $0xFFFFC000  }
0x279: {  	_ =	swait.ge [sflag:s6], $0x4000  }
0x27a: {  	[sflag:s6] =	ssyncset.done $0x0  }
0x27b: {  	[sflag:s6] =	ssyncadd.s32 $0xFFFFC000  }
0x27c: {  	_ =	swait.ge [sflag:s6], $0x4000  }
0x27d: {  	[sflag:s6] =	ssyncset.done $0x0  }
0x27e: {  	[sflag:s6] =	ssyncadd.s32 $0xFFFFC000  }
0x27f: {  	[spmem:s2] =	stream.indirect.scatter.add.f32 [tilespmem:s7], [sflag:$0x1], $0x80, s10, s8, $0xb8;
	[tilespmem:$0x19000] =	vst v63  }
0x280: {  	_ = 	snop  }
0x281: {  	[spmem:s2] =	stream.indirect.scatter.add.f32 [tilespmem:s7], [sflag:$0x1], $0x80, s11, s8, $0xb8;
	[tilespmem:$0x19000] =	vst v63  }
0x282: {  	_ = 	snop  }
0x283: {  	[spmem:s2] =	stream.indirect.scatter.add.f32 [tilespmem:s7], [sflag:$0x1], $0x80, s12, s8, $0xb8;
	[tilespmem:$0x19000] =	vst v63  }
0x284: {  	_ = 	snop  }
0x285: {  	[spmem:s2] =	stream.indirect.scatter.add.f32 [tilespmem:s7], [sflag:$0x1], $0x80, s13, s8, $0xb8;
	[tilespmem:$0x19000] =	vst v63  }
0x286: {  	_ = 	snop  }
0x287: {  	[spmem:s2] =	stream.indirect.scatter.add.f32 [tilespmem:s7], [sflag:$0x1], $0x80, s14, s8, $0xb8;
	[tilespmem:$0x19000] =	vst v63  }
0x288: {  	_ = 	snop  }
0x289: {  	[spmem:s2] =	stream.indirect.scatter.add.f32 [tilespmem:s7], [sflag:$0x1], $0x80, s15, s8, $0xb8;
	[tilespmem:$0x19000] =	vst v63  }
0x28a: {  	_ = 	snop  }
0x28b: {  	[spmem:s2] =	stream.indirect.scatter.add.f32 [tilespmem:s7], [sflag:$0x1], $0x80, s16, s8, $0xb8;
	[tilespmem:$0x19000] =	vst v63  }
0x28c: {  	s30 =	simm.s32 $0x1380  }
0x28d: {  	[spmem:s2] =	stream.indirect.scatter.add.f32 [tilespmem:s7], [sflag:$0x1], $0x80, s30, s8, $0xb8;
	[tilespmem:$0x19000] =	vst v63  }
0x28e: {  	_ =	swait.ge [sflag:s6], $0x4000  }
0x28f: {  	[sflag:s6] =	ssyncset.done $0x0  }
0x290: {  	[sflag:s6] =	ssyncadd.s32 $0xFFFFC000  }
0x291: {  	_ =	swait.ge [sflag:s6], $0x4000  }
0x292: {  	[sflag:s6] =	ssyncset.done $0x0  }
0x293: {  	[sflag:s6] =	ssyncadd.s32 $0xFFFFC000  }
0x294: {  	_ =	swait.ge [sflag:s6], $0x4000  }
0x295: {  	[sflag:s6] =	ssyncset.done $0x0  }
0x296: {  	[sflag:s6] =	ssyncadd.s32 $0xFFFFC000  }
0x297: {  	_ =	swait.ge [sflag:s6], $0x4000  }
0x298: {  	[sflag:s6] =	ssyncset.done $0x0  }
0x299: {  	[sflag:s6] =	ssyncadd.s32 $0xFFFFC000  }
0x29a: {  	_ =	swait.ge [sflag:s6], $0x4000  }
0x29b: {  	[sflag:s6] =	ssyncset.done $0x0  }
0x29c: {  	[sflag:s6] =	ssyncadd.s32 $0xFFFFC000  }
0x29d: {  	_ =	swait.ge [sflag:s6], $0x4000  }
0x29e: {  	[sflag:s6] =	ssyncset.done $0x0  }
0x29f: {  	[sflag:s6] =	ssyncadd.s32 $0xFFFFC000  }
0x2a0: {  	_ =	swait.ge [sflag:s6], $0x4000  }
0x2a1: {  	[sflag:s6] =	ssyncset.done $0x0  }
0x2a2: {  	[sflag:s6] =	ssyncadd.s32 $0xFFFFC000  }
0x2a3: {  	_ =	swait.ge [sflag:s6], $0x4000  }
0x2a4: {  	[sflag:s6] =	ssyncset.done $0x0  }
0x2a5: {  	[sflag:s6] =	ssyncadd.s32 $0xFFFFC000  }
0x2a6: {  	[bflag:$0x0] =	sbarrier.arrive $0xFFFF  }
0x2a7: {  	s31 =	rddreg [dreg:$0x7]  }
0x2a8: {  	[hbm:s31], [sflag:s4] =	dma.local [spmem:s5], $0x2780  }
0x2a9: {  	_ =	swait.ge [sflag:s3], $0x2780  }
0x2aa: {  	[sflag:s3] =	ssyncset.done $0x0  }
0x2ab: {  	[sflag:s3] =	ssyncadd.s32 $0xFFFFD880  }
0x2ac: {  	_ =	sfence.sel $0x180000  }
0x2ad: {  	[bflag:$0x0] =	sbarrier.arrive $0xFFFF  }
0x2ae: {  	_ =	strace $0x90000047  }
0x2af: {  	[bflag:$0x2] =	sbarrier.arrive $0xFFFF  }
0x2b0: {  	p0 =	sne.s32 s9, $0x0;
	s0 =	rddreg [dreg:$0x3]  }
0x2b1: {  	s0 =	sadd.s32 @!p0 $0x100000, s0  }
0x2b2: {  	[sflag:s0] =	ssyncadd.tile.s32 @!p0 $0x1;
	_ =	shalt  }
.LBB2_1:
0x2b3: {  	s17 =	simm.s32 $0xB80;
	s30 =	simm.s32 $0xB00;
	s29 =	simm.s32 $0xA80  }
0x2b4: {  	s28 =	simm.s32 $0xA00;
	s26 =	simm.s32 $0x980;
	s25 =	simm.s32 $0xF80  }
.Ltmp3:
0x2b5: {  	s24 =	simm.s32 $0xF00;
	s23 =	simm.s32 $0xE80;
	(pc) =	sbr.rel .LBB2_6-.Ltmp3, $4  }
0x2b6: {  	s22 =	simm.s32 $0xE00;
	s21 =	simm.s32 $0xD80;
	s20 =	simm.s32 $0xD00  }
0x2b7: {  	s19 =	simm.s32 $0xC80;
	s18 =	simm.s32 $0xC00;
	s16 =	simm.s32 $0x1300  }
0x2b8: {  	s15 =	simm.s32 $0x1280;
	s14 =	simm.s32 $0x1200;
	s13 =	simm.s32 $0x1180  }
0x2b9: {  	s12 =	simm.s32 $0x1100;
	s11 =	simm.s32 $0x1080;
	s10 =	simm.s32 $0x1000  }
.LBB2_3:
0x2ba: {  	s17 =	simm.s32 $0xB80  }
0x2bb: {  	s30 =	simm.s32 $0xB00;
	s29 =	simm.s32 $0xA80;
	s28 =	simm.s32 $0xA00  }
0x2bc: {  	s26 =	simm.s32 $0x980;
	s25 =	simm.s32 $0xF80;
	s24 =	simm.s32 $0xF00  }
.Ltmp4:
0x2bd: {  	s23 =	simm.s32 $0xE80;
	s22 =	simm.s32 $0xE00;
	(pc) =	sbr.rel .LBB2_6-.Ltmp4, $4  }
0x2be: {  	s21 =	simm.s32 $0xD80;
	s20 =	simm.s32 $0xD00;
	s19 =	simm.s32 $0xC80  }
0x2bf: {  	s18 =	simm.s32 $0xC00;
	s16 =	simm.s32 $0x1300;
	s15 =	simm.s32 $0x1280  }
0x2c0: {  	s14 =	simm.s32 $0x1200;
	s13 =	simm.s32 $0x1180;
	s12 =	simm.s32 $0x1100  }
0x2c1: {  	s11 =	simm.s32 $0x1080;
	s10 =	simm.s32 $0x1000;
	s9 =	stileid.u32  }
.Lfunc_end2:
_tile_overlayer_lowered:
.L_overlay_start_2:
0x2c2: {  	(tag) =	ssettag $0x2  }
0x2c3: {  	s0 =	rddreg [dreg:$0x0];
	s2 =	stileid.u32  }
0x2c4: {  	s1 =	rddreg [dreg:$0x1];
	p0 =	sne.s32 s2, $0x0  }
0x2c5: {  	s3 =	rddreg [dreg:$0x2];
	[bflag:$0x3] =	sbarrier.arrive $0xFFFF;
	s2 =	simm.s32 @!p0 $0x1C02  }
0x2c6: {  	[timem:s3], [sflag:s2] =	dma.local @!p0 [hbm:s0], s1  }
0x2c7: {  	s0 =	simm.s32 @!p0 $0x2  }
0x2c8: {  	_ =	swait.ge @!p0 [sflag:s0], s1  }
0x2c9: {  	s1 =	ssub.s32 @!p0 $0x0, s1;
	[sflag:s0] =	ssyncset.done @!p0 $0x0  }
0x2ca: {  	[sflag:s0] =	ssyncadd.s32 @!p0 s1  }
0x2cb: {  	[bflag:$0x3] =	sbarrier.arrive $0xFFFF  }
0x2cc: {  	_ =	shalt  }

// kernel: kernel.9.cloned.1.call-start
scs
__scs_entry_jumppad:
0x0: {  	(pc) =	sbr.rel $0x88, $3  }
0x1: {  	(tag) =	ssettag $0x0;
	lr =	simm.s32 $0x1  }
0x2: {  	[smem:$0x3F9D] =	sst lr;
	_ =	strace $0xD0000000  }
0x3: {  	_ = 	snop  }
0x4: {  	_ = 	snop  }
0x5: {  	_ = 	snop  }
0x6: {  	_ = 	snop  }
0x7: {  	_ = 	snop  }
__scs_overlays_trampoline_lowered:
0x8: {  	[smem:$0x3FAC] =	sst s0  }
0x9: {  	[smem:$0x3FAD] =	sst s1  }
0xa: {  	[smem:$0x3FAE] =	sst s2  }
0xb: {  	[smem:$0x3FAF] =	sst s3  }
0xc: {  	[smem:$0x3FB0] =	sst s4  }
0xd: {  	[smem:$0x3FB1] =	sst s5  }
0xe: {  	[smem:$0x3FB2] =	sst s6  }
0xf: {  	[smem:$0x3FB3] =	sst s7  }
0x10: {  	[smem:$0x3FB4] =	sst s8  }
0x11: {  	[smem:$0x3FB5] =	sst s9;
	s0 =	simm.s32 @!p0 $0x0  }
0x12: {  	s1 =	sld [smem:$0x3F9B];
	s0 =	simm.s32 @p0 $0x1  }
0x13: {  	[smem:$0x3FB6] =	sst s0;
	s0 =	simm.s32 @!p1 $0x0  }
0x14: {  	s2 =	sld [smem:$0x3F9A];
	s0 =	simm.s32 @p1 $0x1  }
0x15: {  	[smem:$0x3FB7] =	sst s0;
	s0 =	simm.s32 @!p2 $0x0  }
0x16: {  	s3 =	sld [smem:$0x3FDB];
	s0 =	simm.s32 @p2 $0x1  }
0x17: {  	s4 =	simm.s32 $0x1BF5;
	[smem:$0x3FB9] =	sst s0  }
0x18: {  	s0 =	sld [smem:$0x3F9C];
	_ =	swait.ge [sflag:s4], $0x0  }
0x19: {  	s7 =	sld [smem:$0x3F9D]  }
0x1a: {  	s8 =	sadd.s32 $0xFFFFE003, lr  }
0x1b: {  	s9 =	sadd.s32 $0xFFFFFEF7, lr;
	s5 =	simm.s32 $0xFFFFFFFF;
	p2 =	slt.u32 s8, $0xFFFFF086  }
0x1c: {  	p1 =	slt.u32 s9, $0xF7A;
	s5 =	simm.s32 @!p2 $0x0  }
0x1d: {  	s5 =	simm.s32 @p1 $0x1;
	p0 =	seq.s32 s7, s2  }
0x1e: {  	s7 =	smul.u32 @!p0 $0xF7A, s2;
	p2 =	seq.s32 @!p0 s5, $0x0  }
0x1f: {  	s9 =	smul.u32 $0xF7A, s1;
	s8 =	simm.s32 @!p0 $0x1BF5;
	p2 =	por !p2, p0  }
0x20: {  	[sflag:s8] =	ssyncset.s32 @!p0 $0xFFFFF086;
	s6 =	sadd.s32 @!p0 s3, s7;
	s7 =	simm.s32 @!p0 $0x108  }
0x21: {  	s3 =	sadd.s32 s3, s9;
	s6 =	sadd.s32 @!p0 $0x88, s6;
	s7 =	simm.s32 @p2 $0x1082  }
0x22: {  	[simem:s7], [sflag:s8] =	dma.local @!p0 [hbm:s6], $0xF7A  }
0x23: {  	s9 =	sor.u32 $0xD0000000, s2;
	s6 =	simm.s32 $0x108;
	_ =	swait.ge @!p0 [sflag:s8], $0x0  }
0x24: {  	s3 =	sadd.s32 $0x88, s3;
	s6 =	simm.s32 @!p1 $0x1082;
	[sflag:s4] =	ssyncset.s32 $0xFFFFF086  }
0x25: {  	[simem:s6], [sflag:s4] =	dma.local [hbm:s3], $0xF7A  }
0x26: {  	[smem:$0x3F9D] =	sst s1;
	(tag) =	ssettag s2;
	_ =	strace s9  }
0x27: {  	s1 =	sld [smem:$0x3FAD]  }
0x28: {  	s2 =	sld [smem:$0x3FAE]  }
0x29: {  	s4 =	sld [smem:$0x3FB0]  }
0x2a: {  	p0 =	seq.s32 s5, $0x0;
	s5 =	sld [smem:$0x3FB1]  }
0x2b: {  	s6 =	sld [smem:$0x3FB2]  }
0x2c: {  	s7 =	sld [smem:$0x3FB3]  }
0x2d: {  	s3 =	simm.s32 $0x108;
	s8 =	sld [smem:$0x3FB4]  }
0x2e: {  	s3 =	simm.s32 @!p0 $0x1082;
	s9 =	sld [smem:$0x3FB5]  }
0x2f: {  	lr =	sadd.s32 s0, s3;
	s0 =	sld [smem:$0x3FAC]  }
0x30: {  	s3 =	sld [smem:$0x3FAF]  }
0x31: {  	[smem:$0x3FB8] =	sst s10  }
0x32: {  	s10 =	sld [smem:$0x3FB6];
	_ =	sdelay $0x3  }
0x33: {  	p0 =	seq.s32 s10, $0x1;
	s10 =	sld [smem:$0x3FB8];
	_ =	sdelay $0x3  }
0x34: {  	[smem:$0x3FB8] =	sst s10  }
0x35: {  	s10 =	sld [smem:$0x3FB7];
	_ =	sdelay $0x3  }
0x36: {  	p1 =	seq.s32 s10, $0x1;
	s10 =	sld [smem:$0x3FB8];
	_ =	sdelay $0x3  }
0x37: {  	[smem:$0x3FB8] =	sst s10  }
0x38: {  	s10 =	sld [smem:$0x3FB9]  }
0x39: {  	_ = 	snop;
	(pc) =	sbr.ind lr, $3  }
0x3a: {  	_ = 	snop  }
0x3b: {  	_ = 	snop  }
0x3c: {  	p2 =	seq.s32 s10, $0x1;
	s10 =	sld [smem:$0x3FB8]  }
0x3d: {  	_ =	shalt  }
0x3e: {  	_ =	shalt  }
0x3f: {  	_ =	shalt  }
0x40: {  	_ =	shalt  }
0x41: {  	_ =	shalt  }
0x42: {  	_ =	shalt  }
0x43: {  	_ =	shalt  }
0x44: {  	_ =	shalt  }
0x45: {  	_ =	shalt  }
0x46: {  	_ =	shalt  }
0x47: {  	_ =	shalt  }
0x48: {  	_ =	shalt  }
0x49: {  	_ =	shalt  }
0x4a: {  	_ =	shalt  }
0x4b: {  	_ =	shalt  }
0x4c: {  	_ =	shalt  }
0x4d: {  	_ =	shalt  }
0x4e: {  	_ =	shalt  }
0x4f: {  	_ =	shalt  }
0x50: {  	_ =	shalt  }
0x51: {  	_ =	shalt  }
0x52: {  	_ =	shalt  }
0x53: {  	_ =	shalt  }
0x54: {  	_ =	shalt  }
0x55: {  	_ =	shalt  }
0x56: {  	_ =	shalt  }
0x57: {  	_ =	shalt  }
0x58: {  	_ =	shalt  }
0x59: {  	_ =	shalt  }
0x5a: {  	_ =	shalt  }
0x5b: {  	_ =	shalt  }
0x5c: {  	_ =	shalt  }
0x5d: {  	_ =	shalt  }
0x5e: {  	_ =	shalt  }
0x5f: {  	_ =	shalt  }
0x60: {  	_ =	shalt  }
0x61: {  	_ =	shalt  }
0x62: {  	_ =	shalt  }
0x63: {  	_ =	shalt  }
0x64: {  	_ =	shalt  }
0x65: {  	_ =	shalt  }
0x66: {  	_ =	shalt  }
0x67: {  	_ =	shalt  }
0x68: {  	_ =	shalt  }
0x69: {  	_ =	shalt  }
0x6a: {  	_ =	shalt  }
0x6b: {  	_ =	shalt  }
0x6c: {  	_ =	shalt  }
0x6d: {  	_ =	shalt  }
0x6e: {  	_ =	shalt  }
0x6f: {  	_ =	shalt  }
0x70: {  	_ =	shalt  }
0x71: {  	_ =	shalt  }
0x72: {  	_ =	shalt  }
0x73: {  	_ =	shalt  }
0x74: {  	_ =	shalt  }
0x75: {  	_ =	shalt  }
0x76: {  	_ =	shalt  }
0x77: {  	_ =	shalt  }
0x78: {  	_ =	shalt  }
0x79: {  	_ =	shalt  }
0x7a: {  	_ =	shalt  }
0x7b: {  	_ =	shalt  }
0x7c: {  	_ =	shalt  }
0x7d: {  	_ =	shalt  }
0x7e: {  	_ =	shalt  }
0x7f: {  	_ =	shalt  }
0x80: {  	_ =	shalt  }
0x81: {  	_ =	shalt  }
0x82: {  	_ =	shalt  }
0x83: {  	_ =	shalt  }
0x84: {  	_ =	shalt  }
0x85: {  	_ =	shalt  }
0x86: {  	_ =	shalt  }
0x87: {  	_ =	shalt  }
.Lfunc_end0:
.L_simem_size_0:
called_computation.1_lowered:
.L_overlay_start_0:
0x88: {  	s2 =	sld [smem:$0x3FD9]  }
0x89: {  	s3 =	sld [smem:$0x3FFE];
	_ =	sdelay $0x1  }
0x8a: {  	s1 =	srdreg.scid  }
0x8b: {  	s0 =	sand.u32 $0x1, s1  }
0x8c: {  	s17 =	sshll.u32 s0, $0xA;
	s2 =	sadd.s32 s3, s2  }
0x8d: {  	s2 =	sadd.s32 s2, s17  }
0x8e: {  	[smem:$0x3FC4] =	sst s2  }
0x8f: {  	_ = 	snop  }
0x90: {  	s2 =	sld [smem:$0x3FD0];
	(tm) =	ssettm $0x1  }
0x91: {  	s18 =	sld [smem:$0x3FFB];
	_ =	sdelay $0x3  }
0x92: {  	_ =	strace s18  }
0x93: {  	s3 =	sld [smem:$0x3FFC];
	_ =	sdelay $0x3  }
0x94: {  	_ =	strace s3  }
0x95: {  	s3 =	sld [smem:$0x3FFD];
	_ =	sdelay $0x3  }
0x96: {  	_ =	strace s3  }
0x97: {  	_ =	strace $0x8FFFFFFF  }
0x98: {  	s19 =	sld [smem:$0x3FDB];
	_ =	sdelay $0x1  }
0x99: {  	s4 =	simm.s32 $_scs_section_size  }
0x9a: {  	s5 =	simm.s32 $_size__tile_overlayer_lowered;
	s6 =	simm.s32 $_tile_overlayer_lowered  }
0x9b: {  	s22 =	simm.s32 $0x1BFF;
	s21 =	sshll.u32 s6, $0x1;
	s3 =	sadd.s32 s4, s19  }
0x9c: {  	s7 =	simm.s32 $0x0;
	s20 =	sshll.u32 s5, $0x1;
	s5 =	sadd.s32 s21, s3  }
0x9d: {  	[timem:s7], [sflag:s22] =	dma.local [hbm:s5], s20  }
0x9e: {  	_ =	swait.ge [sflag:s22], s20  }
0x9f: {  	s4 =	ssub.s32 $0x0, s20;
	[sflag:s22] =	ssyncset.done $0x0  }
0xa0: {  	[sflag:s22] =	ssyncadd.s32 s4;
	_ =	sdelay $0x1  }
0xa1: {  	s23 =	simm.s32 $0x1B8B  }
0xa2: {  	_ =	swait.ge [sflag:s23], $0x1  }
0xa3: {  	[sflag:s23] =	ssyncset.done $0x0  }
0xa4: {  	s25 =	simm.s32 $0x1B8E;
	s24 =	sld [smem:$0x3FFE];
	[sflag:s23] =	ssyncadd.s32 $0xFFFFFFFF  }
0xa5: {  	s26 =	simm.s32 $execute0_lowered;
	[smem:$0x3FD2] =	sst s25  }
0xa6: {  	s5 =	sshll.u32 s26, $0x1;
	_ =	strace $0x80000049;
	[dreg:$0x1] =	wrdreg $0xFFFFFFFF  }
0xa7: {  	s28 =	simm.s32 $_size_execute0_lowered;
	s3 =	sadd.s32 s3, s5;
	[dreg:$0x0] =	wrdreg $0x0  }
0xa8: {  	s5 =	sshll.u32 s28, $0x1;
	[dreg:$0x2] =	wrdreg s3  }
0xa9: {  	[dreg:$0x3] =	wrdreg s5  }
0xaa: {  	[dreg:$0x4] =	wrdreg $0xC0  }
0xab: {  	_ =	task [dreg:s7], $0x5FFFF  }
0xac: {  	[dreg:$0x1] =	wrdreg $0xFFFFFFFF  }
0xad: {  	[dreg:$0x0] =	wrdreg $0x60  }
0xae: {  	[dreg:$0x2] =	wrdreg s24  }
0xaf: {  	[dreg:$0x3] =	wrdreg s2  }
0xb0: {  	[dreg:$0x4] =	wrdreg $0xB0000  }
0xb1: {  	[dreg:$0x5] =	wrdreg $0x9  }
0xb2: {  	_ =	task.clear_ibuf [dreg:s7], $0x6FFFF;
	_ =	strace $0x90000049  }
0xb3: {  	s29 =	simm.s32 $0x9;
	_ =	strace $0x8000004B  }
0xb4: {  	_ =	swait.ge [sflag:s29], $0x1  }
0xb5: {  	[sflag:s29] =	ssyncadd.s32 $0xFFFFFFFF  }
0xb6: {  	_ =	strace $0x9000004B  }
0xb7: {  	_ =	sfence  }
0xb8: {  	s30 =	sld [smem:$0x0];
	_ =	sdelay $0x2  }
0xb9: {  	s31 =	sshll.u32 s1, $0xD;
	s1 =	sshrl.u32 s1, $0x2  }
0xba: {  	s3 =	sand.u32 $0x4000, s31;
	s1 =	sadd.s32 s1, s30  }
0xbb: {  	s0 =	sor.u32 s3, s0;
	s1 =	sshll.u32 s1, $0x11  }
0xbc: {  	s0 =	sor.u32 s1, s0  }
0xbd: {  	s0 =	sadd.s32 $0x8F2B, s0  }
0xbe: {  	[sflag:s0] =	ssyncadd.remote.s32 $0x1  }
0xbf: {  	_ =	sfence.sel $0xFFFF  }
0xc0: {  	[dreg:$0x0] =	wrdreg $0xFFFFFFFF;
	(pc) =	sbr.abs _section_cstart, $3  }
0xc1: {  	[dreg:$0x1] =	wrdreg $0xFFFFFFFF  }
0xc2: {  	_ =	task.clear_ibuf [dreg:s7], $0x2FFFF;
	_ =	strace $0x9FFFFFFF  }
0xc3: {  	(tm) =	ssettm $0x7FFFFFFF  }
tec
execute0_lowered:
.L_overlay_start_1:
0x0: {  	(tag) =	ssettag $0x1  }
0x1: {  	s0 =	rddreg [dreg:$0x0]  }
0x2: {  	s1 =	rddreg [dreg:$0x1]  }
0x3: {  	s2 =	rddreg [dreg:$0x2];
	s3 =	simm.s32 $0x0;
	s7 =	srdreg.scid  }
0x4: {  	s12 =	stileid.u32;
	s28 =	simm.s32 $0x6000;
	s29 =	simm.s32 $0x7000  }
0x5: {  	s30 =	simm.s32 $0x8000;
	s31 =	simm.s32 $0x9000;
	s14 =	simm.s32 $0x13A0  }
0x6: {  	s16 =	simm.s32 $0x13C0;
	[smem:$0x7FF] =	sst s3;
	s9 =	smul.u32 $0x4F000, s12  }
0x7: {  	s4 =	sadd.s32 $0xC000, s0;
	s8 =	sand.u32 $0x1, s7;
	s7 =	smul.u32 $0x2780, s12  }
0x8: {  	s6 =	sadd.s32 $0x7000, s0;
	s5 =	sadd.s32 $0x11000, s0;
	s11 =	smul.u32 $0x2800, s12  }
0x9: {  	s19 =	sadd.s32 $0x38800, s0;
	s0 =	sadd.s32 $0x60000, s0;
	s21 =	smul.u32 $0x500, s12  }
0xa: {  	s26 =	sshll.u32 s12, $0x6;
	_ =	strace $0x8000004A;
	[dreg:$0x4] =	wrdreg s19  }
0xb: {  	s10 =	ssub.s32 $0x2, s8;
	[dreg:$0x5] =	wrdreg s0;
	p0 =	seq.s32 s8, $0x0  }
0xc: {  	[dreg:$0xd] =	wrdreg s26;
	s12 =	sor.u32 $0x1C03, s26;
	s19 =	simm.s32 $0x3  }
0xd: {  	s20 =	sshrl.u32 s10, $0x1;
	s9 =	sshrl.u32 s9, $0x2;
	s13 =	sadd.s32 s5, s7  }
0xe: {  	s11 =	sshrl.u32 s11, $0x3;
	s22 =	sadd.s32 s4, s21;
	s25 =	sadd.s32 s1, s7  }
0xf: {  	s0 =	ssub.s32 s10, s20;
	s9 =	sadd.s32 s9, s2;
	[dreg:$0x6] =	wrdreg s13  }
0x10: {  	[dreg:$0x7] =	wrdreg s22;
	s10 =	sadd.s32 s6, s21;
	s23 =	sadd.s32 $0x280, s11  }
0x11: {  	[dreg:$0xb] =	wrdreg s25;
	s21 =	simm.s32 $0x20;
	s22 =	simm.s32 $0x3000  }
0x12: {  	s25 =	simm.s32 $0x5000;
	s20 =	simm.s32 $0x2B00;
	s11 =	simm.s32 $0x2B80  }
.Ltmp0:
0x13: {  	[dreg:$0x8] =	wrdreg s10;
	s4 =	sadd.s32 s4, s23;
	(pc) =	sbr.rel .LBB2_1-.Ltmp0, $4  }
0x14: {  	s24 =	sadd.s32 s6, s23;
	s0 =	smax.u32 s0, $0x1;
	s18 =	sshrl.u32 s9, $0x3  }
0x15: {  	s23 =	simm.s32 $0x4000;
	s6 =	simm.s32 $0x80;
	[dreg:$0x9] =	wrdreg s4  }
0x16: {  	s9 =	simm.s32 $0x2;
	s10 =	simm.s32 $0x13E0;
	[dreg:$0xa] =	wrdreg s24  }
0x17: {  	[dreg:$0xc] =	wrdreg s0;
	s0 =	simm.s32 $0xA000;
	s4 =	simm.s32 $0x1  }
.LBB2_11:
0x18: {  	s13 =	sadd.s32 $0x80, s17;
	[sflag:s19] =	ssyncadd.s32 $0xFFFFC000  }
0x19: {  	[tilespmem:s29], [sflag:$0x2] =	stream.indirect.gather [hbm4b:s1+s21], $0x80, s13, s21, $0xb8;
	[tilespmem:$0x1EC00] =	vst v63  }
0x1a: {  	s26 =	sadd.s32 $0xA0, s17  }
0x1b: {  	[tilespmem:s30], [sflag:$0x2] =	stream.indirect.gather [hbm4b:s1+s21], $0x80, s26, s21, $0xb8;
	[tilespmem:$0x1EC00] =	vst v63  }
0x1c: {  	s8 =	sadd.s32 $0xC0, s17  }
0x1d: {  	[tilespmem:s31], [sflag:$0x2] =	stream.indirect.gather [hbm4b:s1+s21], $0x80, s8, s21, $0xb8;
	[tilespmem:$0x1EC00] =	vst v63  }
0x1e: {  	s15 =	sadd.s32 $0xE0, s17  }
0x1f: {  	[tilespmem:s0], [sflag:$0x2] =	stream.indirect.gather [hbm4b:s1+s21], $0x80, s15, s21, $0xb8;
	[tilespmem:$0x1EC00] =	vst v63  }
0x20: {  	_ =	swait.ge [sflag:s4], $0x4000  }
0x21: {  	[sflag:s4] =	ssyncset.done $0x0  }
0x22: {  	s24 =	sadd.s32 $0x1800, s17;
	[sflag:s4] =	ssyncadd.s32 $0xFFFFC000  }
0x23: {  	[spmem:s2] =	stream.indirect.scatter.add.f32 [tilespmem:s22], [sflag:$0x3], $0x80, s24, s6, $0xb8;
	[tilespmem:$0x1EC00] =	vst v63  }
0x24: {  	_ =	swait.ge [sflag:s19], $0x4000  }
0x25: {  	[sflag:s19] =	ssyncset.done $0x0  }
0x26: {  	s26 =	sadd.s32 $0x100, s17;
	[sflag:s19] =	ssyncadd.s32 $0xFFFFC000  }
0x27: {  	[tilespmem:s22], [sflag:$0x1] =	stream.indirect.gather [hbm4b:s1+s21], $0x80, s26, s21, $0xb8;
	[tilespmem:$0x1EC00] =	vst v63  }
0x28: {  	s8 =	sadd.s32 $0x120, s17  }
0x29: {  	[tilespmem:s23], [sflag:$0x1] =	stream.indirect.gather [hbm4b:s1+s21], $0x80, s8, s21, $0xb8;
	[tilespmem:$0x1EC00] =	vst v63  }
0x2a: {  	s15 =	sadd.s32 $0x140, s17  }
0x2b: {  	[tilespmem:s25], [sflag:$0x1] =	stream.indirect.gather [hbm4b:s1+s21], $0x80, s15, s21, $0xb8;
	[tilespmem:$0x1EC00] =	vst v63  }
0x2c: {  	s24 =	sadd.s32 $0x160, s17  }
0x2d: {  	[tilespmem:s28], [sflag:$0x1] =	stream.indirect.gather [hbm4b:s1+s21], $0x80, s24, s21, $0xb8;
	[tilespmem:$0x1EC00] =	vst v63  }
0x2e: {  	_ =	swait.ge [sflag:s9], $0x4000  }
0x2f: {  	[sflag:s9] =	ssyncset.done $0x0  }
0x30: {  	s26 =	sadd.s32 $0x1880, s17;
	[sflag:s9] =	ssyncadd.s32 $0xFFFFC000  }
0x31: {  	[spmem:s2] =	stream.indirect.scatter.add.f32 [tilespmem:s29], [sflag:$0x3], $0x80, s26, s6, $0xb8;
	[tilespmem:$0x1EC00] =	vst v63  }
0x32: {  	_ =	swait.ge [sflag:s19], $0x4000  }
0x33: {  	[sflag:s19] =	ssyncset.done $0x0  }
0x34: {  	s8 =	simm.s32 $0x1380;
	[sflag:s19] =	ssyncadd.s32 $0xFFFFC000  }
0x35: {  	[tilespmem:s29], [sflag:$0x2] =	stream.indirect.gather [hbm4b:s1+s21], $0x80, s8, s21, $0xb8;
	[tilespmem:$0x1EC00] =	vst v63  }
0x36: {  	_ = 	snop  }
0x37: {  	[tilespmem:s30], [sflag:$0x2] =	stream.indirect.gather [hbm4b:s1+s21], $0x80, s14, s21, $0xb8;
	[tilespmem:$0x1EC00] =	vst v63  }
0x38: {  	_ = 	snop  }
0x39: {  	[tilespmem:s31], [sflag:$0x2] =	stream.indirect.gather [hbm4b:s1+s21], $0x80, s16, s21, $0xb8;
	[tilespmem:$0x1EC00] =	vst v63  }
0x3a: {  	s17 =	smov.u32 s12;
	s13 =	rddreg [dreg:$0x4]  }
0x3b: {  	[tilespmem:s0], [sflag:$0x2] =	stream.indirect.gather [hbm4b:s1+s21], $0x80, s10, s21, $0xb8;
	[tilespmem:$0x1EC00] =	vst v63  }
.LBB2_12:
0x3c: {  	_ =	swait.ge [sflag:s4], $0x4000  }
0x3d: {  	[sflag:s4] =	ssyncset.done $0x0  }
0x3e: {  	[sflag:s4] =	ssyncadd.s32 $0xFFFFC000  }
0x3f: {  	[spmem:s2] =	stream.indirect.scatter.add.f32 [tilespmem:s22], [sflag:$0x3], $0x80, s20, s6, $0xb8;
	[tilespmem:$0x1EC00] =	vst v63  }
0x40: {  	_ =	swait.ge [sflag:s19], $0x4000  }
0x41: {  	[sflag:s19] =	ssyncset.done $0x0  }
0x42: {  	[sflag:s19] =	ssyncadd.s32 $0xFFFFC000  }
0x43: {  	_ =	swait.ge [sflag:s9], $0x4000  }
0x44: {  	[sflag:s9] =	ssyncset.done $0x0  }
0x45: {  	[sflag:s9] =	ssyncadd.s32 $0xFFFFC000  }
0x46: {  	[spmem:s2] =	stream.indirect.scatter.add.f32 [tilespmem:s29], [sflag:$0x3], $0x80, s11, s6, $0xb8;
	[tilespmem:$0x1EC00] =	vst v63  }
0x47: {  	_ =	swait.ge [sflag:s19], $0x4000  }
0x48: {  	[sflag:s19] =	ssyncset.done $0x0  }
0x49: {  	[sflag:s19] =	ssyncadd.s32 $0xFFFFC000  }
0x4a: {  	s8 =	sadd.s32 s13, s7;
	[bflag:$0x0] =	sbarrier.arrive $0xFFFF  }
0x4b: {  	[hbm:s8], [sflag:s17] =	dma.local [spmem:s18], $0x2780  }
0x4c: {  	_ =	swait.ge [sflag:s19], $0x2780  }
0x4d: {  	s3 =	sadd.s32 $0x1, s3;
	s26 =	rddreg [dreg:$0xc]  }
0x4e: {  	p1 =	sne.s32 s3, s26  }
.Ltmp1:
0x4f: {  	_ = 	snop;
	(pc) =	sbr.rel @!p1 .LBB2_13-.Ltmp1, $3  }
0x50: {  	_ =	sdelay $0x1  }
0x51: {  	[sflag:s19] =	ssyncset.done $0x0  }
0x52: {  	[sflag:s19] =	ssyncadd.s32 $0xFFFFD880  }
.LBB2_1:
.Ltmp2:
0x53: {  	(pc) =	sbr.rel @!p0 .LBB2_2-.Ltmp2, $1  }
0x54: {  	_ =	sdelay $0x3  }
0x55: {  	s8 =	rddreg [dreg:$0xb]  }
0x56: {  	[spmem:s18], [sflag:s12] =	dma.local [hbm:s8], $0x2780  }
0x57: {  	_ =	swait.ge [sflag:s19], $0x2780  }
0x58: {  	[sflag:s19] =	ssyncset.done $0x0  }
0x59: {  	[sflag:s19] =	ssyncadd.s32 $0xFFFFD880  }
0x5a: {  	[bflag:$0x0] =	sbarrier.arrive $0xFFFF  }
0x5b: {  	s13 =	simm.s32 $0x0;
	s15 =	rddreg [dreg:$0x7]  }
0x5c: {  	[tilespmem:s13], [sflag:$0x3] =	stream.linear.gather [hbm4b:s15+s13], $0x1400, $0x38;
	[tilespmem:$0x1EC00] =	vst v63  }
0x5d: {  	_ =	swait.ge [sflag:s19], $0x1400  }
0x5e: {  	[sflag:s19] =	ssyncset.done $0x0  }
0x5f: {  	s15 =	simm.s32 $0x1800;
	s17 =	rddreg [dreg:$0x8];
	[sflag:s19] =	ssyncadd.s32 $0xFFFFEC00  }
0x60: {  	[tilespmem:s15], [sflag:$0x3] =	stream.linear.gather [hbm4b:s17+s13], $0x1400, $0x38;
	[tilespmem:$0x1EC00] =	vst v63  }
0x61: {  	_ =	swait.ge [sflag:s19], $0x1400  }
0x62: {  	[sflag:s19] =	ssyncset.done $0x0  }
0x63: {  	[sflag:s19] =	ssyncadd.s32 $0xFFFFEC00  }
0x64: {  	[tilespmem:s22], [sflag:$0x1] =	stream.indirect.gather [hbm4b:s1+s21], $0x80, s13, s21, $0xb8;
	[tilespmem:$0x1EC00] =	vst v63  }
0x65: {  	_ = 	snop  }
0x66: {  	[tilespmem:s23], [sflag:$0x1] =	stream.indirect.gather [hbm4b:s1+s21], $0x80, s21, s21, $0xb8;
	[tilespmem:$0x1EC00] =	vst v63  }
0x67: {  	s24 =	simm.s32 $0x40  }
0x68: {  	[tilespmem:s25], [sflag:$0x1] =	stream.indirect.gather [hbm4b:s1+s21], $0x80, s24, s21, $0xb8;
	[tilespmem:$0x1EC00] =	vst v63  }
0x69: {  	s26 =	simm.s32 $0x60  }
0x6a: {  	[tilespmem:s28], [sflag:$0x1] =	stream.indirect.gather [hbm4b:s1+s21], $0x80, s26, s21, $0xb8;
	[tilespmem:$0x1EC00] =	vst v63  }
0x6b: {  	s8 =	simm.s32 $0x80  }
0x6c: {  	[tilespmem:s29], [sflag:$0x2] =	stream.indirect.gather [hbm4b:s1+s21], $0x80, s8, s21, $0xb8;
	[tilespmem:$0x1EC00] =	vst v63  }
0x6d: {  	s15 =	simm.s32 $0xA0  }
0x6e: {  	[tilespmem:s30], [sflag:$0x2] =	stream.indirect.gather [hbm4b:s1+s21], $0x80, s15, s21, $0xb8;
	[tilespmem:$0x1EC00] =	vst v63  }
0x6f: {  	s17 =	simm.s32 $0xC0  }
0x70: {  	[tilespmem:s31], [sflag:$0x2] =	stream.indirect.gather [hbm4b:s1+s21], $0x80, s17, s21, $0xb8;
	[tilespmem:$0x1EC00] =	vst v63  }
0x71: {  	s24 =	simm.s32 $0xE0  }
0x72: {  	[tilespmem:s0], [sflag:$0x2] =	stream.indirect.gather [hbm4b:s1+s21], $0x80, s24, s21, $0xb8;
	[tilespmem:$0x1EC00] =	vst v63  }
0x73: {  	_ =	swait.ge [sflag:s4], $0x4000  }
0x74: {  	[sflag:s4] =	ssyncset.done $0x0  }
0x75: {  	s26 =	simm.s32 $0x1800;
	[sflag:s4] =	ssyncadd.s32 $0xFFFFC000  }
0x76: {  	[spmem:s2] =	stream.indirect.scatter.add.f32 [tilespmem:s22], [sflag:$0x3], $0x80, s26, s6, $0xb8;
	[tilespmem:$0x1EC00] =	vst v63  }
0x77: {  	_ =	swait.ge [sflag:s19], $0x4000  }
0x78: {  	[sflag:s19] =	ssyncset.done $0x0  }
0x79: {  	s8 =	simm.s32 $0x100;
	[sflag:s19] =	ssyncadd.s32 $0xFFFFC000  }
0x7a: {  	[tilespmem:s22], [sflag:$0x1] =	stream.indirect.gather [hbm4b:s1+s21], $0x80, s8, s21, $0xb8;
	[tilespmem:$0x1EC00] =	vst v63  }
0x7b: {  	s15 =	simm.s32 $0x120  }
0x7c: {  	[tilespmem:s23], [sflag:$0x1] =	stream.indirect.gather [hbm4b:s1+s21], $0x80, s15, s21, $0xb8;
	[tilespmem:$0x1EC00] =	vst v63  }
0x7d: {  	s17 =	simm.s32 $0x140  }
0x7e: {  	[tilespmem:s25], [sflag:$0x1] =	stream.indirect.gather [hbm4b:s1+s21], $0x80, s17, s21, $0xb8;
	[tilespmem:$0x1EC00] =	vst v63  }
0x7f: {  	s24 =	simm.s32 $0x160  }
0x80: {  	[tilespmem:s28], [sflag:$0x1] =	stream.indirect.gather [hbm4b:s1+s21], $0x80, s24, s21, $0xb8;
	[tilespmem:$0x1EC00] =	vst v63  }
0x81: {  	_ =	swait.ge [sflag:s9], $0x4000  }
0x82: {  	[sflag:s9] =	ssyncset.done $0x0  }
0x83: {  	s26 =	simm.s32 $0x1880;
	[sflag:s9] =	ssyncadd.s32 $0xFFFFC000  }
0x84: {  	[spmem:s2] =	stream.indirect.scatter.add.f32 [tilespmem:s29], [sflag:$0x3], $0x80, s26, s6, $0xb8;
	[tilespmem:$0x1EC00] =	vst v63  }
0x85: {  	_ =	swait.ge [sflag:s19], $0x4000  }
0x86: {  	s13 =	simm.s32 $0x800;
	s17 =	simm.s32 $0x100;
	[sflag:s19] =	ssyncset.done $0x0  }
.LBB2_8:
0x87: {  	s24 =	sadd.s32 $0x80, s17  }
0x88: {  	[sflag:s19] =	ssyncadd.s32 $0xFFFFC000;
	s15 =	smov.u32 s13;
	s26 =	sadd.s32 $0x400, s13  }
0x89: {  	[tilespmem:s29], [sflag:$0x2] =	stream.indirect.gather [hbm4b:s1+s21], $0x80, s24, s21, $0xb8;
	[tilespmem:$0x1EC00] =	vst v63  }
0x8a: {  	p1 =	sne.s32 s13, $0x4800;
	s13 =	sadd.s32 $0xA0, s17  }
0x8b: {  	[tilespmem:s30], [sflag:$0x2] =	stream.indirect.gather [hbm4b:s1+s21], $0x80, s13, s21, $0xb8;
	[tilespmem:$0x1EC00] =	vst v63  }
0x8c: {  	s13 =	sadd.s32 $0xC0, s17  }
0x8d: {  	[tilespmem:s31], [sflag:$0x2] =	stream.indirect.gather [hbm4b:s1+s21], $0x80, s13, s21, $0xb8;
	[tilespmem:$0x1EC00] =	vst v63  }
0x8e: {  	s13 =	sadd.s32 $0xE0, s17  }
0x8f: {  	[tilespmem:s0], [sflag:$0x2] =	stream.indirect.gather [hbm4b:s1+s21], $0x80, s13, s21, $0xb8;
	[tilespmem:$0x1EC00] =	vst v63  }
0x90: {  	_ =	swait.ge [sflag:s4], $0x4000  }
0x91: {  	[sflag:s4] =	ssyncset.done $0x0  }
0x92: {  	s13 =	sadd.s32 $0x1800, s17;
	[sflag:s4] =	ssyncadd.s32 $0xFFFFC000  }
0x93: {  	[spmem:s2] =	stream.indirect.scatter.add.f32 [tilespmem:s22], [sflag:$0x3], $0x80, s13, s6, $0xb8;
	[tilespmem:$0x1EC00] =	vst v63  }
0x94: {  	_ =	swait.ge [sflag:s19], $0x4000  }
0x95: {  	[sflag:s19] =	ssyncset.done $0x0  }
0x96: {  	s13 =	sadd.s32 $0x100, s17;
	[sflag:s19] =	ssyncadd.s32 $0xFFFFC000  }
0x97: {  	[tilespmem:s22], [sflag:$0x1] =	stream.indirect.gather [hbm4b:s1+s21], $0x80, s13, s21, $0xb8;
	[tilespmem:$0x1EC00] =	vst v63  }
0x98: {  	s13 =	sadd.s32 $0x120, s17  }
0x99: {  	[tilespmem:s23], [sflag:$0x1] =	stream.indirect.gather [hbm4b:s1+s21], $0x80, s13, s21, $0xb8;
	[tilespmem:$0x1EC00] =	vst v63  }
0x9a: {  	s13 =	sadd.s32 $0x140, s17  }
0x9b: {  	[tilespmem:s25], [sflag:$0x1] =	stream.indirect.gather [hbm4b:s1+s21], $0x80, s13, s21, $0xb8;
	[tilespmem:$0x1EC00] =	vst v63  }
0x9c: {  	s13 =	sadd.s32 $0x160, s17  }
0x9d: {  	[tilespmem:s28], [sflag:$0x1] =	stream.indirect.gather [hbm4b:s1+s21], $0x80, s13, s21, $0xb8;
	[tilespmem:$0x1EC00] =	vst v63  }
0x9e: {  	_ =	swait.ge [sflag:s9], $0x4000  }
.Ltmp3:
0x9f: {  	[sflag:s9] =	ssyncset.done $0x0;
	(pc) =	sbr.rel @p1 .LBB2_8-.Ltmp3, $4  }
0xa0: {  	s13 =	sadd.s32 $0x1880, s17;
	[sflag:s9] =	ssyncadd.s32 $0xFFFFC000  }
0xa1: {  	[spmem:s2] =	stream.indirect.scatter.add.f32 [tilespmem:s29], [sflag:$0x3], $0x80, s13, s6, $0xb8;
	[tilespmem:$0x1EC00] =	vst v63  }
0xa2: {  	_ =	swait.ge [sflag:s19], $0x4000  }
0xa3: {  	s17 =	sshra.s32 s15, $0x2;
	s13 =	smov.u32 s26;
	[sflag:s19] =	ssyncset.done $0x0  }
0xa4: {  	s13 =	sadd.s32 $0x80, s17;
	[sflag:s19] =	ssyncadd.s32 $0xFFFFC000  }
0xa5: {  	[tilespmem:s29], [sflag:$0x2] =	stream.indirect.gather [hbm4b:s1+s21], $0x80, s13, s21, $0xb8;
	[tilespmem:$0x1EC00] =	vst v63  }
0xa6: {  	s24 =	sadd.s32 $0xA0, s17  }
0xa7: {  	[tilespmem:s30], [sflag:$0x2] =	stream.indirect.gather [hbm4b:s1+s21], $0x80, s24, s21, $0xb8;
	[tilespmem:$0x1EC00] =	vst v63  }
0xa8: {  	s26 =	sadd.s32 $0xC0, s17  }
0xa9: {  	[tilespmem:s31], [sflag:$0x2] =	stream.indirect.gather [hbm4b:s1+s21], $0x80, s26, s21, $0xb8;
	[tilespmem:$0x1EC00] =	vst v63  }
0xaa: {  	s8 =	sadd.s32 $0xE0, s17  }
0xab: {  	[tilespmem:s0], [sflag:$0x2] =	stream.indirect.gather [hbm4b:s1+s21], $0x80, s8, s21, $0xb8;
	[tilespmem:$0x1EC00] =	vst v63  }
0xac: {  	_ =	swait.ge [sflag:s4], $0x4000  }
0xad: {  	[sflag:s4] =	ssyncset.done $0x0  }
0xae: {  	s15 =	sadd.s32 $0x1800, s17;
	[sflag:s4] =	ssyncadd.s32 $0xFFFFC000  }
0xaf: {  	[spmem:s2] =	stream.indirect.scatter.add.f32 [tilespmem:s22], [sflag:$0x3], $0x80, s15, s6, $0xb8;
	[tilespmem:$0x1EC00] =	vst v63  }
0xb0: {  	_ =	swait.ge [sflag:s19], $0x4000  }
0xb1: {  	[sflag:s19] =	ssyncset.done $0x0  }
0xb2: {  	s24 =	sadd.s32 $0x100, s17;
	[sflag:s19] =	ssyncadd.s32 $0xFFFFC000  }
0xb3: {  	[tilespmem:s22], [sflag:$0x1] =	stream.indirect.gather [hbm4b:s1+s21], $0x80, s24, s21, $0xb8;
	[tilespmem:$0x1EC00] =	vst v63  }
0xb4: {  	s26 =	sadd.s32 $0x120, s17  }
0xb5: {  	[tilespmem:s23], [sflag:$0x1] =	stream.indirect.gather [hbm4b:s1+s21], $0x80, s26, s21, $0xb8;
	[tilespmem:$0x1EC00] =	vst v63  }
0xb6: {  	s8 =	sadd.s32 $0x140, s17  }
0xb7: {  	[tilespmem:s25], [sflag:$0x1] =	stream.indirect.gather [hbm4b:s1+s21], $0x80, s8, s21, $0xb8;
	[tilespmem:$0x1EC00] =	vst v63  }
0xb8: {  	s15 =	sadd.s32 $0x160, s17  }
0xb9: {  	[tilespmem:s28], [sflag:$0x1] =	stream.indirect.gather [hbm4b:s1+s21], $0x80, s15, s21, $0xb8;
	[tilespmem:$0x1EC00] =	vst v63  }
0xba: {  	_ =	swait.ge [sflag:s9], $0x4000  }
0xbb: {  	[sflag:s9] =	ssyncset.done $0x0  }
0xbc: {  	s24 =	sadd.s32 $0x1880, s17;
	[sflag:s9] =	ssyncadd.s32 $0xFFFFC000  }
0xbd: {  	[spmem:s2] =	stream.indirect.scatter.add.f32 [tilespmem:s29], [sflag:$0x3], $0x80, s24, s6, $0xb8;
	[tilespmem:$0x1EC00] =	vst v63  }
0xbe: {  	_ =	swait.ge [sflag:s19], $0x4000  }
0xbf: {  	[sflag:s19] =	ssyncset.done $0x0  }
0xc0: {  	s8 =	simm.s32 $0x1380;
	[sflag:s19] =	ssyncadd.s32 $0xFFFFC000  }
0xc1: {  	[tilespmem:s29], [sflag:$0x2] =	stream.indirect.gather [hbm4b:s1+s21], $0x80, s8, s21, $0xb8;
	[tilespmem:$0x1EC00] =	vst v63  }
0xc2: {  	_ = 	snop  }
0xc3: {  	[tilespmem:s30], [sflag:$0x2] =	stream.indirect.gather [hbm4b:s1+s21], $0x80, s14, s21, $0xb8;
	[tilespmem:$0x1EC00] =	vst v63  }
0xc4: {  	_ = 	snop  }
0xc5: {  	[tilespmem:s31], [sflag:$0x2] =	stream.indirect.gather [hbm4b:s1+s21], $0x80, s16, s21, $0xb8;
	[tilespmem:$0x1EC00] =	vst v63  }
0xc6: {  	_ = 	snop  }
0xc7: {  	[tilespmem:s0], [sflag:$0x2] =	stream.indirect.gather [hbm4b:s1+s21], $0x80, s10, s21, $0xb8;
	[tilespmem:$0x1EC00] =	vst v63  }
0xc8: {  	_ =	swait.ge [sflag:s4], $0x4000  }
0xc9: {  	[sflag:s4] =	ssyncset.done $0x0  }
0xca: {  	[sflag:s4] =	ssyncadd.s32 $0xFFFFC000  }
0xcb: {  	[spmem:s2] =	stream.indirect.scatter.add.f32 [tilespmem:s22], [sflag:$0x3], $0x80, s20, s6, $0xb8;
	[tilespmem:$0x1EC00] =	vst v63  }
0xcc: {  	_ =	swait.ge [sflag:s19], $0x4000  }
0xcd: {  	[sflag:s19] =	ssyncset.done $0x0  }
0xce: {  	[sflag:s19] =	ssyncadd.s32 $0xFFFFC000  }
0xcf: {  	_ =	swait.ge [sflag:s9], $0x4000  }
0xd0: {  	[sflag:s9] =	ssyncset.done $0x0  }
0xd1: {  	[sflag:s9] =	ssyncadd.s32 $0xFFFFC000  }
0xd2: {  	[spmem:s2] =	stream.indirect.scatter.add.f32 [tilespmem:s29], [sflag:$0x3], $0x80, s11, s6, $0xb8;
	[tilespmem:$0x1EC00] =	vst v63  }
0xd3: {  	_ =	swait.ge [sflag:s19], $0x4000  }
0xd4: {  	[sflag:s19] =	ssyncset.done $0x0  }
0xd5: {  	s26 =	simm.s32 $0x0;
	s15 =	rddreg [dreg:$0x9];
	[sflag:s19] =	ssyncadd.s32 $0xFFFFC000  }
0xd6: {  	[tilespmem:s26], [sflag:$0x3] =	stream.linear.gather [hbm4b:s15+s26], $0x1400, $0x38;
	[tilespmem:$0x1EC00] =	vst v63  }
0xd7: {  	_ =	swait.ge [sflag:s19], $0x1400  }
0xd8: {  	[sflag:s19] =	ssyncset.done $0x0  }
0xd9: {  	s15 =	simm.s32 $0x1800;
	s17 =	rddreg [dreg:$0xa];
	[sflag:s19] =	ssyncadd.s32 $0xFFFFEC00  }
0xda: {  	[tilespmem:s15], [sflag:$0x3] =	stream.linear.gather [hbm4b:s17+s26], $0x1400, $0x38;
	[tilespmem:$0x1EC00] =	vst v63  }
0xdb: {  	_ =	swait.ge [sflag:s19], $0x1400  }
0xdc: {  	[sflag:s19] =	ssyncset.done $0x0  }
0xdd: {  	[sflag:s19] =	ssyncadd.s32 $0xFFFFEC00  }
0xde: {  	[tilespmem:s22], [sflag:$0x1] =	stream.indirect.gather [hbm4b:s1+s21], $0x80, s26, s21, $0xb8;
	[tilespmem:$0x1EC00] =	vst v63  }
0xdf: {  	_ = 	snop  }
0xe0: {  	[tilespmem:s23], [sflag:$0x1] =	stream.indirect.gather [hbm4b:s1+s21], $0x80, s21, s21, $0xb8;
	[tilespmem:$0x1EC00] =	vst v63  }
0xe1: {  	s24 =	simm.s32 $0x40  }
0xe2: {  	[tilespmem:s25], [sflag:$0x1] =	stream.indirect.gather [hbm4b:s1+s21], $0x80, s24, s21, $0xb8;
	[tilespmem:$0x1EC00] =	vst v63  }
0xe3: {  	s26 =	simm.s32 $0x60  }
0xe4: {  	[tilespmem:s28], [sflag:$0x1] =	stream.indirect.gather [hbm4b:s1+s21], $0x80, s26, s21, $0xb8;
	[tilespmem:$0x1EC00] =	vst v63  }
0xe5: {  	s8 =	simm.s32 $0x80  }
0xe6: {  	[tilespmem:s29], [sflag:$0x2] =	stream.indirect.gather [hbm4b:s1+s21], $0x80, s8, s21, $0xb8;
	[tilespmem:$0x1EC00] =	vst v63  }
0xe7: {  	s15 =	simm.s32 $0xA0  }
0xe8: {  	[tilespmem:s30], [sflag:$0x2] =	stream.indirect.gather [hbm4b:s1+s21], $0x80, s15, s21, $0xb8;
	[tilespmem:$0x1EC00] =	vst v63  }
0xe9: {  	s17 =	simm.s32 $0xC0  }
0xea: {  	[tilespmem:s31], [sflag:$0x2] =	stream.indirect.gather [hbm4b:s1+s21], $0x80, s17, s21, $0xb8;
	[tilespmem:$0x1EC00] =	vst v63  }
0xeb: {  	s24 =	simm.s32 $0xE0  }
0xec: {  	[tilespmem:s0], [sflag:$0x2] =	stream.indirect.gather [hbm4b:s1+s21], $0x80, s24, s21, $0xb8;
	[tilespmem:$0x1EC00] =	vst v63  }
0xed: {  	_ =	swait.ge [sflag:s4], $0x4000  }
0xee: {  	[sflag:s4] =	ssyncset.done $0x0  }
0xef: {  	s26 =	simm.s32 $0x1800;
	[sflag:s4] =	ssyncadd.s32 $0xFFFFC000  }
0xf0: {  	[spmem:s2] =	stream.indirect.scatter.add.f32 [tilespmem:s22], [sflag:$0x3], $0x80, s26, s6, $0xb8;
	[tilespmem:$0x1EC00] =	vst v63  }
0xf1: {  	_ =	swait.ge [sflag:s19], $0x4000  }
0xf2: {  	[sflag:s19] =	ssyncset.done $0x0  }
0xf3: {  	s8 =	simm.s32 $0x100;
	[sflag:s19] =	ssyncadd.s32 $0xFFFFC000  }
0xf4: {  	[tilespmem:s22], [sflag:$0x1] =	stream.indirect.gather [hbm4b:s1+s21], $0x80, s8, s21, $0xb8;
	[tilespmem:$0x1EC00] =	vst v63  }
0xf5: {  	s15 =	simm.s32 $0x120  }
0xf6: {  	[tilespmem:s23], [sflag:$0x1] =	stream.indirect.gather [hbm4b:s1+s21], $0x80, s15, s21, $0xb8;
	[tilespmem:$0x1EC00] =	vst v63  }
0xf7: {  	s17 =	simm.s32 $0x140  }
0xf8: {  	[tilespmem:s25], [sflag:$0x1] =	stream.indirect.gather [hbm4b:s1+s21], $0x80, s17, s21, $0xb8;
	[tilespmem:$0x1EC00] =	vst v63  }
0xf9: {  	s24 =	simm.s32 $0x160  }
0xfa: {  	[tilespmem:s28], [sflag:$0x1] =	stream.indirect.gather [hbm4b:s1+s21], $0x80, s24, s21, $0xb8;
	[tilespmem:$0x1EC00] =	vst v63  }
0xfb: {  	_ =	swait.ge [sflag:s9], $0x4000  }
0xfc: {  	[sflag:s9] =	ssyncset.done $0x0  }
0xfd: {  	s26 =	simm.s32 $0x1880;
	[sflag:s9] =	ssyncadd.s32 $0xFFFFC000  }
0xfe: {  	[spmem:s2] =	stream.indirect.scatter.add.f32 [tilespmem:s29], [sflag:$0x3], $0x80, s26, s6, $0xb8;
	[tilespmem:$0x1EC00] =	vst v63  }
0xff: {  	_ =	swait.ge [sflag:s19], $0x4000  }
0x100: {  	s13 =	simm.s32 $0x800;
	s17 =	simm.s32 $0x100;
	[sflag:s19] =	ssyncset.done $0x0  }
.LBB2_10:
0x101: {  	s15 =	sadd.s32 $0x80, s17  }
0x102: {  	[sflag:s19] =	ssyncadd.s32 $0xFFFFC000;
	s24 =	smov.u32 s13;
	s26 =	sadd.s32 $0x400, s13  }
0x103: {  	[tilespmem:s29], [sflag:$0x2] =	stream.indirect.gather [hbm4b:s1+s21], $0x80, s15, s21, $0xb8;
	[tilespmem:$0x1EC00] =	vst v63  }
0x104: {  	p1 =	sne.s32 s13, $0x4800;
	s13 =	sadd.s32 $0xA0, s17  }
0x105: {  	[tilespmem:s30], [sflag:$0x2] =	stream.indirect.gather [hbm4b:s1+s21], $0x80, s13, s21, $0xb8;
	[tilespmem:$0x1EC00] =	vst v63  }
0x106: {  	s13 =	sadd.s32 $0xC0, s17  }
0x107: {  	[tilespmem:s31], [sflag:$0x2] =	stream.indirect.gather [hbm4b:s1+s21], $0x80, s13, s21, $0xb8;
	[tilespmem:$0x1EC00] =	vst v63  }
0x108: {  	s13 =	sadd.s32 $0xE0, s17  }
0x109: {  	[tilespmem:s0], [sflag:$0x2] =	stream.indirect.gather [hbm4b:s1+s21], $0x80, s13, s21, $0xb8;
	[tilespmem:$0x1EC00] =	vst v63  }
0x10a: {  	_ =	swait.ge [sflag:s4], $0x4000  }
0x10b: {  	[sflag:s4] =	ssyncset.done $0x0  }
0x10c: {  	s13 =	sadd.s32 $0x1800, s17;
	[sflag:s4] =	ssyncadd.s32 $0xFFFFC000  }
0x10d: {  	[spmem:s2] =	stream.indirect.scatter.add.f32 [tilespmem:s22], [sflag:$0x3], $0x80, s13, s6, $0xb8;
	[tilespmem:$0x1EC00] =	vst v63  }
0x10e: {  	_ =	swait.ge [sflag:s19], $0x4000  }
0x10f: {  	[sflag:s19] =	ssyncset.done $0x0  }
0x110: {  	s13 =	sadd.s32 $0x100, s17;
	[sflag:s19] =	ssyncadd.s32 $0xFFFFC000  }
0x111: {  	[tilespmem:s22], [sflag:$0x1] =	stream.indirect.gather [hbm4b:s1+s21], $0x80, s13, s21, $0xb8;
	[tilespmem:$0x1EC00] =	vst v63  }
0x112: {  	s13 =	sadd.s32 $0x120, s17  }
0x113: {  	[tilespmem:s23], [sflag:$0x1] =	stream.indirect.gather [hbm4b:s1+s21], $0x80, s13, s21, $0xb8;
	[tilespmem:$0x1EC00] =	vst v63  }
0x114: {  	s13 =	sadd.s32 $0x140, s17  }
0x115: {  	[tilespmem:s25], [sflag:$0x1] =	stream.indirect.gather [hbm4b:s1+s21], $0x80, s13, s21, $0xb8;
	[tilespmem:$0x1EC00] =	vst v63  }
0x116: {  	s13 =	sadd.s32 $0x160, s17  }
0x117: {  	[tilespmem:s28], [sflag:$0x1] =	stream.indirect.gather [hbm4b:s1+s21], $0x80, s13, s21, $0xb8;
	[tilespmem:$0x1EC00] =	vst v63  }
0x118: {  	_ =	swait.ge [sflag:s9], $0x4000  }
.Ltmp4:
0x119: {  	[sflag:s9] =	ssyncset.done $0x0;
	(pc) =	sbr.rel @p1 .LBB2_10-.Ltmp4, $4  }
0x11a: {  	s13 =	sadd.s32 $0x1880, s17;
	[sflag:s9] =	ssyncadd.s32 $0xFFFFC000  }
0x11b: {  	[spmem:s2] =	stream.indirect.scatter.add.f32 [tilespmem:s29], [sflag:$0x3], $0x80, s13, s6, $0xb8;
	[tilespmem:$0x1EC00] =	vst v63  }
0x11c: {  	_ =	swait.ge [sflag:s19], $0x4000  }
0x11d: {  	s17 =	sshra.s32 s24, $0x2;
	s13 =	smov.u32 s26;
	[sflag:s19] =	ssyncset.done $0x0  }
.Ltmp5:
0x11e: {  	_ = 	snop;
	(pc) =	sbr.rel .LBB2_11-.Ltmp5, $1  }
0x11f: {  	_ =	sdelay $0x3  }
.LBB2_2:
0x120: {  	s8 =	rddreg [dreg:$0xd]  }
0x121: {  	s15 =	rddreg [dreg:$0x6];
	s17 =	sor.u32 $0x1C03, s8  }
0x122: {  	[spmem:s18], [sflag:s17] =	dma.local [hbm:s15], $0x2780  }
0x123: {  	_ =	swait.ge [sflag:s19], $0x2780  }
0x124: {  	[sflag:s19] =	ssyncset.done $0x0  }
0x125: {  	[sflag:s19] =	ssyncadd.s32 $0xFFFFD880  }
0x126: {  	[bflag:$0x0] =	sbarrier.arrive $0xFFFF  }
0x127: {  	s13 =	simm.s32 $0x0;
	s24 =	rddreg [dreg:$0x7]  }
0x128: {  	[tilespmem:s13], [sflag:$0x3] =	stream.linear.gather [hbm4b:s24+s13], $0x1400, $0x38;
	[tilespmem:$0x1EC00] =	vst v63  }
0x129: {  	_ =	swait.ge [sflag:s19], $0x1400  }
0x12a: {  	[sflag:s19] =	ssyncset.done $0x0  }
0x12b: {  	s15 =	simm.s32 $0x1800;
	s26 =	rddreg [dreg:$0x8];
	[sflag:s19] =	ssyncadd.s32 $0xFFFFEC00  }
0x12c: {  	[tilespmem:s15], [sflag:$0x3] =	stream.linear.gather [hbm4b:s26+s13], $0x1400, $0x38;
	[tilespmem:$0x1EC00] =	vst v63  }
0x12d: {  	_ =	swait.ge [sflag:s19], $0x1400  }
0x12e: {  	[sflag:s19] =	ssyncset.done $0x0  }
0x12f: {  	[sflag:s19] =	ssyncadd.s32 $0xFFFFEC00  }
0x130: {  	[tilespmem:s22], [sflag:$0x1] =	stream.indirect.gather [hbm4b:s5+s21], $0x80, s13, s21, $0xb8;
	[tilespmem:$0x1EC00] =	vst v63  }
0x131: {  	_ = 	snop  }
0x132: {  	[tilespmem:s23], [sflag:$0x1] =	stream.indirect.gather [hbm4b:s5+s21], $0x80, s21, s21, $0xb8;
	[tilespmem:$0x1EC00] =	vst v63  }
0x133: {  	s13 =	simm.s32 $0x40  }
0x134: {  	[tilespmem:s25], [sflag:$0x1] =	stream.indirect.gather [hbm4b:s5+s21], $0x80, s13, s21, $0xb8;
	[tilespmem:$0x1EC00] =	vst v63  }
0x135: {  	s15 =	simm.s32 $0x60  }
0x136: {  	[tilespmem:s28], [sflag:$0x1] =	stream.indirect.gather [hbm4b:s5+s21], $0x80, s15, s21, $0xb8;
	[tilespmem:$0x1EC00] =	vst v63  }
0x137: {  	s24 =	simm.s32 $0x80  }
0x138: {  	[tilespmem:s29], [sflag:$0x2] =	stream.indirect.gather [hbm4b:s5+s21], $0x80, s24, s21, $0xb8;
	[tilespmem:$0x1EC00] =	vst v63  }
0x139: {  	s26 =	simm.s32 $0xA0  }
0x13a: {  	[tilespmem:s30], [sflag:$0x2] =	stream.indirect.gather [hbm4b:s5+s21], $0x80, s26, s21, $0xb8;
	[tilespmem:$0x1EC00] =	vst v63  }
0x13b: {  	s8 =	simm.s32 $0xC0  }
0x13c: {  	[tilespmem:s31], [sflag:$0x2] =	stream.indirect.gather [hbm4b:s5+s21], $0x80, s8, s21, $0xb8;
	[tilespmem:$0x1EC00] =	vst v63  }
0x13d: {  	s15 =	simm.s32 $0xE0  }
0x13e: {  	[tilespmem:s0], [sflag:$0x2] =	stream.indirect.gather [hbm4b:s5+s21], $0x80, s15, s21, $0xb8;
	[tilespmem:$0x1EC00] =	vst v63  }
0x13f: {  	_ =	swait.ge [sflag:s4], $0x4000  }
0x140: {  	[sflag:s4] =	ssyncset.done $0x0  }
0x141: {  	s24 =	simm.s32 $0x1800;
	[sflag:s4] =	ssyncadd.s32 $0xFFFFC000  }
0x142: {  	[spmem:s2] =	stream.indirect.scatter.add.f32 [tilespmem:s22], [sflag:$0x3], $0x80, s24, s6, $0xb8;
	[tilespmem:$0x1EC00] =	vst v63  }
0x143: {  	_ =	swait.ge [sflag:s19], $0x4000  }
0x144: {  	[sflag:s19] =	ssyncset.done $0x0  }
0x145: {  	s26 =	simm.s32 $0x100;
	[sflag:s19] =	ssyncadd.s32 $0xFFFFC000  }
0x146: {  	[tilespmem:s22], [sflag:$0x1] =	stream.indirect.gather [hbm4b:s5+s21], $0x80, s26, s21, $0xb8;
	[tilespmem:$0x1EC00] =	vst v63  }
0x147: {  	s8 =	simm.s32 $0x120  }
0x148: {  	[tilespmem:s23], [sflag:$0x1] =	stream.indirect.gather [hbm4b:s5+s21], $0x80, s8, s21, $0xb8;
	[tilespmem:$0x1EC00] =	vst v63  }
0x149: {  	s15 =	simm.s32 $0x140  }
0x14a: {  	[tilespmem:s25], [sflag:$0x1] =	stream.indirect.gather [hbm4b:s5+s21], $0x80, s15, s21, $0xb8;
	[tilespmem:$0x1EC00] =	vst v63  }
0x14b: {  	s24 =	simm.s32 $0x160  }
0x14c: {  	[tilespmem:s28], [sflag:$0x1] =	stream.indirect.gather [hbm4b:s5+s21], $0x80, s24, s21, $0xb8;
	[tilespmem:$0x1EC00] =	vst v63  }
0x14d: {  	_ =	swait.ge [sflag:s9], $0x4000  }
0x14e: {  	[sflag:s9] =	ssyncset.done $0x0  }
0x14f: {  	s26 =	simm.s32 $0x1880;
	[sflag:s9] =	ssyncadd.s32 $0xFFFFC000  }
0x150: {  	[spmem:s2] =	stream.indirect.scatter.add.f32 [tilespmem:s29], [sflag:$0x3], $0x80, s26, s6, $0xb8;
	[tilespmem:$0x1EC00] =	vst v63  }
0x151: {  	_ =	swait.ge [sflag:s19], $0x4000  }
0x152: {  	s13 =	simm.s32 $0x100;
	s24 =	simm.s32 $0x800;
	[sflag:s19] =	ssyncset.done $0x0  }
.LBB2_3:
0x153: {  	s15 =	sadd.s32 $0x80, s13  }
0x154: {  	[sflag:s19] =	ssyncadd.s32 $0xFFFFC000;
	s26 =	smov.u32 s24;
	s8 =	sadd.s32 $0x400, s24  }
0x155: {  	[tilespmem:s29], [sflag:$0x2] =	stream.indirect.gather [hbm4b:s5+s21], $0x80, s15, s21, $0xb8;
	[tilespmem:$0x1EC00] =	vst v63  }
0x156: {  	p1 =	sne.s32 s24, $0x4800;
	s15 =	sadd.s32 $0xA0, s13  }
0x157: {  	[tilespmem:s30], [sflag:$0x2] =	stream.indirect.gather [hbm4b:s5+s21], $0x80, s15, s21, $0xb8;
	[tilespmem:$0x1EC00] =	vst v63  }
0x158: {  	s15 =	sadd.s32 $0xC0, s13  }
0x159: {  	[tilespmem:s31], [sflag:$0x2] =	stream.indirect.gather [hbm4b:s5+s21], $0x80, s15, s21, $0xb8;
	[tilespmem:$0x1EC00] =	vst v63  }
0x15a: {  	s15 =	sadd.s32 $0xE0, s13  }
0x15b: {  	[tilespmem:s0], [sflag:$0x2] =	stream.indirect.gather [hbm4b:s5+s21], $0x80, s15, s21, $0xb8;
	[tilespmem:$0x1EC00] =	vst v63  }
0x15c: {  	_ =	swait.ge [sflag:s4], $0x4000  }
0x15d: {  	[sflag:s4] =	ssyncset.done $0x0  }
0x15e: {  	s15 =	sadd.s32 $0x1800, s13;
	[sflag:s4] =	ssyncadd.s32 $0xFFFFC000  }
0x15f: {  	[spmem:s2] =	stream.indirect.scatter.add.f32 [tilespmem:s22], [sflag:$0x3], $0x80, s15, s6, $0xb8;
	[tilespmem:$0x1EC00] =	vst v63  }
0x160: {  	_ =	swait.ge [sflag:s19], $0x4000  }
0x161: {  	[sflag:s19] =	ssyncset.done $0x0  }
0x162: {  	s15 =	sadd.s32 $0x100, s13;
	[sflag:s19] =	ssyncadd.s32 $0xFFFFC000  }
0x163: {  	[tilespmem:s22], [sflag:$0x1] =	stream.indirect.gather [hbm4b:s5+s21], $0x80, s15, s21, $0xb8;
	[tilespmem:$0x1EC00] =	vst v63  }
0x164: {  	s15 =	sadd.s32 $0x120, s13  }
0x165: {  	[tilespmem:s23], [sflag:$0x1] =	stream.indirect.gather [hbm4b:s5+s21], $0x80, s15, s21, $0xb8;
	[tilespmem:$0x1EC00] =	vst v63  }
0x166: {  	s15 =	sadd.s32 $0x140, s13  }
0x167: {  	[tilespmem:s25], [sflag:$0x1] =	stream.indirect.gather [hbm4b:s5+s21], $0x80, s15, s21, $0xb8;
	[tilespmem:$0x1EC00] =	vst v63  }
0x168: {  	s15 =	sadd.s32 $0x160, s13  }
0x169: {  	[tilespmem:s28], [sflag:$0x1] =	stream.indirect.gather [hbm4b:s5+s21], $0x80, s15, s21, $0xb8;
	[tilespmem:$0x1EC00] =	vst v63  }
0x16a: {  	_ =	swait.ge [sflag:s9], $0x4000  }
.Ltmp6:
0x16b: {  	[sflag:s9] =	ssyncset.done $0x0;
	(pc) =	sbr.rel @p1 .LBB2_3-.Ltmp6, $4  }
0x16c: {  	s13 =	sadd.s32 $0x1880, s13;
	[sflag:s9] =	ssyncadd.s32 $0xFFFFC000  }
0x16d: {  	[spmem:s2] =	stream.indirect.scatter.add.f32 [tilespmem:s29], [sflag:$0x3], $0x80, s13, s6, $0xb8;
	[tilespmem:$0x1EC00] =	vst v63  }
0x16e: {  	_ =	swait.ge [sflag:s19], $0x4000  }
0x16f: {  	s24 =	smov.u32 s8;
	s13 =	sshra.s32 s26, $0x2;
	[sflag:s19] =	ssyncset.done $0x0  }
0x170: {  	s8 =	sadd.s32 $0x80, s13;
	[sflag:s19] =	ssyncadd.s32 $0xFFFFC000  }
0x171: {  	[tilespmem:s29], [sflag:$0x2] =	stream.indirect.gather [hbm4b:s5+s21], $0x80, s8, s21, $0xb8;
	[tilespmem:$0x1EC00] =	vst v63  }
0x172: {  	s24 =	sadd.s32 $0xA0, s13  }
0x173: {  	[tilespmem:s30], [sflag:$0x2] =	stream.indirect.gather [hbm4b:s5+s21], $0x80, s24, s21, $0xb8;
	[tilespmem:$0x1EC00] =	vst v63  }
0x174: {  	s26 =	sadd.s32 $0xC0, s13  }
0x175: {  	[tilespmem:s31], [sflag:$0x2] =	stream.indirect.gather [hbm4b:s5+s21], $0x80, s26, s21, $0xb8;
	[tilespmem:$0x1EC00] =	vst v63  }
0x176: {  	s15 =	sadd.s32 $0xE0, s13  }
0x177: {  	[tilespmem:s0], [sflag:$0x2] =	stream.indirect.gather [hbm4b:s5+s21], $0x80, s15, s21, $0xb8;
	[tilespmem:$0x1EC00] =	vst v63  }
0x178: {  	_ =	swait.ge [sflag:s4], $0x4000  }
0x179: {  	[sflag:s4] =	ssyncset.done $0x0  }
0x17a: {  	s24 =	sadd.s32 $0x1800, s13;
	[sflag:s4] =	ssyncadd.s32 $0xFFFFC000  }
0x17b: {  	[spmem:s2] =	stream.indirect.scatter.add.f32 [tilespmem:s22], [sflag:$0x3], $0x80, s24, s6, $0xb8;
	[tilespmem:$0x1EC00] =	vst v63  }
0x17c: {  	_ =	swait.ge [sflag:s19], $0x4000  }
0x17d: {  	[sflag:s19] =	ssyncset.done $0x0  }
0x17e: {  	s26 =	sadd.s32 $0x100, s13;
	[sflag:s19] =	ssyncadd.s32 $0xFFFFC000  }
0x17f: {  	[tilespmem:s22], [sflag:$0x1] =	stream.indirect.gather [hbm4b:s5+s21], $0x80, s26, s21, $0xb8;
	[tilespmem:$0x1EC00] =	vst v63  }
0x180: {  	s15 =	sadd.s32 $0x120, s13  }
0x181: {  	[tilespmem:s23], [sflag:$0x1] =	stream.indirect.gather [hbm4b:s5+s21], $0x80, s15, s21, $0xb8;
	[tilespmem:$0x1EC00] =	vst v63  }
0x182: {  	s24 =	sadd.s32 $0x140, s13  }
0x183: {  	[tilespmem:s25], [sflag:$0x1] =	stream.indirect.gather [hbm4b:s5+s21], $0x80, s24, s21, $0xb8;
	[tilespmem:$0x1EC00] =	vst v63  }
0x184: {  	s26 =	sadd.s32 $0x160, s13  }
0x185: {  	[tilespmem:s28], [sflag:$0x1] =	stream.indirect.gather [hbm4b:s5+s21], $0x80, s26, s21, $0xb8;
	[tilespmem:$0x1EC00] =	vst v63  }
0x186: {  	_ =	swait.ge [sflag:s9], $0x4000  }
0x187: {  	[sflag:s9] =	ssyncset.done $0x0  }
0x188: {  	s13 =	sadd.s32 $0x1880, s13;
	[sflag:s9] =	ssyncadd.s32 $0xFFFFC000  }
0x189: {  	[spmem:s2] =	stream.indirect.scatter.add.f32 [tilespmem:s29], [sflag:$0x3], $0x80, s13, s6, $0xb8;
	[tilespmem:$0x1EC00] =	vst v63  }
0x18a: {  	_ =	swait.ge [sflag:s19], $0x4000  }
0x18b: {  	[sflag:s19] =	ssyncset.done $0x0  }
0x18c: {  	s15 =	simm.s32 $0x1380;
	[sflag:s19] =	ssyncadd.s32 $0xFFFFC000  }
0x18d: {  	[tilespmem:s29], [sflag:$0x2] =	stream.indirect.gather [hbm4b:s5+s21], $0x80, s15, s21, $0xb8;
	[tilespmem:$0x1EC00] =	vst v63  }
0x18e: {  	_ = 	snop  }
0x18f: {  	[tilespmem:s30], [sflag:$0x2] =	stream.indirect.gather [hbm4b:s5+s21], $0x80, s14, s21, $0xb8;
	[tilespmem:$0x1EC00] =	vst v63  }
0x190: {  	_ = 	snop  }
0x191: {  	[tilespmem:s31], [sflag:$0x2] =	stream.indirect.gather [hbm4b:s5+s21], $0x80, s16, s21, $0xb8;
	[tilespmem:$0x1EC00] =	vst v63  }
0x192: {  	_ = 	snop  }
0x193: {  	[tilespmem:s0], [sflag:$0x2] =	stream.indirect.gather [hbm4b:s5+s21], $0x80, s10, s21, $0xb8;
	[tilespmem:$0x1EC00] =	vst v63  }
0x194: {  	_ =	swait.ge [sflag:s4], $0x4000  }
0x195: {  	[sflag:s4] =	ssyncset.done $0x0  }
0x196: {  	[sflag:s4] =	ssyncadd.s32 $0xFFFFC000  }
0x197: {  	[spmem:s2] =	stream.indirect.scatter.add.f32 [tilespmem:s22], [sflag:$0x3], $0x80, s20, s6, $0xb8;
	[tilespmem:$0x1EC00] =	vst v63  }
0x198: {  	_ =	swait.ge [sflag:s19], $0x4000  }
0x199: {  	[sflag:s19] =	ssyncset.done $0x0  }
0x19a: {  	[sflag:s19] =	ssyncadd.s32 $0xFFFFC000  }
0x19b: {  	_ =	swait.ge [sflag:s9], $0x4000  }
0x19c: {  	[sflag:s9] =	ssyncset.done $0x0  }
0x19d: {  	[sflag:s9] =	ssyncadd.s32 $0xFFFFC000  }
0x19e: {  	[spmem:s2] =	stream.indirect.scatter.add.f32 [tilespmem:s29], [sflag:$0x3], $0x80, s11, s6, $0xb8;
	[tilespmem:$0x1EC00] =	vst v63  }
0x19f: {  	_ =	swait.ge [sflag:s19], $0x4000  }
0x1a0: {  	[sflag:s19] =	ssyncset.done $0x0  }
0x1a1: {  	s8 =	simm.s32 $0x0;
	s24 =	rddreg [dreg:$0x9];
	[sflag:s19] =	ssyncadd.s32 $0xFFFFC000  }
0x1a2: {  	[tilespmem:s8], [sflag:$0x3] =	stream.linear.gather [hbm4b:s24+s8], $0x1400, $0x38;
	[tilespmem:$0x1EC00] =	vst v63  }
0x1a3: {  	_ =	swait.ge [sflag:s19], $0x1400  }
0x1a4: {  	[sflag:s19] =	ssyncset.done $0x0  }
0x1a5: {  	s15 =	simm.s32 $0x1800;
	s26 =	rddreg [dreg:$0xa];
	[sflag:s19] =	ssyncadd.s32 $0xFFFFEC00  }
0x1a6: {  	[tilespmem:s15], [sflag:$0x3] =	stream.linear.gather [hbm4b:s26+s8], $0x1400, $0x38;
	[tilespmem:$0x1EC00] =	vst v63  }
0x1a7: {  	_ =	swait.ge [sflag:s19], $0x1400  }
0x1a8: {  	[sflag:s19] =	ssyncset.done $0x0  }
0x1a9: {  	[sflag:s19] =	ssyncadd.s32 $0xFFFFEC00  }
0x1aa: {  	[tilespmem:s22], [sflag:$0x1] =	stream.indirect.gather [hbm4b:s5+s21], $0x80, s8, s21, $0xb8;
	[tilespmem:$0x1EC00] =	vst v63  }
0x1ab: {  	_ = 	snop  }
0x1ac: {  	[tilespmem:s23], [sflag:$0x1] =	stream.indirect.gather [hbm4b:s5+s21], $0x80, s21, s21, $0xb8;
	[tilespmem:$0x1EC00] =	vst v63  }
0x1ad: {  	s13 =	simm.s32 $0x40  }
0x1ae: {  	[tilespmem:s25], [sflag:$0x1] =	stream.indirect.gather [hbm4b:s5+s21], $0x80, s13, s21, $0xb8;
	[tilespmem:$0x1EC00] =	vst v63  }
0x1af: {  	s15 =	simm.s32 $0x60  }
0x1b0: {  	[tilespmem:s28], [sflag:$0x1] =	stream.indirect.gather [hbm4b:s5+s21], $0x80, s15, s21, $0xb8;
	[tilespmem:$0x1EC00] =	vst v63  }
0x1b1: {  	s24 =	simm.s32 $0x80  }
0x1b2: {  	[tilespmem:s29], [sflag:$0x2] =	stream.indirect.gather [hbm4b:s5+s21], $0x80, s24, s21, $0xb8;
	[tilespmem:$0x1EC00] =	vst v63  }
0x1b3: {  	s26 =	simm.s32 $0xA0  }
0x1b4: {  	[tilespmem:s30], [sflag:$0x2] =	stream.indirect.gather [hbm4b:s5+s21], $0x80, s26, s21, $0xb8;
	[tilespmem:$0x1EC00] =	vst v63  }
0x1b5: {  	s13 =	simm.s32 $0xC0  }
0x1b6: {  	[tilespmem:s31], [sflag:$0x2] =	stream.indirect.gather [hbm4b:s5+s21], $0x80, s13, s21, $0xb8;
	[tilespmem:$0x1EC00] =	vst v63  }
0x1b7: {  	s15 =	simm.s32 $0xE0  }
0x1b8: {  	[tilespmem:s0], [sflag:$0x2] =	stream.indirect.gather [hbm4b:s5+s21], $0x80, s15, s21, $0xb8;
	[tilespmem:$0x1EC00] =	vst v63  }
0x1b9: {  	_ =	swait.ge [sflag:s4], $0x4000  }
0x1ba: {  	[sflag:s4] =	ssyncset.done $0x0  }
0x1bb: {  	s24 =	simm.s32 $0x1800;
	[sflag:s4] =	ssyncadd.s32 $0xFFFFC000  }
0x1bc: {  	[spmem:s2] =	stream.indirect.scatter.add.f32 [tilespmem:s22], [sflag:$0x3], $0x80, s24, s6, $0xb8;
	[tilespmem:$0x1EC00] =	vst v63  }
0x1bd: {  	_ =	swait.ge [sflag:s19], $0x4000  }
0x1be: {  	[sflag:s19] =	ssyncset.done $0x0  }
0x1bf: {  	s26 =	simm.s32 $0x100;
	[sflag:s19] =	ssyncadd.s32 $0xFFFFC000  }
0x1c0: {  	[tilespmem:s22], [sflag:$0x1] =	stream.indirect.gather [hbm4b:s5+s21], $0x80, s26, s21, $0xb8;
	[tilespmem:$0x1EC00] =	vst v63  }
0x1c1: {  	s13 =	simm.s32 $0x120  }
0x1c2: {  	[tilespmem:s23], [sflag:$0x1] =	stream.indirect.gather [hbm4b:s5+s21], $0x80, s13, s21, $0xb8;
	[tilespmem:$0x1EC00] =	vst v63  }
0x1c3: {  	s15 =	simm.s32 $0x140  }
0x1c4: {  	[tilespmem:s25], [sflag:$0x1] =	stream.indirect.gather [hbm4b:s5+s21], $0x80, s15, s21, $0xb8;
	[tilespmem:$0x1EC00] =	vst v63  }
0x1c5: {  	s24 =	simm.s32 $0x160  }
0x1c6: {  	[tilespmem:s28], [sflag:$0x1] =	stream.indirect.gather [hbm4b:s5+s21], $0x80, s24, s21, $0xb8;
	[tilespmem:$0x1EC00] =	vst v63  }
0x1c7: {  	_ =	swait.ge [sflag:s9], $0x4000  }
0x1c8: {  	[sflag:s9] =	ssyncset.done $0x0  }
0x1c9: {  	s26 =	simm.s32 $0x1880;
	[sflag:s9] =	ssyncadd.s32 $0xFFFFC000  }
0x1ca: {  	[spmem:s2] =	stream.indirect.scatter.add.f32 [tilespmem:s29], [sflag:$0x3], $0x80, s26, s6, $0xb8;
	[tilespmem:$0x1EC00] =	vst v63  }
0x1cb: {  	_ =	swait.ge [sflag:s19], $0x4000  }
0x1cc: {  	s13 =	simm.s32 $0x100;
	s24 =	simm.s32 $0x800;
	[sflag:s19] =	ssyncset.done $0x0  }
.LBB2_5:
0x1cd: {  	s8 =	sadd.s32 $0x80, s13  }
0x1ce: {  	[sflag:s19] =	ssyncadd.s32 $0xFFFFC000;
	s15 =	smov.u32 s24;
	s26 =	sadd.s32 $0x400, s24  }
0x1cf: {  	[tilespmem:s29], [sflag:$0x2] =	stream.indirect.gather [hbm4b:s5+s21], $0x80, s8, s21, $0xb8;
	[tilespmem:$0x1EC00] =	vst v63  }
0x1d0: {  	p1 =	sne.s32 s24, $0x4800;
	s8 =	sadd.s32 $0xA0, s13  }
0x1d1: {  	[tilespmem:s30], [sflag:$0x2] =	stream.indirect.gather [hbm4b:s5+s21], $0x80, s8, s21, $0xb8;
	[tilespmem:$0x1EC00] =	vst v63  }
0x1d2: {  	s8 =	sadd.s32 $0xC0, s13  }
0x1d3: {  	[tilespmem:s31], [sflag:$0x2] =	stream.indirect.gather [hbm4b:s5+s21], $0x80, s8, s21, $0xb8;
	[tilespmem:$0x1EC00] =	vst v63  }
0x1d4: {  	s8 =	sadd.s32 $0xE0, s13  }
0x1d5: {  	[tilespmem:s0], [sflag:$0x2] =	stream.indirect.gather [hbm4b:s5+s21], $0x80, s8, s21, $0xb8;
	[tilespmem:$0x1EC00] =	vst v63  }
0x1d6: {  	_ =	swait.ge [sflag:s4], $0x4000  }
0x1d7: {  	[sflag:s4] =	ssyncset.done $0x0  }
0x1d8: {  	s8 =	sadd.s32 $0x1800, s13;
	[sflag:s4] =	ssyncadd.s32 $0xFFFFC000  }
0x1d9: {  	[spmem:s2] =	stream.indirect.scatter.add.f32 [tilespmem:s22], [sflag:$0x3], $0x80, s8, s6, $0xb8;
	[tilespmem:$0x1EC00] =	vst v63  }
0x1da: {  	_ =	swait.ge [sflag:s19], $0x4000  }
0x1db: {  	[sflag:s19] =	ssyncset.done $0x0  }
0x1dc: {  	s8 =	sadd.s32 $0x100, s13;
	[sflag:s19] =	ssyncadd.s32 $0xFFFFC000  }
0x1dd: {  	[tilespmem:s22], [sflag:$0x1] =	stream.indirect.gather [hbm4b:s5+s21], $0x80, s8, s21, $0xb8;
	[tilespmem:$0x1EC00] =	vst v63  }
0x1de: {  	s8 =	sadd.s32 $0x120, s13  }
0x1df: {  	[tilespmem:s23], [sflag:$0x1] =	stream.indirect.gather [hbm4b:s5+s21], $0x80, s8, s21, $0xb8;
	[tilespmem:$0x1EC00] =	vst v63  }
0x1e0: {  	s8 =	sadd.s32 $0x140, s13  }
0x1e1: {  	[tilespmem:s25], [sflag:$0x1] =	stream.indirect.gather [hbm4b:s5+s21], $0x80, s8, s21, $0xb8;
	[tilespmem:$0x1EC00] =	vst v63  }
0x1e2: {  	s8 =	sadd.s32 $0x160, s13  }
0x1e3: {  	[tilespmem:s28], [sflag:$0x1] =	stream.indirect.gather [hbm4b:s5+s21], $0x80, s8, s21, $0xb8;
	[tilespmem:$0x1EC00] =	vst v63  }
0x1e4: {  	_ =	swait.ge [sflag:s9], $0x4000  }
.Ltmp7:
0x1e5: {  	[sflag:s9] =	ssyncset.done $0x0;
	(pc) =	sbr.rel @p1 .LBB2_5-.Ltmp7, $4  }
0x1e6: {  	s8 =	sadd.s32 $0x1880, s13;
	[sflag:s9] =	ssyncadd.s32 $0xFFFFC000  }
0x1e7: {  	[spmem:s2] =	stream.indirect.scatter.add.f32 [tilespmem:s29], [sflag:$0x3], $0x80, s8, s6, $0xb8;
	[tilespmem:$0x1EC00] =	vst v63  }
0x1e8: {  	_ =	swait.ge [sflag:s19], $0x4000  }
0x1e9: {  	s24 =	smov.u32 s26;
	s13 =	sshra.s32 s15, $0x2;
	[sflag:s19] =	ssyncset.done $0x0  }
0x1ea: {  	s8 =	sadd.s32 $0x80, s13;
	[sflag:s19] =	ssyncadd.s32 $0xFFFFC000  }
0x1eb: {  	[tilespmem:s29], [sflag:$0x2] =	stream.indirect.gather [hbm4b:s5+s21], $0x80, s8, s21, $0xb8;
	[tilespmem:$0x1EC00] =	vst v63  }
0x1ec: {  	s26 =	sadd.s32 $0xA0, s13  }
0x1ed: {  	[tilespmem:s30], [sflag:$0x2] =	stream.indirect.gather [hbm4b:s5+s21], $0x80, s26, s21, $0xb8;
	[tilespmem:$0x1EC00] =	vst v63  }
0x1ee: {  	s15 =	sadd.s32 $0xC0, s13  }
0x1ef: {  	[tilespmem:s31], [sflag:$0x2] =	stream.indirect.gather [hbm4b:s5+s21], $0x80, s15, s21, $0xb8;
	[tilespmem:$0x1EC00] =	vst v63  }
0x1f0: {  	s24 =	sadd.s32 $0xE0, s13  }
0x1f1: {  	[tilespmem:s0], [sflag:$0x2] =	stream.indirect.gather [hbm4b:s5+s21], $0x80, s24, s21, $0xb8;
	[tilespmem:$0x1EC00] =	vst v63  }
0x1f2: {  	_ =	swait.ge [sflag:s4], $0x4000  }
0x1f3: {  	[sflag:s4] =	ssyncset.done $0x0  }
0x1f4: {  	s26 =	sadd.s32 $0x1800, s13;
	[sflag:s4] =	ssyncadd.s32 $0xFFFFC000  }
0x1f5: {  	[spmem:s2] =	stream.indirect.scatter.add.f32 [tilespmem:s22], [sflag:$0x3], $0x80, s26, s6, $0xb8;
	[tilespmem:$0x1EC00] =	vst v63  }
0x1f6: {  	_ =	swait.ge [sflag:s19], $0x4000  }
0x1f7: {  	[sflag:s19] =	ssyncset.done $0x0  }
0x1f8: {  	s15 =	sadd.s32 $0x100, s13;
	[sflag:s19] =	ssyncadd.s32 $0xFFFFC000  }
0x1f9: {  	[tilespmem:s22], [sflag:$0x1] =	stream.indirect.gather [hbm4b:s5+s21], $0x80, s15, s21, $0xb8;
	[tilespmem:$0x1EC00] =	vst v63  }
0x1fa: {  	s24 =	sadd.s32 $0x120, s13  }
0x1fb: {  	[tilespmem:s23], [sflag:$0x1] =	stream.indirect.gather [hbm4b:s5+s21], $0x80, s24, s21, $0xb8;
	[tilespmem:$0x1EC00] =	vst v63  }
0x1fc: {  	s26 =	sadd.s32 $0x140, s13  }
0x1fd: {  	[tilespmem:s25], [sflag:$0x1] =	stream.indirect.gather [hbm4b:s5+s21], $0x80, s26, s21, $0xb8;
	[tilespmem:$0x1EC00] =	vst v63  }
0x1fe: {  	s15 =	sadd.s32 $0x160, s13  }
0x1ff: {  	[tilespmem:s28], [sflag:$0x1] =	stream.indirect.gather [hbm4b:s5+s21], $0x80, s15, s21, $0xb8;
	[tilespmem:$0x1EC00] =	vst v63  }
0x200: {  	_ =	swait.ge [sflag:s9], $0x4000  }
0x201: {  	[sflag:s9] =	ssyncset.done $0x0  }
0x202: {  	s24 =	sadd.s32 $0x1880, s13;
	[sflag:s9] =	ssyncadd.s32 $0xFFFFC000  }
0x203: {  	[spmem:s2] =	stream.indirect.scatter.add.f32 [tilespmem:s29], [sflag:$0x3], $0x80, s24, s6, $0xb8;
	[tilespmem:$0x1EC00] =	vst v63  }
0x204: {  	_ =	swait.ge [sflag:s19], $0x4000  }
0x205: {  	[sflag:s19] =	ssyncset.done $0x0  }
0x206: {  	s26 =	simm.s32 $0x1380;
	[sflag:s19] =	ssyncadd.s32 $0xFFFFC000  }
0x207: {  	[tilespmem:s29], [sflag:$0x2] =	stream.indirect.gather [hbm4b:s5+s21], $0x80, s26, s21, $0xb8;
	[tilespmem:$0x1EC00] =	vst v63  }
0x208: {  	_ = 	snop  }
0x209: {  	[tilespmem:s30], [sflag:$0x2] =	stream.indirect.gather [hbm4b:s5+s21], $0x80, s14, s21, $0xb8;
	[tilespmem:$0x1EC00] =	vst v63  }
.Ltmp8:
0x20a: {  	_ = 	snop;
	(pc) =	sbr.rel .LBB2_12-.Ltmp8, $4  }
0x20b: {  	_ = 	snop  }
0x20c: {  	[tilespmem:s31], [sflag:$0x2] =	stream.indirect.gather [hbm4b:s5+s21], $0x80, s16, s21, $0xb8;
	[tilespmem:$0x1EC00] =	vst v63  }
0x20d: {  	s13 =	rddreg [dreg:$0x5]  }
0x20e: {  	[tilespmem:s0], [sflag:$0x2] =	stream.indirect.gather [hbm4b:s5+s21], $0x80, s10, s21, $0xb8;
	[tilespmem:$0x1EC00] =	vst v63  }
.LBB2_13:
0x20f: {  	_ =	sfence.sel $0x180000  }
0x210: {  	[bflag:$0x0] =	sbarrier.arrive $0xFFFF  }
0x211: {  	_ =	strace $0x9000004A  }
0x212: {  	s0 =	stileid.u32;
	[bflag:$0x2] =	sbarrier.arrive $0xFFFF  }
0x213: {  	p0 =	sne.s32 s0, $0x0;
	s0 =	rddreg [dreg:$0x3]  }
0x214: {  	s0 =	sadd.s32 @!p0 $0x100000, s0  }
0x215: {  	[sflag:s0] =	ssyncadd.tile.s32 @!p0 $0x1;
	_ =	shalt  }
.Lfunc_end2:
_tile_overlayer_lowered:
.L_overlay_start_2:
0x216: {  	(tag) =	ssettag $0x2  }
0x217: {  	s0 =	rddreg [dreg:$0x0];
	s2 =	stileid.u32  }
0x218: {  	s1 =	rddreg [dreg:$0x1];
	p0 =	sne.s32 s2, $0x0  }
0x219: {  	s3 =	rddreg [dreg:$0x2];
	[bflag:$0x3] =	sbarrier.arrive $0xFFFF;
	s2 =	simm.s32 @!p0 $0x1C03  }
0x21a: {  	[timem:s3], [sflag:s2] =	dma.local @!p0 [hbm:s0], s1  }
0x21b: {  	s0 =	simm.s32 @!p0 $0x3  }
0x21c: {  	_ =	swait.ge @!p0 [sflag:s0], s1  }
0x21d: {  	s1 =	ssub.s32 @!p0 $0x0, s1;
	[sflag:s0] =	ssyncset.done @!p0 $0x0  }
0x21e: {  	[sflag:s0] =	ssyncadd.s32 @!p0 s1  }
0x21f: {  	[bflag:$0x3] =	sbarrier.arrive $0xFFFF  }
0x220: {  	_ =	shalt  }

</sc_bundles>
